<compile_context>
chip_gen: v7x
topology: tpu7x:2x2x1
jax: 0.10.2.dev20260603
libtpu: 0.0.44.dev20260713+nightly
codegen_flags: <defaults>
</compile_context>

<pallas_src>
import jax
import jax.numpy as jnp
from jax import lax
from jax.experimental import pallas as pl
from jax.experimental.pallas import tpu as pltpu
from jax.experimental.pallas import tpu_sc as plsc

D_MODEL = 64
DPAD = 128
SEQ_LEN = 200
BATCH = 4096
NUM_WORKERS = 32
BW = BATCH // NUM_WORKERS


def _make_encoding(seq_len: int) -> jax.Array:
    pos = jnp.arange(seq_len, dtype=jnp.float32)[:, None]
    _2i = jnp.arange(0, D_MODEL, 2, dtype=jnp.float32)
    enc = jnp.zeros((seq_len, D_MODEL), dtype=jnp.float32)
    enc = enc.at[:, 0::2].set(jnp.sin(pos / (10000.0 ** (_2i / D_MODEL))))
    enc = enc.at[:, 1::2].set(jnp.cos(pos / (10000.0 ** (_2i / D_MODEL))))
    return enc


def _emb_body(table_hbm, xt_hbm, enc_hbm, out_hbm,
              idx_v, enc_v, rin0, rin1, rtr0, rtr1,
              sg0, sg1, so0, so1):
    wid = lax.axis_index("s") * 2 + lax.axis_index("c")
    b0 = wid * BW
    rin = (rin0, rin1)
    rtr = (rtr0, rtr1)
    sg = (sg0, sg1)
    so = (so0, so1)

    def gather_start(s, b):
        pltpu.make_async_copy(
            table_hbm.at[idx_v.at[s]], rin[b], sg[b]).start()

    def gather_wait(b):
        pltpu.make_async_copy(
            table_hbm.at[idx_v.at[0]], rin[b], sg[b]).wait()

    def store_start(s, b):
        pltpu.make_async_copy(
            rtr[b], out_hbm.at[pl.ds(s, 1), :, pl.ds(b0, BW)], so[b]
        ).start()

    def store_wait(b):
        pltpu.make_async_copy(
            rtr[b], out_hbm.at[pl.ds(0, 1), :, pl.ds(b0, BW)], so[b]
        ).wait()

    iota16 = lax.broadcasted_iota(jnp.int32, (16,), 0)
    rot = [lax.bitwise_and(iota16 + g, jnp.int32(15)) for g in range(16)]
    n_blk = (D_MODEL // 16) * (BW // 16)

    def transpose_add(s, b):
        src = rin[b]
        dst = rtr[b].at[0]
        s16 = jnp.full((16,), s, jnp.int32)

        @plsc.parallel_loop(0, n_blk, 1, unroll=4)
        def _(blk):
            d0 = lax.shift_left(lax.shift_right_logical(blk, 3), 4)
            bb = lax.shift_left(lax.bitwise_and(blk, jnp.int32(7)), 4)
            bvec = iota16 + bb
            for g in range(16):
                dvec = rot[g] + d0
                e = plsc.load_gather(enc_v, [s16, dvec])
                v = plsc.load_gather(src, [bvec, dvec])
                plsc.store_scatter(dst, [dvec, bvec], v + e)

    pltpu.sync_copy(xt_hbm.at[:, pl.ds(b0, BW)], idx_v)
    pltpu.sync_copy(enc_hbm, enc_v)
    gather_start(0, 0)

    def pair_step(g, carry):
        for b in range(2):
            o = 1 - b
            s = 2 * g + b
            if b == 0:
                gather_start(s + 1, o)
            else:
                @pl.when(g < SEQ_LEN // 2 - 1)
                def _():
                    gather_start(s + 1, o)
            gather_wait(b)

            @pl.when(g >= 1)
            def _():
                store_wait(b)

            transpose_add(s, b)
            store_start(s, b)
        return carry

    lax.fori_loop(0, SEQ_LEN // 2, pair_step, 0)
    store_wait(0)
    store_wait(1)


@jax.jit
def kernel(x, table):
    seq_len = x.shape[1]
    enc = jnp.pad(_make_encoding(seq_len), ((0, 0), (0, DPAD - D_MODEL)))
    table_p = jnp.pad(table, ((0, 0), (0, DPAD - D_MODEL)))
    xt = x.T

    mesh = plsc.VectorSubcoreMesh(core_axis_name="c", subcore_axis_name="s")
    run = pl.kernel(
        _emb_body,
        out_type=jax.ShapeDtypeStruct((SEQ_LEN, D_MODEL, BATCH), jnp.float32),
        mesh=mesh,
        scratch_types=[
            pltpu.VMEM((SEQ_LEN, BW), jnp.int32),
            pltpu.VMEM((SEQ_LEN, DPAD), jnp.float32),
            pltpu.VMEM((BW, DPAD), jnp.float32),
            pltpu.VMEM((BW, DPAD), jnp.float32),
            pltpu.VMEM((1, D_MODEL, BW), jnp.float32),
            pltpu.VMEM((1, D_MODEL, BW), jnp.float32),
            pltpu.SemaphoreType.DMA,
            pltpu.SemaphoreType.DMA,
            pltpu.SemaphoreType.DMA,
            pltpu.SemaphoreType.DMA,
        ],
        compiler_params=pltpu.CompilerParams(
            use_tc_tiling_on_sc=True, needs_layout_passes=False),
    )
    out = run(table_p, xt, enc)
    return out.transpose(2, 0, 1)

# --- scband reference (transcript-rebuilt; emitter-appended) ---
"""Pipeline reference for scband-transformer-embedding-torch-25271587569873 (READ-ONLY COPY).

The authoritative reference and input builder live on the scoring server;
editing this copy changes nothing except your own understanding.
"""

import jax, jax.numpy as jnp
import numpy as np

D_VOCAB = 100000
D_MODEL = 64
MAX_LEN = 512
BATCH = 4096
SEQ_LEN = 200


def make_encoding():
    pos = jnp.arange(MAX_LEN, dtype=jnp.float32)[:, None]
    _2i = jnp.arange(0, D_MODEL, 2, dtype=jnp.float32)
    enc = jnp.zeros((MAX_LEN, D_MODEL), dtype=jnp.float32)
    enc = enc.at[:, 0::2].set(jnp.sin(pos / (10000.0 ** (_2i / D_MODEL))))
    enc = enc.at[:, 1::2].set(jnp.cos(pos / (10000.0 ** (_2i / D_MODEL))))
    return enc


def setup_inputs(seed: int = 0) -> dict:
    key = jax.random.key(seed)
    k_x, k_w = jax.random.split(key)
    x = jax.random.randint(k_x, (BATCH, SEQ_LEN), 0, D_VOCAB, dtype=jnp.int32)
    # learned embedding table (nn.Embedding init ~ N(0,1))
    table = jax.random.normal(k_w, (D_VOCAB, D_MODEL), dtype=jnp.float32)
    return {"x": x, "table": table}


def reference(x, table):
    # torch_emb = Embedding(x); out = encoding[:seq_len, :] + torch_emb
    seq_len = x.shape[1]
    enc = make_encoding()
    emb = jnp.take(table, x, axis=0)  # gather: [B, S, D]
    return enc[:seq_len, :][None, :, :] + emb

if __name__ == "__main__":
    import jax
    _d = setup_inputs()
    print(jax.jit(kernel)(*tuple(_d.values())))

</pallas_src>

<mosaic_0001>
#map = affine_map<(d0, d1) -> (0, 0)>
#map1 = affine_map<(d0, d1) -> (0, 0, 0)>
module attributes {stable_mosaic.version = 14 : i64} {
  func.func @_emb_body(%arg0: i32, %arg1: i32, %arg2: memref<100000x128xf32, #tpu.memory_space<hbm>>, %arg3: memref<200x4096xi32, #tpu.memory_space<hbm>>, %arg4: memref<200x128xf32, #tpu.memory_space<hbm>>, %arg5: memref<200x64x4096xf32, #tpu.memory_space<hbm>>, %arg6: memref<200x128xi32, #tpu.memory_space<vmem>>, %arg7: memref<200x128xf32, #tpu.memory_space<vmem>>, %arg8: memref<128x128xf32, #tpu.memory_space<vmem>>, %arg9: memref<128x128xf32, #tpu.memory_space<vmem>>, %arg10: memref<1x64x128xf32, #tpu.memory_space<vmem>>, %arg11: memref<1x64x128xf32, #tpu.memory_space<vmem>>, %arg12: memref<!tpu.dma_semaphore, #tpu.memory_space<semaphore_mem>>, %arg13: memref<!tpu.dma_semaphore, #tpu.memory_space<semaphore_mem>>, %arg14: memref<!tpu.dma_semaphore, #tpu.memory_space<semaphore_mem>>, %arg15: memref<!tpu.dma_semaphore, #tpu.memory_space<semaphore_mem>>) attributes {dimension_semantics = [#tpu.dimension_semantics<core_parallel>, #tpu.dimension_semantics<subcore_parallel>], iteration_bounds = array<i64: 2, 16>, scalar_prefetch = 0 : i64, scratch_operands = 10 : i64, tpu.core_type = #tpu.core_type<sc_vector_subcore>, window_params = [{transform_indices = #map}, {transform_indices = #map}, {transform_indices = #map}, {transform_indices = #map1}]} {
    %mul3A = arith.constant 2 : i32
    %mul3A_0 = arith.muli %arg1, %mul3A : i32
    %add3A = arith.addi %mul3A_0, %arg0 : i32
    %mul3A_1 = arith.constant 128 : i32
    %mul3A_2 = arith.muli %add3A, %mul3A_1 : i32
    %iota3A = tpu.iota {dimensions = array<i32: 0>} : vector<16xi32>
    %add3A_3 = arith.constant 0 : i32
    %add3A_4 = vector.broadcast %add3A_3 : i32 to vector<16xi32>
    %add3A_5 = arith.addi %iota3A, %add3A_4 : vector<16xi32>
    %and3A = arith.constant 15 : i32
    %and3A_6 = vector.broadcast %and3A : i32 to vector<16xi32>
    %and3A_7 = arith.andi %add3A_5, %and3A_6 : vector<16xi32>
    %add3A_8 = arith.constant 1 : i32
    %add3A_9 = vector.broadcast %add3A_8 : i32 to vector<16xi32>
    %add3A_10 = arith.addi %iota3A, %add3A_9 : vector<16xi32>
    %and3A_11 = arith.constant 15 : i32
    %and3A_12 = vector.broadcast %and3A_11 : i32 to vector<16xi32>
    %and3A_13 = arith.andi %add3A_10, %and3A_12 : vector<16xi32>
    %add3A_14 = arith.constant 2 : i32
    %add3A_15 = vector.broadcast %add3A_14 : i32 to vector<16xi32>
    %add3A_16 = arith.addi %iota3A, %add3A_15 : vector<16xi32>
    %and3A_17 = arith.constant 15 : i32
    %and3A_18 = vector.broadcast %and3A_17 : i32 to vector<16xi32>
    %and3A_19 = arith.andi %add3A_16, %and3A_18 : vector<16xi32>
    %add3A_20 = arith.constant 3 : i32
    %add3A_21 = vector.broadcast %add3A_20 : i32 to vector<16xi32>
    %add3A_22 = arith.addi %iota3A, %add3A_21 : vector<16xi32>
    %and3A_23 = arith.constant 15 : i32
    %and3A_24 = vector.broadcast %and3A_23 : i32 to vector<16xi32>
    %and3A_25 = arith.andi %add3A_22, %and3A_24 : vector<16xi32>
    %add3A_26 = arith.constant 4 : i32
    %add3A_27 = vector.broadcast %add3A_26 : i32 to vector<16xi32>
    %add3A_28 = arith.addi %iota3A, %add3A_27 : vector<16xi32>
    %and3A_29 = arith.constant 15 : i32
    %and3A_30 = vector.broadcast %and3A_29 : i32 to vector<16xi32>
    %and3A_31 = arith.andi %add3A_28, %and3A_30 : vector<16xi32>
    %add3A_32 = arith.constant 5 : i32
    %add3A_33 = vector.broadcast %add3A_32 : i32 to vector<16xi32>
    %add3A_34 = arith.addi %iota3A, %add3A_33 : vector<16xi32>
    %and3A_35 = arith.constant 15 : i32
    %and3A_36 = vector.broadcast %and3A_35 : i32 to vector<16xi32>
    %and3A_37 = arith.andi %add3A_34, %and3A_36 : vector<16xi32>
    %add3A_38 = arith.constant 6 : i32
    %add3A_39 = vector.broadcast %add3A_38 : i32 to vector<16xi32>
    %add3A_40 = arith.addi %iota3A, %add3A_39 : vector<16xi32>
    %and3A_41 = arith.constant 15 : i32
    %and3A_42 = vector.broadcast %and3A_41 : i32 to vector<16xi32>
    %and3A_43 = arith.andi %add3A_40, %and3A_42 : vector<16xi32>
    %add3A_44 = arith.constant 7 : i32
    %add3A_45 = vector.broadcast %add3A_44 : i32 to vector<16xi32>
    %add3A_46 = arith.addi %iota3A, %add3A_45 : vector<16xi32>
    %and3A_47 = arith.constant 15 : i32
    %and3A_48 = vector.broadcast %and3A_47 : i32 to vector<16xi32>
    %and3A_49 = arith.andi %add3A_46, %and3A_48 : vector<16xi32>
    %add3A_50 = arith.constant 8 : i32
    %add3A_51 = vector.broadcast %add3A_50 : i32 to vector<16xi32>
    %add3A_52 = arith.addi %iota3A, %add3A_51 : vector<16xi32>
    %and3A_53 = arith.constant 15 : i32
    %and3A_54 = vector.broadcast %and3A_53 : i32 to vector<16xi32>
    %and3A_55 = arith.andi %add3A_52, %and3A_54 : vector<16xi32>
    %add3A_56 = arith.constant 9 : i32
    %add3A_57 = vector.broadcast %add3A_56 : i32 to vector<16xi32>
    %add3A_58 = arith.addi %iota3A, %add3A_57 : vector<16xi32>
    %and3A_59 = arith.constant 15 : i32
    %and3A_60 = vector.broadcast %and3A_59 : i32 to vector<16xi32>
    %and3A_61 = arith.andi %add3A_58, %and3A_60 : vector<16xi32>
    %add3A_62 = arith.constant 10 : i32
    %add3A_63 = vector.broadcast %add3A_62 : i32 to vector<16xi32>
    %add3A_64 = arith.addi %iota3A, %add3A_63 : vector<16xi32>
    %and3A_65 = arith.constant 15 : i32
    %and3A_66 = vector.broadcast %and3A_65 : i32 to vector<16xi32>
    %and3A_67 = arith.andi %add3A_64, %and3A_66 : vector<16xi32>
    %add3A_68 = arith.constant 11 : i32
    %add3A_69 = vector.broadcast %add3A_68 : i32 to vector<16xi32>
    %add3A_70 = arith.addi %iota3A, %add3A_69 : vector<16xi32>
    %and3A_71 = arith.constant 15 : i32
    %and3A_72 = vector.broadcast %and3A_71 : i32 to vector<16xi32>
    %and3A_73 = arith.andi %add3A_70, %and3A_72 : vector<16xi32>
    %add3A_74 = arith.constant 12 : i32
    %add3A_75 = vector.broadcast %add3A_74 : i32 to vector<16xi32>
    %add3A_76 = arith.addi %iota3A, %add3A_75 : vector<16xi32>
    %and3A_77 = arith.constant 15 : i32
    %and3A_78 = vector.broadcast %and3A_77 : i32 to vector<16xi32>
    %and3A_79 = arith.andi %add3A_76, %and3A_78 : vector<16xi32>
    %add3A_80 = arith.constant 13 : i32
    %add3A_81 = vector.broadcast %add3A_80 : i32 to vector<16xi32>
    %add3A_82 = arith.addi %iota3A, %add3A_81 : vector<16xi32>
    %and3A_83 = arith.constant 15 : i32
    %and3A_84 = vector.broadcast %and3A_83 : i32 to vector<16xi32>
    %and3A_85 = arith.andi %add3A_82, %and3A_84 : vector<16xi32>
    %add3A_86 = arith.constant 14 : i32
    %add3A_87 = vector.broadcast %add3A_86 : i32 to vector<16xi32>
    %add3A_88 = arith.addi %iota3A, %add3A_87 : vector<16xi32>
    %and3A_89 = arith.constant 15 : i32
    %and3A_90 = vector.broadcast %and3A_89 : i32 to vector<16xi32>
    %and3A_91 = arith.andi %add3A_88, %and3A_90 : vector<16xi32>
    %add3A_92 = arith.constant 15 : i32
    %add3A_93 = vector.broadcast %add3A_92 : i32 to vector<16xi32>
    %add3A_94 = arith.addi %iota3A, %add3A_93 : vector<16xi32>
    %and3A_95 = arith.constant 15 : i32
    %and3A_96 = vector.broadcast %and3A_95 : i32 to vector<16xi32>
    %and3A_97 = arith.andi %add3A_94, %and3A_96 : vector<16xi32>
    "tpu.region"() ({
      %run_scoped3A = tpu.sem_alloc : memref<!tpu.dma_semaphore, #tpu.memory_space<semaphore_mem>>
      %dma_start3A_120 = arith.constant 0 : i32
      %dma_start3A_121 = tpu.memref_slice %arg3[%dma_start3A_120, %mul3A_2] : memref<200x4096xi32, #tpu.memory_space<hbm>> -> memref<200x128xi32, #tpu.memory_space<hbm>>
      %dma_start3A_122 = arith.constant 0 : i32
      %dma_start3A_123 = tpu.memref_slice %arg3[%dma_start3A_122, %mul3A_2] : memref<200x4096xi32, #tpu.memory_space<hbm>> -> memref<200x128xi32, #tpu.memory_space<hbm>>
      tpu.enqueue_dma source(%dma_start3A_123 : memref<200x128xi32, #tpu.memory_space<hbm>>) target(%arg6 : memref<200x128xi32, #tpu.memory_space<vmem>>) target_semaphore(%run_scoped3A : memref<!tpu.dma_semaphore, #tpu.memory_space<semaphore_mem>>)
      %dma_wait3A_124 = arith.constant 0 : i32
      %dma_wait3A_125 = tpu.memref_slice %arg3[%dma_wait3A_124, %mul3A_2] : memref<200x4096xi32, #tpu.memory_space<hbm>> -> memref<200x128xi32, #tpu.memory_space<hbm>>
      %dma_wait3A_126 = arith.constant 0 : i32
      %dma_wait3A_127 = tpu.memref_slice %arg3[%dma_wait3A_126, %mul3A_2] : memref<200x4096xi32, #tpu.memory_space<hbm>> -> memref<200x128xi32, #tpu.memory_space<hbm>>
      tpu.wait_dma2 semaphore(%run_scoped3A : memref<!tpu.dma_semaphore, #tpu.memory_space<semaphore_mem>>) src(%dma_wait3A_127 : memref<200x128xi32, #tpu.memory_space<hbm>>) dst(%arg6 : memref<200x128xi32, #tpu.memory_space<vmem>>)
      tpu.yield
    }) : () -> ()
    "tpu.region"() ({
      %run_scoped3A = tpu.sem_alloc : memref<!tpu.dma_semaphore, #tpu.memory_space<semaphore_mem>>
      tpu.enqueue_dma source(%arg4 : memref<200x128xf32, #tpu.memory_space<hbm>>) target(%arg7 : memref<200x128xf32, #tpu.memory_space<vmem>>) target_semaphore(%run_scoped3A : memref<!tpu.dma_semaphore, #tpu.memory_space<semaphore_mem>>)
      tpu.wait_dma2 semaphore(%run_scoped3A : memref<!tpu.dma_semaphore, #tpu.memory_space<semaphore_mem>>) src(%arg4 : memref<200x128xf32, #tpu.memory_space<hbm>>) dst(%arg7 : memref<200x128xf32, #tpu.memory_space<vmem>>)
      tpu.yield
    }) : () -> ()
    %dma_start3A = arith.constant 0 : i32
    %dma_start3A_98 = arith.constant 0 : i32
    %dma_start3A_99 = tpu.memref_slice %arg6[%dma_start3A, %dma_start3A_98] : memref<200x128xi32, #tpu.memory_space<vmem>> -> memref<1x128xi32, #tpu.memory_space<vmem>>
    %dma_start3A_100 = tpu.memref_squeeze %dma_start3A_99 : memref<1x128xi32, #tpu.memory_space<vmem>> -> memref<128xi32, #tpu.memory_space<vmem>>
    %dma_start3A_101 = arith.constant 0 : i32
    %dma_start3A_102 = arith.constant 0 : i32
    %dma_start3A_103 = tpu.memref_slice %arg2[%dma_start3A_101, %dma_start3A_102] : memref<100000x128xf32, #tpu.memory_space<hbm>> -> memref<100000x128xf32, #tpu.memory_space<hbm>>
    tpu.enqueue_indirect_dma source(%dma_start3A_103 : memref<100000x128xf32, #tpu.memory_space<hbm>>) target(%arg8 : memref<128x128xf32, #tpu.memory_space<vmem>>) offsets(%dma_start3A_100 : memref<128xi32, #tpu.memory_space<vmem>>) semaphore(%arg12 : memref<!tpu.dma_semaphore, #tpu.memory_space<semaphore_mem>>)
    %scan3A = arith.constant 0 : i32
    %scan3A_104 = arith.constant 0 : i32
    %scan3A_105 = arith.constant 100 : i32
    %scan3A_106 = arith.addi %scan3A_104, %scan3A_105 : i32
    %scan3A_107 = arith.constant 1 : i32
    scf.for %scan3A_120 = %scan3A_104 to %scan3A_106 step %scan3A_107  : i32 {
      %mul3A_121 = arith.constant 2 : i32
      %mul3A_122 = arith.muli %mul3A_121, %scan3A_120 : i32
      %add3A_123 = arith.constant 0 : i32
      %add3A_124 = arith.addi %mul3A_122, %add3A_123 : i32
      %add3A_125 = arith.constant 1 : i32
      %add3A_126 = arith.addi %add3A_124, %add3A_125 : i32
      %dma_start3A_127 = arith.constant 0 : i32
      %dma_start3A_128 = tpu.memref_slice %arg6[%add3A_126, %dma_start3A_127] : memref<200x128xi32, #tpu.memory_space<vmem>> -> memref<1x128xi32, #tpu.memory_space<vmem>>
      %dma_start3A_129 = tpu.memref_squeeze %dma_start3A_128 : memref<1x128xi32, #tpu.memory_space<vmem>> -> memref<128xi32, #tpu.memory_space<vmem>>
      %dma_start3A_130 = arith.constant 0 : i32
      %dma_start3A_131 = arith.constant 0 : i32
      %dma_start3A_132 = tpu.memref_slice %arg2[%dma_start3A_130, %dma_start3A_131] : memref<100000x128xf32, #tpu.memory_space<hbm>> -> memref<100000x128xf32, #tpu.memory_space<hbm>>
      tpu.enqueue_indirect_dma source(%dma_start3A_132 : memref<100000x128xf32, #tpu.memory_space<hbm>>) target(%arg9 : memref<128x128xf32, #tpu.memory_space<vmem>>) offsets(%dma_start3A_129 : memref<128xi32, #tpu.memory_space<vmem>>) semaphore(%arg13 : memref<!tpu.dma_semaphore, #tpu.memory_space<semaphore_mem>>)
      %dma_wait3A_133 = arith.constant 0 : i32
      %dma_wait3A_134 = arith.constant 0 : i32
      %dma_wait3A_135 = tpu.memref_slice %arg6[%dma_wait3A_133, %dma_wait3A_134] : memref<200x128xi32, #tpu.memory_space<vmem>> -> memref<1x128xi32, #tpu.memory_space<vmem>>
      %dma_wait3A_136 = tpu.memref_squeeze %dma_wait3A_135 : memref<1x128xi32, #tpu.memory_space<vmem>> -> memref<128xi32, #tpu.memory_space<vmem>>
      %dma_wait3A_137 = arith.constant 0 : i32
      %dma_wait3A_138 = arith.constant 0 : i32
      %dma_wait3A_139 = tpu.memref_slice %arg2[%dma_wait3A_137, %dma_wait3A_138] : memref<100000x128xf32, #tpu.memory_space<hbm>> -> memref<100000x128xf32, #tpu.memory_space<hbm>>
      tpu.wait_indirect_dma semaphore(%arg12 : memref<!tpu.dma_semaphore, #tpu.memory_space<semaphore_mem>>) src(%dma_wait3A_139 : memref<100000x128xf32, #tpu.memory_space<hbm>>) dst(%arg8 : memref<128x128xf32, #tpu.memory_space<vmem>>)
      %ge3A = arith.constant 1 : i32
      %ge3A_140 = arith.cmpi sge, %scan3A_120, %ge3A : i32
      %convert_element_type3A = arith.extui %ge3A_140 : i1 to i32
      %cond3A = arith.constant 0 : i32
      %cond3A_141 = arith.cmpi ne, %convert_element_type3A, %cond3A : i32
      scf.if %cond3A_141 {
        %dma_wait3A_178 = arith.constant 0 : i32
        %dma_wait3A_179 = arith.constant 0 : i32
        %dma_wait3A_180 = tpu.memref_slice %arg5[%dma_wait3A_178, %dma_wait3A_179, %mul3A_2] : memref<200x64x4096xf32, #tpu.memory_space<hbm>> -> memref<1x64x128xf32, #tpu.memory_space<hbm>>
        %dma_wait3A_181 = arith.constant 0 : i32
        %dma_wait3A_182 = arith.constant 0 : i32
        %dma_wait3A_183 = tpu.memref_slice %arg5[%dma_wait3A_181, %dma_wait3A_182, %mul3A_2] : memref<200x64x4096xf32, #tpu.memory_space<hbm>> -> memref<1x64x128xf32, #tpu.memory_space<hbm>>
        tpu.wait_dma2 semaphore(%arg14 : memref<!tpu.dma_semaphore, #tpu.memory_space<semaphore_mem>>) src(%arg10 : memref<1x64x128xf32, #tpu.memory_space<vmem>>) dst(%dma_wait3A_183 : memref<1x64x128xf32, #tpu.memory_space<hbm>>)
      } else {
      }
      %broadcast_in_dim3A = vector.broadcast %add3A_124 : i32 to vector<16xi32>
      %parallel_loop3A = arith.constant 0 : i32
      %parallel_loop3A_142 = arith.constant 32 : i32
      %parallel_loop3A_143 = arith.constant 1 : i32
      %parallel_loop3A_144 = arith.constant 0 : i32
      scf.for %parallel_loop3A_178 = %parallel_loop3A to %parallel_loop3A_142 step %parallel_loop3A_143  : i32 {
        %parallel_loop3A_179 = arith.constant 3 : i32
        %parallel_loop3A_180 = arith.shrui %parallel_loop3A_178, %parallel_loop3A_179 : i32
        %parallel_loop3A_181 = arith.constant 4 : i32
        %parallel_loop3A_182 = arith.shli %parallel_loop3A_180, %parallel_loop3A_181 : i32
        %parallel_loop3A_183 = arith.constant 7 : i32
        %parallel_loop3A_184 = arith.andi %parallel_loop3A_178, %parallel_loop3A_183 : i32
        %parallel_loop3A_185 = arith.constant 4 : i32
        %parallel_loop3A_186 = arith.shli %parallel_loop3A_184, %parallel_loop3A_185 : i32
        %parallel_loop3A_187 = vector.broadcast %parallel_loop3A_186 : i32 to vector<16xi32>
        %parallel_loop3A_188 = arith.addi %iota3A, %parallel_loop3A_187 : vector<16xi32>
        %parallel_loop3A_189 = vector.broadcast %parallel_loop3A_182 : i32 to vector<16xi32>
        %parallel_loop3A_190 = arith.addi %and3A_7, %parallel_loop3A_189 : vector<16xi32>
        %parallel_loop3A_191 = tpu.vector_load_idx %arg7[%broadcast_in_dim3A, %parallel_loop3A_190] : memref<200x128xf32, #tpu.memory_space<vmem>>[vector<16xi32>, vector<16xi32>], vector<16xf32>,
        %parallel_loop3A_192 = tpu.vector_load_idx %arg8[%parallel_loop3A_188, %parallel_loop3A_190] : memref<128x128xf32, #tpu.memory_space<vmem>>[vector<16xi32>, vector<16xi32>], vector<16xf32>,
        %parallel_loop3A_193 = arith.addf %parallel_loop3A_192, %parallel_loop3A_191 : vector<16xf32>
        %parallel_loop3A_194 = arith.constant 0 : i32
        %parallel_loop3A_195 = arith.constant 0 : i32
        %parallel_loop3A_196 = tpu.memref_slice %arg10[%parallel_loop3A_144, %parallel_loop3A_194, %parallel_loop3A_195] : memref<1x64x128xf32, #tpu.memory_space<vmem>> -> memref<1x64x128xf32, #tpu.memory_space<vmem>>
        %parallel_loop3A_197 = tpu.memref_squeeze %parallel_loop3A_196 : memref<1x64x128xf32, #tpu.memory_space<vmem>> -> memref<64x128xf32, #tpu.memory_space<vmem>>
        tpu.vector_store_idx %parallel_loop3A_197[%parallel_loop3A_190, %parallel_loop3A_188], %parallel_loop3A_193 : memref<64x128xf32, #tpu.memory_space<vmem>>[vector<16xi32>, vector<16xi32>], vector<16xf32>,
        %parallel_loop3A_198 = vector.broadcast %parallel_loop3A_182 : i32 to vector<16xi32>
        %parallel_loop3A_199 = arith.addi %and3A_13, %parallel_loop3A_198 : vector<16xi32>
        %parallel_loop3A_200 = tpu.vector_load_idx %arg7[%broadcast_in_dim3A, %parallel_loop3A_199] : memref<200x128xf32, #tpu.memory_space<vmem>>[vector<16xi32>, vector<16xi32>], vector<16xf32>,
        %parallel_loop3A_201 = tpu.vector_load_idx %arg8[%parallel_loop3A_188, %parallel_loop3A_199] : memref<128x128xf32, #tpu.memory_space<vmem>>[vector<16xi32>, vector<16xi32>], vector<16xf32>,
        %parallel_loop3A_202 = arith.addf %parallel_loop3A_201, %parallel_loop3A_200 : vector<16xf32>
        %parallel_loop3A_203 = arith.constant 0 : i32
        %parallel_loop3A_204 = arith.constant 0 : i32
        %parallel_loop3A_205 = tpu.memref_slice %arg10[%parallel_loop3A_144, %parallel_loop3A_203, %parallel_loop3A_204] : memref<1x64x128xf32, #tpu.memory_space<vmem>> -> memref<1x64x128xf32, #tpu.memory_space<vmem>>
        %parallel_loop3A_206 = tpu.memref_squeeze %parallel_loop3A_205 : memref<1x64x128xf32, #tpu.memory_space<vmem>> -> memref<64x128xf32, #tpu.memory_space<vmem>>
        tpu.vector_store_idx %parallel_loop3A_206[%parallel_loop3A_199, %parallel_loop3A_188], %parallel_loop3A_202 : memref<64x128xf32, #tpu.memory_space<vmem>>[vector<16xi32>, vector<16xi32>], vector<16xf32>,
        %parallel_loop3A_207 = vector.broadcast %parallel_loop3A_182 : i32 to vector<16xi32>
        %parallel_loop3A_208 = arith.addi %and3A_19, %parallel_loop3A_207 : vector<16xi32>
        %parallel_loop3A_209 = tpu.vector_load_idx %arg7[%broadcast_in_dim3A, %parallel_loop3A_208] : memref<200x128xf32, #tpu.memory_space<vmem>>[vector<16xi32>, vector<16xi32>], vector<16xf32>,
        %parallel_loop3A_210 = tpu.vector_load_idx %arg8[%parallel_loop3A_188, %parallel_loop3A_208] : memref<128x128xf32, #tpu.memory_space<vmem>>[vector<16xi32>, vector<16xi32>], vector<16xf32>,
        %parallel_loop3A_211 = arith.addf %parallel_loop3A_210, %parallel_loop3A_209 : vector<16xf32>
        %parallel_loop3A_212 = arith.constant 0 : i32
        %parallel_loop3A_213 = arith.constant 0 : i32
        %parallel_loop3A_214 = tpu.memref_slice %arg10[%parallel_loop3A_144, %parallel_loop3A_212, %parallel_loop3A_213] : memref<1x64x128xf32, #tpu.memory_space<vmem>> -> memref<1x64x128xf32, #tpu.memory_space<vmem>>
        %parallel_loop3A_215 = tpu.memref_squeeze %parallel_loop3A_214 : memref<1x64x128xf32, #tpu.memory_space<vmem>> -> memref<64x128xf32, #tpu.memory_space<vmem>>
        tpu.vector_store_idx %parallel_loop3A_215[%parallel_loop3A_208, %parallel_loop3A_188], %parallel_loop3A_211 : memref<64x128xf32, #tpu.memory_space<vmem>>[vector<16xi32>, vector<16xi32>], vector<16xf32>,
        %parallel_loop3A_216 = vector.broadcast %parallel_loop3A_182 : i32 to vector<16xi32>
        %parallel_loop3A_217 = arith.addi %and3A_25, %parallel_loop3A_216 : vector<16xi32>
        %parallel_loop3A_218 = tpu.vector_load_idx %arg7[%broadcast_in_dim3A, %parallel_loop3A_217] : memref<200x128xf32, #tpu.memory_space<vmem>>[vector<16xi32>, vector<16xi32>], vector<16xf32>,
        %parallel_loop3A_219 = tpu.vector_load_idx %arg8[%parallel_loop3A_188, %parallel_loop3A_217] : memref<128x128xf32, #tpu.memory_space<vmem>>[vector<16xi32>, vector<16xi32>], vector<16xf32>,
        %parallel_loop3A_220 = arith.addf %parallel_loop3A_219, %parallel_loop3A_218 : vector<16xf32>
        %parallel_loop3A_221 = arith.constant 0 : i32
        %parallel_loop3A_222 = arith.constant 0 : i32
        %parallel_loop3A_223 = tpu.memref_slice %arg10[%parallel_loop3A_144, %parallel_loop3A_221, %parallel_loop3A_222] : memref<1x64x128xf32, #tpu.memory_space<vmem>> -> memref<1x64x128xf32, #tpu.memory_space<vmem>>
        %parallel_loop3A_224 = tpu.memref_squeeze %parallel_loop3A_223 : memref<1x64x128xf32, #tpu.memory_space<vmem>> -> memref<64x128xf32, #tpu.memory_space<vmem>>
        tpu.vector_store_idx %parallel_loop3A_224[%parallel_loop3A_217, %parallel_loop3A_188], %parallel_loop3A_220 : memref<64x128xf32, #tpu.memory_space<vmem>>[vector<16xi32>, vector<16xi32>], vector<16xf32>,
        %parallel_loop3A_225 = vector.broadcast %parallel_loop3A_182 : i32 to vector<16xi32>
        %parallel_loop3A_226 = arith.addi %and3A_31, %parallel_loop3A_225 : vector<16xi32>
        %parallel_loop3A_227 = tpu.vector_load_idx %arg7[%broadcast_in_dim3A, %parallel_loop3A_226] : memref<200x128xf32, #tpu.memory_space<vmem>>[vector<16xi32>, vector<16xi32>], vector<16xf32>,
        %parallel_loop3A_228 = tpu.vector_load_idx %arg8[%parallel_loop3A_188, %parallel_loop3A_226] : memref<128x128xf32, #tpu.memory_space<vmem>>[vector<16xi32>, vector<16xi32>], vector<16xf32>,
        %parallel_loop3A_229 = arith.addf %parallel_loop3A_228, %parallel_loop3A_227 : vector<16xf32>
        %parallel_loop3A_230 = arith.constant 0 : i32
        %parallel_loop3A_231 = arith.constant 0 : i32
        %parallel_loop3A_232 = tpu.memref_slice %arg10[%parallel_loop3A_144, %parallel_loop3A_230, %parallel_loop3A_231] : memref<1x64x128xf32, #tpu.memory_space<vmem>> -> memref<1x64x128xf32, #tpu.memory_space<vmem>>
        %parallel_loop3A_233 = tpu.memref_squeeze %parallel_loop3A_232 : memref<1x64x128xf32, #tpu.memory_space<vmem>> -> memref<64x128xf32, #tpu.memory_space<vmem>>
        tpu.vector_store_idx %parallel_loop3A_233[%parallel_loop3A_226, %parallel_loop3A_188], %parallel_loop3A_229 : memref<64x128xf32, #tpu.memory_space<vmem>>[vector<16xi32>, vector<16xi32>], vector<16xf32>,
        %parallel_loop3A_234 = vector.broadcast %parallel_loop3A_182 : i32 to vector<16xi32>
        %parallel_loop3A_235 = arith.addi %and3A_37, %parallel_loop3A_234 : vector<16xi32>
        %parallel_loop3A_236 = tpu.vector_load_idx %arg7[%broadcast_in_dim3A, %parallel_loop3A_235] : memref<200x128xf32, #tpu.memory_space<vmem>>[vector<16xi32>, vector<16xi32>], vector<16xf32>,
        %parallel_loop3A_237 = tpu.vector_load_idx %arg8[%parallel_loop3A_188, %parallel_loop3A_235] : memref<128x128xf32, #tpu.memory_space<vmem>>[vector<16xi32>, vector<16xi32>], vector<16xf32>,
        %parallel_loop3A_238 = arith.addf %parallel_loop3A_237, %parallel_loop3A_236 : vector<16xf32>
        %parallel_loop3A_239 = arith.constant 0 : i32
        %parallel_loop3A_240 = arith.constant 0 : i32
        %parallel_loop3A_241 = tpu.memref_slice %arg10[%parallel_loop3A_144, %parallel_loop3A_239, %parallel_loop3A_240] : memref<1x64x128xf32, #tpu.memory_space<vmem>> -> memref<1x64x128xf32, #tpu.memory_space<vmem>>
        %parallel_loop3A_242 = tpu.memref_squeeze %parallel_loop3A_241 : memref<1x64x128xf32, #tpu.memory_space<vmem>> -> memref<64x128xf32, #tpu.memory_space<vmem>>
        tpu.vector_store_idx %parallel_loop3A_242[%parallel_loop3A_235, %parallel_loop3A_188], %parallel_loop3A_238 : memref<64x128xf32, #tpu.memory_space<vmem>>[vector<16xi32>, vector<16xi32>], vector<16xf32>,
        %parallel_loop3A_243 = vector.broadcast %parallel_loop3A_182 : i32 to vector<16xi32>
        %parallel_loop3A_244 = arith.addi %and3A_43, %parallel_loop3A_243 : vector<16xi32>
        %parallel_loop3A_245 = tpu.vector_load_idx %arg7[%broadcast_in_dim3A, %parallel_loop3A_244] : memref<200x128xf32, #tpu.memory_space<vmem>>[vector<16xi32>, vector<16xi32>], vector<16xf32>,
        %parallel_loop3A_246 = tpu.vector_load_idx %arg8[%parallel_loop3A_188, %parallel_loop3A_244] : memref<128x128xf32, #tpu.memory_space<vmem>>[vector<16xi32>, vector<16xi32>], vector<16xf32>,
        %parallel_loop3A_247 = arith.addf %parallel_loop3A_246, %parallel_loop3A_245 : vector<16xf32>
        %parallel_loop3A_248 = arith.constant 0 : i32
        %parallel_loop3A_249 = arith.constant 0 : i32
        %parallel_loop3A_250 = tpu.memref_slice %arg10[%parallel_loop3A_144, %parallel_loop3A_248, %parallel_loop3A_249] : memref<1x64x128xf32, #tpu.memory_space<vmem>> -> memref<1x64x128xf32, #tpu.memory_space<vmem>>
        %parallel_loop3A_251 = tpu.memref_squeeze %parallel_loop3A_250 : memref<1x64x128xf32, #tpu.memory_space<vmem>> -> memref<64x128xf32, #tpu.memory_space<vmem>>
        tpu.vector_store_idx %parallel_loop3A_251[%parallel_loop3A_244, %parallel_loop3A_188], %parallel_loop3A_247 : memref<64x128xf32, #tpu.memory_space<vmem>>[vector<16xi32>, vector<16xi32>], vector<16xf32>,
        %parallel_loop3A_252 = vector.broadcast %parallel_loop3A_182 : i32 to vector<16xi32>
        %parallel_loop3A_253 = arith.addi %and3A_49, %parallel_loop3A_252 : vector<16xi32>
        %parallel_loop3A_254 = tpu.vector_load_idx %arg7[%broadcast_in_dim3A, %parallel_loop3A_253] : memref<200x128xf32, #tpu.memory_space<vmem>>[vector<16xi32>, vector<16xi32>], vector<16xf32>,
        %parallel_loop3A_255 = tpu.vector_load_idx %arg8[%parallel_loop3A_188, %parallel_loop3A_253] : memref<128x128xf32, #tpu.memory_space<vmem>>[vector<16xi32>, vector<16xi32>], vector<16xf32>,
        %parallel_loop3A_256 = arith.addf %parallel_loop3A_255, %parallel_loop3A_254 : vector<16xf32>
        %parallel_loop3A_257 = arith.constant 0 : i32
        %parallel_loop3A_258 = arith.constant 0 : i32
        %parallel_loop3A_259 = tpu.memref_slice %arg10[%parallel_loop3A_144, %parallel_loop3A_257, %parallel_loop3A_258] : memref<1x64x128xf32, #tpu.memory_space<vmem>> -> memref<1x64x128xf32, #tpu.memory_space<vmem>>
        %parallel_loop3A_260 = tpu.memref_squeeze %parallel_loop3A_259 : memref<1x64x128xf32, #tpu.memory_space<vmem>> -> memref<64x128xf32, #tpu.memory_space<vmem>>
        tpu.vector_store_idx %parallel_loop3A_260[%parallel_loop3A_253, %parallel_loop3A_188], %parallel_loop3A_256 : memref<64x128xf32, #tpu.memory_space<vmem>>[vector<16xi32>, vector<16xi32>], vector<16xf32>,
        %parallel_loop3A_261 = vector.broadcast %parallel_loop3A_182 : i32 to vector<16xi32>
        %parallel_loop3A_262 = arith.addi %and3A_55, %parallel_loop3A_261 : vector<16xi32>
        %parallel_loop3A_263 = tpu.vector_load_idx %arg7[%broadcast_in_dim3A, %parallel_loop3A_262] : memref<200x128xf32, #tpu.memory_space<vmem>>[vector<16xi32>, vector<16xi32>], vector<16xf32>,
        %parallel_loop3A_264 = tpu.vector_load_idx %arg8[%parallel_loop3A_188, %parallel_loop3A_262] : memref<128x128xf32, #tpu.memory_space<vmem>>[vector<16xi32>, vector<16xi32>], vector<16xf32>,
        %parallel_loop3A_265 = arith.addf %parallel_loop3A_264, %parallel_loop3A_263 : vector<16xf32>
        %parallel_loop3A_266 = arith.constant 0 : i32
        %parallel_loop3A_267 = arith.constant 0 : i32
        %parallel_loop3A_268 = tpu.memref_slice %arg10[%parallel_loop3A_144, %parallel_loop3A_266, %parallel_loop3A_267] : memref<1x64x128xf32, #tpu.memory_space<vmem>> -> memref<1x64x128xf32, #tpu.memory_space<vmem>>
        %parallel_loop3A_269 = tpu.memref_squeeze %parallel_loop3A_268 : memref<1x64x128xf32, #tpu.memory_space<vmem>> -> memref<64x128xf32, #tpu.memory_space<vmem>>
        tpu.vector_store_idx %parallel_loop3A_269[%parallel_loop3A_262, %parallel_loop3A_188], %parallel_loop3A_265 : memref<64x128xf32, #tpu.memory_space<vmem>>[vector<16xi32>, vector<16xi32>], vector<16xf32>,
        %parallel_loop3A_270 = vector.broadcast %parallel_loop3A_182 : i32 to vector<16xi32>
        %parallel_loop3A_271 = arith.addi %and3A_61, %parallel_loop3A_270 : vector<16xi32>
        %parallel_loop3A_272 = tpu.vector_load_idx %arg7[%broadcast_in_dim3A, %parallel_loop3A_271] : memref<200x128xf32, #tpu.memory_space<vmem>>[vector<16xi32>, vector<16xi32>], vector<16xf32>,
        %parallel_loop3A_273 = tpu.vector_load_idx %arg8[%parallel_loop3A_188, %parallel_loop3A_271] : memref<128x128xf32, #tpu.memory_space<vmem>>[vector<16xi32>, vector<16xi32>], vector<16xf32>,
        %parallel_loop3A_274 = arith.addf %parallel_loop3A_273, %parallel_loop3A_272 : vector<16xf32>
        %parallel_loop3A_275 = arith.constant 0 : i32
        %parallel_loop3A_276 = arith.constant 0 : i32
        %parallel_loop3A_277 = tpu.memref_slice %arg10[%parallel_loop3A_144, %parallel_loop3A_275, %parallel_loop3A_276] : memref<1x64x128xf32, #tpu.memory_space<vmem>> -> memref<1x64x128xf32, #tpu.memory_space<vmem>>
        %parallel_loop3A_278 = tpu.memref_squeeze %parallel_loop3A_277 : memref<1x64x128xf32, #tpu.memory_space<vmem>> -> memref<64x128xf32, #tpu.memory_space<vmem>>
        tpu.vector_store_idx %parallel_loop3A_278[%parallel_loop3A_271, %parallel_loop3A_188], %parallel_loop3A_274 : memref<64x128xf32, #tpu.memory_space<vmem>>[vector<16xi32>, vector<16xi32>], vector<16xf32>,
        %parallel_loop3A_279 = vector.broadcast %parallel_loop3A_182 : i32 to vector<16xi32>
        %parallel_loop3A_280 = arith.addi %and3A_67, %parallel_loop3A_279 : vector<16xi32>
        %parallel_loop3A_281 = tpu.vector_load_idx %arg7[%broadcast_in_dim3A, %parallel_loop3A_280] : memref<200x128xf32, #tpu.memory_space<vmem>>[vector<16xi32>, vector<16xi32>], vector<16xf32>,
        %parallel_loop3A_282 = tpu.vector_load_idx %arg8[%parallel_loop3A_188, %parallel_loop3A_280] : memref<128x128xf32, #tpu.memory_space<vmem>>[vector<16xi32>, vector<16xi32>], vector<16xf32>,
        %parallel_loop3A_283 = arith.addf %parallel_loop3A_282, %parallel_loop3A_281 : vector<16xf32>
        %parallel_loop3A_284 = arith.constant 0 : i32
        %parallel_loop3A_285 = arith.constant 0 : i32
        %parallel_loop3A_286 = tpu.memref_slice %arg10[%parallel_loop3A_144, %parallel_loop3A_284, %parallel_loop3A_285] : memref<1x64x128xf32, #tpu.memory_space<vmem>> -> memref<1x64x128xf32, #tpu.memory_space<vmem>>
        %parallel_loop3A_287 = tpu.memref_squeeze %parallel_loop3A_286 : memref<1x64x128xf32, #tpu.memory_space<vmem>> -> memref<64x128xf32, #tpu.memory_space<vmem>>
        tpu.vector_store_idx %parallel_loop3A_287[%parallel_loop3A_280, %parallel_loop3A_188], %parallel_loop3A_283 : memref<64x128xf32, #tpu.memory_space<vmem>>[vector<16xi32>, vector<16xi32>], vector<16xf32>,
        %parallel_loop3A_288 = vector.broadcast %parallel_loop3A_182 : i32 to vector<16xi32>
        %parallel_loop3A_289 = arith.addi %and3A_73, %parallel_loop3A_288 : vector<16xi32>
        %parallel_loop3A_290 = tpu.vector_load_idx %arg7[%broadcast_in_dim3A, %parallel_loop3A_289] : memref<200x128xf32, #tpu.memory_space<vmem>>[vector<16xi32>, vector<16xi32>], vector<16xf32>,
        %parallel_loop3A_291 = tpu.vector_load_idx %arg8[%parallel_loop3A_188, %parallel_loop3A_289] : memref<128x128xf32, #tpu.memory_space<vmem>>[vector<16xi32>, vector<16xi32>], vector<16xf32>,
        %parallel_loop3A_292 = arith.addf %parallel_loop3A_291, %parallel_loop3A_290 : vector<16xf32>
        %parallel_loop3A_293 = arith.constant 0 : i32
        %parallel_loop3A_294 = arith.constant 0 : i32
        %parallel_loop3A_295 = tpu.memref_slice %arg10[%parallel_loop3A_144, %parallel_loop3A_293, %parallel_loop3A_294] : memref<1x64x128xf32, #tpu.memory_space<vmem>> -> memref<1x64x128xf32, #tpu.memory_space<vmem>>
        %parallel_loop3A_296 = tpu.memref_squeeze %parallel_loop3A_295 : memref<1x64x128xf32, #tpu.memory_space<vmem>> -> memref<64x128xf32, #tpu.memory_space<vmem>>
        tpu.vector_store_idx %parallel_loop3A_296[%parallel_loop3A_289, %parallel_loop3A_188], %parallel_loop3A_292 : memref<64x128xf32, #tpu.memory_space<vmem>>[vector<16xi32>, vector<16xi32>], vector<16xf32>,
        %parallel_loop3A_297 = vector.broadcast %parallel_loop3A_182 : i32 to vector<16xi32>
        %parallel_loop3A_298 = arith.addi %and3A_79, %parallel_loop3A_297 : vector<16xi32>
        %parallel_loop3A_299 = tpu.vector_load_idx %arg7[%broadcast_in_dim3A, %parallel_loop3A_298] : memref<200x128xf32, #tpu.memory_space<vmem>>[vector<16xi32>, vector<16xi32>], vector<16xf32>,
        %parallel_loop3A_300 = tpu.vector_load_idx %arg8[%parallel_loop3A_188, %parallel_loop3A_298] : memref<128x128xf32, #tpu.memory_space<vmem>>[vector<16xi32>, vector<16xi32>], vector<16xf32>,
        %parallel_loop3A_301 = arith.addf %parallel_loop3A_300, %parallel_loop3A_299 : vector<16xf32>
        %parallel_loop3A_302 = arith.constant 0 : i32
        %parallel_loop3A_303 = arith.constant 0 : i32
        %parallel_loop3A_304 = tpu.memref_slice %arg10[%parallel_loop3A_144, %parallel_loop3A_302, %parallel_loop3A_303] : memref<1x64x128xf32, #tpu.memory_space<vmem>> -> memref<1x64x128xf32, #tpu.memory_space<vmem>>
        %parallel_loop3A_305 = tpu.memref_squeeze %parallel_loop3A_304 : memref<1x64x128xf32, #tpu.memory_space<vmem>> -> memref<64x128xf32, #tpu.memory_space<vmem>>
        tpu.vector_store_idx %parallel_loop3A_305[%parallel_loop3A_298, %parallel_loop3A_188], %parallel_loop3A_301 : memref<64x128xf32, #tpu.memory_space<vmem>>[vector<16xi32>, vector<16xi32>], vector<16xf32>,
        %parallel_loop3A_306 = vector.broadcast %parallel_loop3A_182 : i32 to vector<16xi32>
        %parallel_loop3A_307 = arith.addi %and3A_85, %parallel_loop3A_306 : vector<16xi32>
        %parallel_loop3A_308 = tpu.vector_load_idx %arg7[%broadcast_in_dim3A, %parallel_loop3A_307] : memref<200x128xf32, #tpu.memory_space<vmem>>[vector<16xi32>, vector<16xi32>], vector<16xf32>,
        %parallel_loop3A_309 = tpu.vector_load_idx %arg8[%parallel_loop3A_188, %parallel_loop3A_307] : memref<128x128xf32, #tpu.memory_space<vmem>>[vector<16xi32>, vector<16xi32>], vector<16xf32>,
        %parallel_loop3A_310 = arith.addf %parallel_loop3A_309, %parallel_loop3A_308 : vector<16xf32>
        %parallel_loop3A_311 = arith.constant 0 : i32
        %parallel_loop3A_312 = arith.constant 0 : i32
        %parallel_loop3A_313 = tpu.memref_slice %arg10[%parallel_loop3A_144, %parallel_loop3A_311, %parallel_loop3A_312] : memref<1x64x128xf32, #tpu.memory_space<vmem>> -> memref<1x64x128xf32, #tpu.memory_space<vmem>>
        %parallel_loop3A_314 = tpu.memref_squeeze %parallel_loop3A_313 : memref<1x64x128xf32, #tpu.memory_space<vmem>> -> memref<64x128xf32, #tpu.memory_space<vmem>>
        tpu.vector_store_idx %parallel_loop3A_314[%parallel_loop3A_307, %parallel_loop3A_188], %parallel_loop3A_310 : memref<64x128xf32, #tpu.memory_space<vmem>>[vector<16xi32>, vector<16xi32>], vector<16xf32>,
        %parallel_loop3A_315 = vector.broadcast %parallel_loop3A_182 : i32 to vector<16xi32>
        %parallel_loop3A_316 = arith.addi %and3A_91, %parallel_loop3A_315 : vector<16xi32>
        %parallel_loop3A_317 = tpu.vector_load_idx %arg7[%broadcast_in_dim3A, %parallel_loop3A_316] : memref<200x128xf32, #tpu.memory_space<vmem>>[vector<16xi32>, vector<16xi32>], vector<16xf32>,
        %parallel_loop3A_318 = tpu.vector_load_idx %arg8[%parallel_loop3A_188, %parallel_loop3A_316] : memref<128x128xf32, #tpu.memory_space<vmem>>[vector<16xi32>, vector<16xi32>], vector<16xf32>,
        %parallel_loop3A_319 = arith.addf %parallel_loop3A_318, %parallel_loop3A_317 : vector<16xf32>
        %parallel_loop3A_320 = arith.constant 0 : i32
        %parallel_loop3A_321 = arith.constant 0 : i32
        %parallel_loop3A_322 = tpu.memref_slice %arg10[%parallel_loop3A_144, %parallel_loop3A_320, %parallel_loop3A_321] : memref<1x64x128xf32, #tpu.memory_space<vmem>> -> memref<1x64x128xf32, #tpu.memory_space<vmem>>
        %parallel_loop3A_323 = tpu.memref_squeeze %parallel_loop3A_322 : memref<1x64x128xf32, #tpu.memory_space<vmem>> -> memref<64x128xf32, #tpu.memory_space<vmem>>
        tpu.vector_store_idx %parallel_loop3A_323[%parallel_loop3A_316, %parallel_loop3A_188], %parallel_loop3A_319 : memref<64x128xf32, #tpu.memory_space<vmem>>[vector<16xi32>, vector<16xi32>], vector<16xf32>,
        %parallel_loop3A_324 = vector.broadcast %parallel_loop3A_182 : i32 to vector<16xi32>
        %parallel_loop3A_325 = arith.addi %and3A_97, %parallel_loop3A_324 : vector<16xi32>
        %parallel_loop3A_326 = tpu.vector_load_idx %arg7[%broadcast_in_dim3A, %parallel_loop3A_325] : memref<200x128xf32, #tpu.memory_space<vmem>>[vector<16xi32>, vector<16xi32>], vector<16xf32>,
        %parallel_loop3A_327 = tpu.vector_load_idx %arg8[%parallel_loop3A_188, %parallel_loop3A_325] : memref<128x128xf32, #tpu.memory_space<vmem>>[vector<16xi32>, vector<16xi32>], vector<16xf32>,
        %parallel_loop3A_328 = arith.addf %parallel_loop3A_327, %parallel_loop3A_326 : vector<16xf32>
        %parallel_loop3A_329 = arith.constant 0 : i32
        %parallel_loop3A_330 = arith.constant 0 : i32
        %parallel_loop3A_331 = tpu.memref_slice %arg10[%parallel_loop3A_144, %parallel_loop3A_329, %parallel_loop3A_330] : memref<1x64x128xf32, #tpu.memory_space<vmem>> -> memref<1x64x128xf32, #tpu.memory_space<vmem>>
        %parallel_loop3A_332 = tpu.memref_squeeze %parallel_loop3A_331 : memref<1x64x128xf32, #tpu.memory_space<vmem>> -> memref<64x128xf32, #tpu.memory_space<vmem>>
        tpu.vector_store_idx %parallel_loop3A_332[%parallel_loop3A_325, %parallel_loop3A_188], %parallel_loop3A_328 : memref<64x128xf32, #tpu.memory_space<vmem>>[vector<16xi32>, vector<16xi32>], vector<16xf32>,
      } {sc.loop_unroll_factor = 4 : i64, sc.parallel_access}
      %dma_start3A_145 = arith.constant 0 : i32
      %dma_start3A_146 = tpu.memref_slice %arg5[%add3A_124, %dma_start3A_145, %mul3A_2] : memref<200x64x4096xf32, #tpu.memory_space<hbm>> -> memref<1x64x128xf32, #tpu.memory_space<hbm>>
      %dma_start3A_147 = arith.constant 0 : i32
      %dma_start3A_148 = tpu.memref_slice %arg5[%add3A_124, %dma_start3A_147, %mul3A_2] : memref<200x64x4096xf32, #tpu.memory_space<hbm>> -> memref<1x64x128xf32, #tpu.memory_space<hbm>>
      tpu.enqueue_dma source(%arg10 : memref<1x64x128xf32, #tpu.memory_space<vmem>>) target(%dma_start3A_148 : memref<1x64x128xf32, #tpu.memory_space<hbm>>) target_semaphore(%arg14 : memref<!tpu.dma_semaphore, #tpu.memory_space<semaphore_mem>>)
      %mul3A_149 = arith.constant 2 : i32
      %mul3A_150 = arith.muli %mul3A_149, %scan3A_120 : i32
      %add3A_151 = arith.constant 1 : i32
      %add3A_152 = arith.addi %mul3A_150, %add3A_151 : i32
      %lt3A = arith.constant 99 : i32
      %lt3A_153 = arith.cmpi slt, %scan3A_120, %lt3A : i32
      %convert_element_type3A_154 = arith.extui %lt3A_153 : i1 to i32
      %cond3A_155 = arith.constant 0 : i32
      %cond3A_156 = arith.cmpi ne, %convert_element_type3A_154, %cond3A_155 : i32
      scf.if %cond3A_156 {
        %add3A_178 = arith.constant 1 : i32
        %add3A_179 = arith.addi %add3A_152, %add3A_178 : i32
        %dma_start3A_180 = arith.constant 0 : i32
        %dma_start3A_181 = tpu.memref_slice %arg6[%add3A_179, %dma_start3A_180] : memref<200x128xi32, #tpu.memory_space<vmem>> -> memref<1x128xi32, #tpu.memory_space<vmem>>
        %dma_start3A_182 = tpu.memref_squeeze %dma_start3A_181 : memref<1x128xi32, #tpu.memory_space<vmem>> -> memref<128xi32, #tpu.memory_space<vmem>>
        %dma_start3A_183 = arith.constant 0 : i32
        %dma_start3A_184 = arith.constant 0 : i32
        %dma_start3A_185 = tpu.memref_slice %arg2[%dma_start3A_183, %dma_start3A_184] : memref<100000x128xf32, #tpu.memory_space<hbm>> -> memref<100000x128xf32, #tpu.memory_space<hbm>>
        tpu.enqueue_indirect_dma source(%dma_start3A_185 : memref<100000x128xf32, #tpu.memory_space<hbm>>) target(%arg8 : memref<128x128xf32, #tpu.memory_space<vmem>>) offsets(%dma_start3A_182 : memref<128xi32, #tpu.memory_space<vmem>>) semaphore(%arg12 : memref<!tpu.dma_semaphore, #tpu.memory_space<semaphore_mem>>)
      } else {
      }
      %dma_wait3A_157 = arith.constant 0 : i32
      %dma_wait3A_158 = arith.constant 0 : i32
      %dma_wait3A_159 = tpu.memref_slice %arg6[%dma_wait3A_157, %dma_wait3A_158] : memref<200x128xi32, #tpu.memory_space<vmem>> -> memref<1x128xi32, #tpu.memory_space<vmem>>
      %dma_wait3A_160 = tpu.memref_squeeze %dma_wait3A_159 : memref<1x128xi32, #tpu.memory_space<vmem>> -> memref<128xi32, #tpu.memory_space<vmem>>
      %dma_wait3A_161 = arith.constant 0 : i32
      %dma_wait3A_162 = arith.constant 0 : i32
      %dma_wait3A_163 = tpu.memref_slice %arg2[%dma_wait3A_161, %dma_wait3A_162] : memref<100000x128xf32, #tpu.memory_space<hbm>> -> memref<100000x128xf32, #tpu.memory_space<hbm>>
      tpu.wait_indirect_dma semaphore(%arg13 : memref<!tpu.dma_semaphore, #tpu.memory_space<semaphore_mem>>) src(%dma_wait3A_163 : memref<100000x128xf32, #tpu.memory_space<hbm>>) dst(%arg9 : memref<128x128xf32, #tpu.memory_space<vmem>>)
      %ge3A_164 = arith.constant 1 : i32
      %ge3A_165 = arith.cmpi sge, %scan3A_120, %ge3A_164 : i32
      %convert_element_type3A_166 = arith.extui %ge3A_165 : i1 to i32
      %cond3A_167 = arith.constant 0 : i32
      %cond3A_168 = arith.cmpi ne, %convert_element_type3A_166, %cond3A_167 : i32
      scf.if %cond3A_168 {
        %dma_wait3A_178 = arith.constant 0 : i32
        %dma_wait3A_179 = arith.constant 0 : i32
        %dma_wait3A_180 = tpu.memref_slice %arg5[%dma_wait3A_178, %dma_wait3A_179, %mul3A_2] : memref<200x64x4096xf32, #tpu.memory_space<hbm>> -> memref<1x64x128xf32, #tpu.memory_space<hbm>>
        %dma_wait3A_181 = arith.constant 0 : i32
        %dma_wait3A_182 = arith.constant 0 : i32
        %dma_wait3A_183 = tpu.memref_slice %arg5[%dma_wait3A_181, %dma_wait3A_182, %mul3A_2] : memref<200x64x4096xf32, #tpu.memory_space<hbm>> -> memref<1x64x128xf32, #tpu.memory_space<hbm>>
        tpu.wait_dma2 semaphore(%arg15 : memref<!tpu.dma_semaphore, #tpu.memory_space<semaphore_mem>>) src(%arg11 : memref<1x64x128xf32, #tpu.memory_space<vmem>>) dst(%dma_wait3A_183 : memref<1x64x128xf32, #tpu.memory_space<hbm>>)
      } else {
      }
      %broadcast_in_dim3A_169 = vector.broadcast %add3A_152 : i32 to vector<16xi32>
      %parallel_loop3A_170 = arith.constant 0 : i32
      %parallel_loop3A_171 = arith.constant 32 : i32
      %parallel_loop3A_172 = arith.constant 1 : i32
      %parallel_loop3A_173 = arith.constant 0 : i32
      scf.for %parallel_loop3A_178 = %parallel_loop3A_170 to %parallel_loop3A_171 step %parallel_loop3A_172  : i32 {
        %parallel_loop3A_179 = arith.constant 3 : i32
        %parallel_loop3A_180 = arith.shrui %parallel_loop3A_178, %parallel_loop3A_179 : i32
        %parallel_loop3A_181 = arith.constant 4 : i32
        %parallel_loop3A_182 = arith.shli %parallel_loop3A_180, %parallel_loop3A_181 : i32
        %parallel_loop3A_183 = arith.constant 7 : i32
        %parallel_loop3A_184 = arith.andi %parallel_loop3A_178, %parallel_loop3A_183 : i32
        %parallel_loop3A_185 = arith.constant 4 : i32
        %parallel_loop3A_186 = arith.shli %parallel_loop3A_184, %parallel_loop3A_185 : i32
        %parallel_loop3A_187 = vector.broadcast %parallel_loop3A_186 : i32 to vector<16xi32>
        %parallel_loop3A_188 = arith.addi %iota3A, %parallel_loop3A_187 : vector<16xi32>
        %parallel_loop3A_189 = vector.broadcast %parallel_loop3A_182 : i32 to vector<16xi32>
        %parallel_loop3A_190 = arith.addi %and3A_7, %parallel_loop3A_189 : vector<16xi32>
        %parallel_loop3A_191 = tpu.vector_load_idx %arg7[%broadcast_in_dim3A_169, %parallel_loop3A_190] : memref<200x128xf32, #tpu.memory_space<vmem>>[vector<16xi32>, vector<16xi32>], vector<16xf32>,
        %parallel_loop3A_192 = tpu.vector_load_idx %arg9[%parallel_loop3A_188, %parallel_loop3A_190] : memref<128x128xf32, #tpu.memory_space<vmem>>[vector<16xi32>, vector<16xi32>], vector<16xf32>,
        %parallel_loop3A_193 = arith.addf %parallel_loop3A_192, %parallel_loop3A_191 : vector<16xf32>
        %parallel_loop3A_194 = arith.constant 0 : i32
        %parallel_loop3A_195 = arith.constant 0 : i32
        %parallel_loop3A_196 = tpu.memref_slice %arg11[%parallel_loop3A_173, %parallel_loop3A_194, %parallel_loop3A_195] : memref<1x64x128xf32, #tpu.memory_space<vmem>> -> memref<1x64x128xf32, #tpu.memory_space<vmem>>
        %parallel_loop3A_197 = tpu.memref_squeeze %parallel_loop3A_196 : memref<1x64x128xf32, #tpu.memory_space<vmem>> -> memref<64x128xf32, #tpu.memory_space<vmem>>
        tpu.vector_store_idx %parallel_loop3A_197[%parallel_loop3A_190, %parallel_loop3A_188], %parallel_loop3A_193 : memref<64x128xf32, #tpu.memory_space<vmem>>[vector<16xi32>, vector<16xi32>], vector<16xf32>,
        %parallel_loop3A_198 = vector.broadcast %parallel_loop3A_182 : i32 to vector<16xi32>
        %parallel_loop3A_199 = arith.addi %and3A_13, %parallel_loop3A_198 : vector<16xi32>
        %parallel_loop3A_200 = tpu.vector_load_idx %arg7[%broadcast_in_dim3A_169, %parallel_loop3A_199] : memref<200x128xf32, #tpu.memory_space<vmem>>[vector<16xi32>, vector<16xi32>], vector<16xf32>,
        %parallel_loop3A_201 = tpu.vector_load_idx %arg9[%parallel_loop3A_188, %parallel_loop3A_199] : memref<128x128xf32, #tpu.memory_space<vmem>>[vector<16xi32>, vector<16xi32>], vector<16xf32>,
        %parallel_loop3A_202 = arith.addf %parallel_loop3A_201, %parallel_loop3A_200 : vector<16xf32>
        %parallel_loop3A_203 = arith.constant 0 : i32
        %parallel_loop3A_204 = arith.constant 0 : i32
        %parallel_loop3A_205 = tpu.memref_slice %arg11[%parallel_loop3A_173, %parallel_loop3A_203, %parallel_loop3A_204] : memref<1x64x128xf32, #tpu.memory_space<vmem>> -> memref<1x64x128xf32, #tpu.memory_space<vmem>>
        %parallel_loop3A_206 = tpu.memref_squeeze %parallel_loop3A_205 : memref<1x64x128xf32, #tpu.memory_space<vmem>> -> memref<64x128xf32, #tpu.memory_space<vmem>>
        tpu.vector_store_idx %parallel_loop3A_206[%parallel_loop3A_199, %parallel_loop3A_188], %parallel_loop3A_202 : memref<64x128xf32, #tpu.memory_space<vmem>>[vector<16xi32>, vector<16xi32>], vector<16xf32>,
        %parallel_loop3A_207 = vector.broadcast %parallel_loop3A_182 : i32 to vector<16xi32>
        %parallel_loop3A_208 = arith.addi %and3A_19, %parallel_loop3A_207 : vector<16xi32>
        %parallel_loop3A_209 = tpu.vector_load_idx %arg7[%broadcast_in_dim3A_169, %parallel_loop3A_208] : memref<200x128xf32, #tpu.memory_space<vmem>>[vector<16xi32>, vector<16xi32>], vector<16xf32>,
        %parallel_loop3A_210 = tpu.vector_load_idx %arg9[%parallel_loop3A_188, %parallel_loop3A_208] : memref<128x128xf32, #tpu.memory_space<vmem>>[vector<16xi32>, vector<16xi32>], vector<16xf32>,
        %parallel_loop3A_211 = arith.addf %parallel_loop3A_210, %parallel_loop3A_209 : vector<16xf32>
        %parallel_loop3A_212 = arith.constant 0 : i32
        %parallel_loop3A_213 = arith.constant 0 : i32
        %parallel_loop3A_214 = tpu.memref_slice %arg11[%parallel_loop3A_173, %parallel_loop3A_212, %parallel_loop3A_213] : memref<1x64x128xf32, #tpu.memory_space<vmem>> -> memref<1x64x128xf32, #tpu.memory_space<vmem>>
        %parallel_loop3A_215 = tpu.memref_squeeze %parallel_loop3A_214 : memref<1x64x128xf32, #tpu.memory_space<vmem>> -> memref<64x128xf32, #tpu.memory_space<vmem>>
        tpu.vector_store_idx %parallel_loop3A_215[%parallel_loop3A_208, %parallel_loop3A_188], %parallel_loop3A_211 : memref<64x128xf32, #tpu.memory_space<vmem>>[vector<16xi32>, vector<16xi32>], vector<16xf32>,
        %parallel_loop3A_216 = vector.broadcast %parallel_loop3A_182 : i32 to vector<16xi32>
        %parallel_loop3A_217 = arith.addi %and3A_25, %parallel_loop3A_216 : vector<16xi32>
        %parallel_loop3A_218 = tpu.vector_load_idx %arg7[%broadcast_in_dim3A_169, %parallel_loop3A_217] : memref<200x128xf32, #tpu.memory_space<vmem>>[vector<16xi32>, vector<16xi32>], vector<16xf32>,
        %parallel_loop3A_219 = tpu.vector_load_idx %arg9[%parallel_loop3A_188, %parallel_loop3A_217] : memref<128x128xf32, #tpu.memory_space<vmem>>[vector<16xi32>, vector<16xi32>], vector<16xf32>,
        %parallel_loop3A_220 = arith.addf %parallel_loop3A_219, %parallel_loop3A_218 : vector<16xf32>
        %parallel_loop3A_221 = arith.constant 0 : i32
        %parallel_loop3A_222 = arith.constant 0 : i32
        %parallel_loop3A_223 = tpu.memref_slice %arg11[%parallel_loop3A_173, %parallel_loop3A_221, %parallel_loop3A_222] : memref<1x64x128xf32, #tpu.memory_space<vmem>> -> memref<1x64x128xf32, #tpu.memory_space<vmem>>
        %parallel_loop3A_224 = tpu.memref_squeeze %parallel_loop3A_223 : memref<1x64x128xf32, #tpu.memory_space<vmem>> -> memref<64x128xf32, #tpu.memory_space<vmem>>
        tpu.vector_store_idx %parallel_loop3A_224[%parallel_loop3A_217, %parallel_loop3A_188], %parallel_loop3A_220 : memref<64x128xf32, #tpu.memory_space<vmem>>[vector<16xi32>, vector<16xi32>], vector<16xf32>,
        %parallel_loop3A_225 = vector.broadcast %parallel_loop3A_182 : i32 to vector<16xi32>
        %parallel_loop3A_226 = arith.addi %and3A_31, %parallel_loop3A_225 : vector<16xi32>
        %parallel_loop3A_227 = tpu.vector_load_idx %arg7[%broadcast_in_dim3A_169, %parallel_loop3A_226] : memref<200x128xf32, #tpu.memory_space<vmem>>[vector<16xi32>, vector<16xi32>], vector<16xf32>,
        %parallel_loop3A_228 = tpu.vector_load_idx %arg9[%parallel_loop3A_188, %parallel_loop3A_226] : memref<128x128xf32, #tpu.memory_space<vmem>>[vector<16xi32>, vector<16xi32>], vector<16xf32>,
        %parallel_loop3A_229 = arith.addf %parallel_loop3A_228, %parallel_loop3A_227 : vector<16xf32>
        %parallel_loop3A_230 = arith.constant 0 : i32
        %parallel_loop3A_231 = arith.constant 0 : i32
        %parallel_loop3A_232 = tpu.memref_slice %arg11[%parallel_loop3A_173, %parallel_loop3A_230, %parallel_loop3A_231] : memref<1x64x128xf32, #tpu.memory_space<vmem>> -> memref<1x64x128xf32, #tpu.memory_space<vmem>>
        %parallel_loop3A_233 = tpu.memref_squeeze %parallel_loop3A_232 : memref<1x64x128xf32, #tpu.memory_space<vmem>> -> memref<64x128xf32, #tpu.memory_space<vmem>>
        tpu.vector_store_idx %parallel_loop3A_233[%parallel_loop3A_226, %parallel_loop3A_188], %parallel_loop3A_229 : memref<64x128xf32, #tpu.memory_space<vmem>>[vector<16xi32>, vector<16xi32>], vector<16xf32>,
        %parallel_loop3A_234 = vector.broadcast %parallel_loop3A_182 : i32 to vector<16xi32>
        %parallel_loop3A_235 = arith.addi %and3A_37, %parallel_loop3A_234 : vector<16xi32>
        %parallel_loop3A_236 = tpu.vector_load_idx %arg7[%broadcast_in_dim3A_169, %parallel_loop3A_235] : memref<200x128xf32, #tpu.memory_space<vmem>>[vector<16xi32>, vector<16xi32>], vector<16xf32>,
        %parallel_loop3A_237 = tpu.vector_load_idx %arg9[%parallel_loop3A_188, %parallel_loop3A_235] : memref<128x128xf32, #tpu.memory_space<vmem>>[vector<16xi32>, vector<16xi32>], vector<16xf32>,
        %parallel_loop3A_238 = arith.addf %parallel_loop3A_237, %parallel_loop3A_236 : vector<16xf32>
        %parallel_loop3A_239 = arith.constant 0 : i32
        %parallel_loop3A_240 = arith.constant 0 : i32
        %parallel_loop3A_241 = tpu.memref_slice %arg11[%parallel_loop3A_173, %parallel_loop3A_239, %parallel_loop3A_240] : memref<1x64x128xf32, #tpu.memory_space<vmem>> -> memref<1x64x128xf32, #tpu.memory_space<vmem>>
        %parallel_loop3A_242 = tpu.memref_squeeze %parallel_loop3A_241 : memref<1x64x128xf32, #tpu.memory_space<vmem>> -> memref<64x128xf32, #tpu.memory_space<vmem>>
        tpu.vector_store_idx %parallel_loop3A_242[%parallel_loop3A_235, %parallel_loop3A_188], %parallel_loop3A_238 : memref<64x128xf32, #tpu.memory_space<vmem>>[vector<16xi32>, vector<16xi32>], vector<16xf32>,
        %parallel_loop3A_243 = vector.broadcast %parallel_loop3A_182 : i32 to vector<16xi32>
        %parallel_loop3A_244 = arith.addi %and3A_43, %parallel_loop3A_243 : vector<16xi32>
        %parallel_loop3A_245 = tpu.vector_load_idx %arg7[%broadcast_in_dim3A_169, %parallel_loop3A_244] : memref<200x128xf32, #tpu.memory_space<vmem>>[vector<16xi32>, vector<16xi32>], vector<16xf32>,
        %parallel_loop3A_246 = tpu.vector_load_idx %arg9[%parallel_loop3A_188, %parallel_loop3A_244] : memref<128x128xf32, #tpu.memory_space<vmem>>[vector<16xi32>, vector<16xi32>], vector<16xf32>,
        %parallel_loop3A_247 = arith.addf %parallel_loop3A_246, %parallel_loop3A_245 : vector<16xf32>
        %parallel_loop3A_248 = arith.constant 0 : i32
        %parallel_loop3A_249 = arith.constant 0 : i32
        %parallel_loop3A_250 = tpu.memref_slice %arg11[%parallel_loop3A_173, %parallel_loop3A_248, %parallel_loop3A_249] : memref<1x64x128xf32, #tpu.memory_space<vmem>> -> memref<1x64x128xf32, #tpu.memory_space<vmem>>
        %parallel_loop3A_251 = tpu.memref_squeeze %parallel_loop3A_250 : memref<1x64x128xf32, #tpu.memory_space<vmem>> -> memref<64x128xf32, #tpu.memory_space<vmem>>
        tpu.vector_store_idx %parallel_loop3A_251[%parallel_loop3A_244, %parallel_loop3A_188], %parallel_loop3A_247 : memref<64x128xf32, #tpu.memory_space<vmem>>[vector<16xi32>, vector<16xi32>], vector<16xf32>,
        %parallel_loop3A_252 = vector.broadcast %parallel_loop3A_182 : i32 to vector<16xi32>
        %parallel_loop3A_253 = arith.addi %and3A_49, %parallel_loop3A_252 : vector<16xi32>
        %parallel_loop3A_254 = tpu.vector_load_idx %arg7[%broadcast_in_dim3A_169, %parallel_loop3A_253] : memref<200x128xf32, #tpu.memory_space<vmem>>[vector<16xi32>, vector<16xi32>], vector<16xf32>,
        %parallel_loop3A_255 = tpu.vector_load_idx %arg9[%parallel_loop3A_188, %parallel_loop3A_253] : memref<128x128xf32, #tpu.memory_space<vmem>>[vector<16xi32>, vector<16xi32>], vector<16xf32>,
        %parallel_loop3A_256 = arith.addf %parallel_loop3A_255, %parallel_loop3A_254 : vector<16xf32>
        %parallel_loop3A_257 = arith.constant 0 : i32
        %parallel_loop3A_258 = arith.constant 0 : i32
        %parallel_loop3A_259 = tpu.memref_slice %arg11[%parallel_loop3A_173, %parallel_loop3A_257, %parallel_loop3A_258] : memref<1x64x128xf32, #tpu.memory_space<vmem>> -> memref<1x64x128xf32, #tpu.memory_space<vmem>>
        %parallel_loop3A_260 = tpu.memref_squeeze %parallel_loop3A_259 : memref<1x64x128xf32, #tpu.memory_space<vmem>> -> memref<64x128xf32, #tpu.memory_space<vmem>>
        tpu.vector_store_idx %parallel_loop3A_260[%parallel_loop3A_253, %parallel_loop3A_188], %parallel_loop3A_256 : memref<64x128xf32, #tpu.memory_space<vmem>>[vector<16xi32>, vector<16xi32>], vector<16xf32>,
        %parallel_loop3A_261 = vector.broadcast %parallel_loop3A_182 : i32 to vector<16xi32>
        %parallel_loop3A_262 = arith.addi %and3A_55, %parallel_loop3A_261 : vector<16xi32>
        %parallel_loop3A_263 = tpu.vector_load_idx %arg7[%broadcast_in_dim3A_169, %parallel_loop3A_262] : memref<200x128xf32, #tpu.memory_space<vmem>>[vector<16xi32>, vector<16xi32>], vector<16xf32>,
        %parallel_loop3A_264 = tpu.vector_load_idx %arg9[%parallel_loop3A_188, %parallel_loop3A_262] : memref<128x128xf32, #tpu.memory_space<vmem>>[vector<16xi32>, vector<16xi32>], vector<16xf32>,
        %parallel_loop3A_265 = arith.addf %parallel_loop3A_264, %parallel_loop3A_263 : vector<16xf32>
        %parallel_loop3A_266 = arith.constant 0 : i32
        %parallel_loop3A_267 = arith.constant 0 : i32
        %parallel_loop3A_268 = tpu.memref_slice %arg11[%parallel_loop3A_173, %parallel_loop3A_266, %parallel_loop3A_267] : memref<1x64x128xf32, #tpu.memory_space<vmem>> -> memref<1x64x128xf32, #tpu.memory_space<vmem>>
        %parallel_loop3A_269 = tpu.memref_squeeze %parallel_loop3A_268 : memref<1x64x128xf32, #tpu.memory_space<vmem>> -> memref<64x128xf32, #tpu.memory_space<vmem>>
        tpu.vector_store_idx %parallel_loop3A_269[%parallel_loop3A_262, %parallel_loop3A_188], %parallel_loop3A_265 : memref<64x128xf32, #tpu.memory_space<vmem>>[vector<16xi32>, vector<16xi32>], vector<16xf32>,
        %parallel_loop3A_270 = vector.broadcast %parallel_loop3A_182 : i32 to vector<16xi32>
        %parallel_loop3A_271 = arith.addi %and3A_61, %parallel_loop3A_270 : vector<16xi32>
        %parallel_loop3A_272 = tpu.vector_load_idx %arg7[%broadcast_in_dim3A_169, %parallel_loop3A_271] : memref<200x128xf32, #tpu.memory_space<vmem>>[vector<16xi32>, vector<16xi32>], vector<16xf32>,
        %parallel_loop3A_273 = tpu.vector_load_idx %arg9[%parallel_loop3A_188, %parallel_loop3A_271] : memref<128x128xf32, #tpu.memory_space<vmem>>[vector<16xi32>, vector<16xi32>], vector<16xf32>,
        %parallel_loop3A_274 = arith.addf %parallel_loop3A_273, %parallel_loop3A_272 : vector<16xf32>
        %parallel_loop3A_275 = arith.constant 0 : i32
        %parallel_loop3A_276 = arith.constant 0 : i32
        %parallel_loop3A_277 = tpu.memref_slice %arg11[%parallel_loop3A_173, %parallel_loop3A_275, %parallel_loop3A_276] : memref<1x64x128xf32, #tpu.memory_space<vmem>> -> memref<1x64x128xf32, #tpu.memory_space<vmem>>
        %parallel_loop3A_278 = tpu.memref_squeeze %parallel_loop3A_277 : memref<1x64x128xf32, #tpu.memory_space<vmem>> -> memref<64x128xf32, #tpu.memory_space<vmem>>
        tpu.vector_store_idx %parallel_loop3A_278[%parallel_loop3A_271, %parallel_loop3A_188], %parallel_loop3A_274 : memref<64x128xf32, #tpu.memory_space<vmem>>[vector<16xi32>, vector<16xi32>], vector<16xf32>,
        %parallel_loop3A_279 = vector.broadcast %parallel_loop3A_182 : i32 to vector<16xi32>
        %parallel_loop3A_280 = arith.addi %and3A_67, %parallel_loop3A_279 : vector<16xi32>
        %parallel_loop3A_281 = tpu.vector_load_idx %arg7[%broadcast_in_dim3A_169, %parallel_loop3A_280] : memref<200x128xf32, #tpu.memory_space<vmem>>[vector<16xi32>, vector<16xi32>], vector<16xf32>,
        %parallel_loop3A_282 = tpu.vector_load_idx %arg9[%parallel_loop3A_188, %parallel_loop3A_280] : memref<128x128xf32, #tpu.memory_space<vmem>>[vector<16xi32>, vector<16xi32>], vector<16xf32>,
        %parallel_loop3A_283 = arith.addf %parallel_loop3A_282, %parallel_loop3A_281 : vector<16xf32>
        %parallel_loop3A_284 = arith.constant 0 : i32
        %parallel_loop3A_285 = arith.constant 0 : i32
        %parallel_loop3A_286 = tpu.memref_slice %arg11[%parallel_loop3A_173, %parallel_loop3A_284, %parallel_loop3A_285] : memref<1x64x128xf32, #tpu.memory_space<vmem>> -> memref<1x64x128xf32, #tpu.memory_space<vmem>>
        %parallel_loop3A_287 = tpu.memref_squeeze %parallel_loop3A_286 : memref<1x64x128xf32, #tpu.memory_space<vmem>> -> memref<64x128xf32, #tpu.memory_space<vmem>>
        tpu.vector_store_idx %parallel_loop3A_287[%parallel_loop3A_280, %parallel_loop3A_188], %parallel_loop3A_283 : memref<64x128xf32, #tpu.memory_space<vmem>>[vector<16xi32>, vector<16xi32>], vector<16xf32>,
        %parallel_loop3A_288 = vector.broadcast %parallel_loop3A_182 : i32 to vector<16xi32>
        %parallel_loop3A_289 = arith.addi %and3A_73, %parallel_loop3A_288 : vector<16xi32>
        %parallel_loop3A_290 = tpu.vector_load_idx %arg7[%broadcast_in_dim3A_169, %parallel_loop3A_289] : memref<200x128xf32, #tpu.memory_space<vmem>>[vector<16xi32>, vector<16xi32>], vector<16xf32>,
        %parallel_loop3A_291 = tpu.vector_load_idx %arg9[%parallel_loop3A_188, %parallel_loop3A_289] : memref<128x128xf32, #tpu.memory_space<vmem>>[vector<16xi32>, vector<16xi32>], vector<16xf32>,
        %parallel_loop3A_292 = arith.addf %parallel_loop3A_291, %parallel_loop3A_290 : vector<16xf32>
        %parallel_loop3A_293 = arith.constant 0 : i32
        %parallel_loop3A_294 = arith.constant 0 : i32
        %parallel_loop3A_295 = tpu.memref_slice %arg11[%parallel_loop3A_173, %parallel_loop3A_293, %parallel_loop3A_294] : memref<1x64x128xf32, #tpu.memory_space<vmem>> -> memref<1x64x128xf32, #tpu.memory_space<vmem>>
        %parallel_loop3A_296 = tpu.memref_squeeze %parallel_loop3A_295 : memref<1x64x128xf32, #tpu.memory_space<vmem>> -> memref<64x128xf32, #tpu.memory_space<vmem>>
        tpu.vector_store_idx %parallel_loop3A_296[%parallel_loop3A_289, %parallel_loop3A_188], %parallel_loop3A_292 : memref<64x128xf32, #tpu.memory_space<vmem>>[vector<16xi32>, vector<16xi32>], vector<16xf32>,
        %parallel_loop3A_297 = vector.broadcast %parallel_loop3A_182 : i32 to vector<16xi32>
        %parallel_loop3A_298 = arith.addi %and3A_79, %parallel_loop3A_297 : vector<16xi32>
        %parallel_loop3A_299 = tpu.vector_load_idx %arg7[%broadcast_in_dim3A_169, %parallel_loop3A_298] : memref<200x128xf32, #tpu.memory_space<vmem>>[vector<16xi32>, vector<16xi32>], vector<16xf32>,
        %parallel_loop3A_300 = tpu.vector_load_idx %arg9[%parallel_loop3A_188, %parallel_loop3A_298] : memref<128x128xf32, #tpu.memory_space<vmem>>[vector<16xi32>, vector<16xi32>], vector<16xf32>,
        %parallel_loop3A_301 = arith.addf %parallel_loop3A_300, %parallel_loop3A_299 : vector<16xf32>
        %parallel_loop3A_302 = arith.constant 0 : i32
        %parallel_loop3A_303 = arith.constant 0 : i32
        %parallel_loop3A_304 = tpu.memref_slice %arg11[%parallel_loop3A_173, %parallel_loop3A_302, %parallel_loop3A_303] : memref<1x64x128xf32, #tpu.memory_space<vmem>> -> memref<1x64x128xf32, #tpu.memory_space<vmem>>
        %parallel_loop3A_305 = tpu.memref_squeeze %parallel_loop3A_304 : memref<1x64x128xf32, #tpu.memory_space<vmem>> -> memref<64x128xf32, #tpu.memory_space<vmem>>
        tpu.vector_store_idx %parallel_loop3A_305[%parallel_loop3A_298, %parallel_loop3A_188], %parallel_loop3A_301 : memref<64x128xf32, #tpu.memory_space<vmem>>[vector<16xi32>, vector<16xi32>], vector<16xf32>,
        %parallel_loop3A_306 = vector.broadcast %parallel_loop3A_182 : i32 to vector<16xi32>
        %parallel_loop3A_307 = arith.addi %and3A_85, %parallel_loop3A_306 : vector<16xi32>
        %parallel_loop3A_308 = tpu.vector_load_idx %arg7[%broadcast_in_dim3A_169, %parallel_loop3A_307] : memref<200x128xf32, #tpu.memory_space<vmem>>[vector<16xi32>, vector<16xi32>], vector<16xf32>,
        %parallel_loop3A_309 = tpu.vector_load_idx %arg9[%parallel_loop3A_188, %parallel_loop3A_307] : memref<128x128xf32, #tpu.memory_space<vmem>>[vector<16xi32>, vector<16xi32>], vector<16xf32>,
        %parallel_loop3A_310 = arith.addf %parallel_loop3A_309, %parallel_loop3A_308 : vector<16xf32>
        %parallel_loop3A_311 = arith.constant 0 : i32
        %parallel_loop3A_312 = arith.constant 0 : i32
        %parallel_loop3A_313 = tpu.memref_slice %arg11[%parallel_loop3A_173, %parallel_loop3A_311, %parallel_loop3A_312] : memref<1x64x128xf32, #tpu.memory_space<vmem>> -> memref<1x64x128xf32, #tpu.memory_space<vmem>>
        %parallel_loop3A_314 = tpu.memref_squeeze %parallel_loop3A_313 : memref<1x64x128xf32, #tpu.memory_space<vmem>> -> memref<64x128xf32, #tpu.memory_space<vmem>>
        tpu.vector_store_idx %parallel_loop3A_314[%parallel_loop3A_307, %parallel_loop3A_188], %parallel_loop3A_310 : memref<64x128xf32, #tpu.memory_space<vmem>>[vector<16xi32>, vector<16xi32>], vector<16xf32>,
        %parallel_loop3A_315 = vector.broadcast %parallel_loop3A_182 : i32 to vector<16xi32>
        %parallel_loop3A_316 = arith.addi %and3A_91, %parallel_loop3A_315 : vector<16xi32>
        %parallel_loop3A_317 = tpu.vector_load_idx %arg7[%broadcast_in_dim3A_169, %parallel_loop3A_316] : memref<200x128xf32, #tpu.memory_space<vmem>>[vector<16xi32>, vector<16xi32>], vector<16xf32>,
        %parallel_loop3A_318 = tpu.vector_load_idx %arg9[%parallel_loop3A_188, %parallel_loop3A_316] : memref<128x128xf32, #tpu.memory_space<vmem>>[vector<16xi32>, vector<16xi32>], vector<16xf32>,
        %parallel_loop3A_319 = arith.addf %parallel_loop3A_318, %parallel_loop3A_317 : vector<16xf32>
        %parallel_loop3A_320 = arith.constant 0 : i32
        %parallel_loop3A_321 = arith.constant 0 : i32
        %parallel_loop3A_322 = tpu.memref_slice %arg11[%parallel_loop3A_173, %parallel_loop3A_320, %parallel_loop3A_321] : memref<1x64x128xf32, #tpu.memory_space<vmem>> -> memref<1x64x128xf32, #tpu.memory_space<vmem>>
        %parallel_loop3A_323 = tpu.memref_squeeze %parallel_loop3A_322 : memref<1x64x128xf32, #tpu.memory_space<vmem>> -> memref<64x128xf32, #tpu.memory_space<vmem>>
        tpu.vector_store_idx %parallel_loop3A_323[%parallel_loop3A_316, %parallel_loop3A_188], %parallel_loop3A_319 : memref<64x128xf32, #tpu.memory_space<vmem>>[vector<16xi32>, vector<16xi32>], vector<16xf32>,
        %parallel_loop3A_324 = vector.broadcast %parallel_loop3A_182 : i32 to vector<16xi32>
        %parallel_loop3A_325 = arith.addi %and3A_97, %parallel_loop3A_324 : vector<16xi32>
        %parallel_loop3A_326 = tpu.vector_load_idx %arg7[%broadcast_in_dim3A_169, %parallel_loop3A_325] : memref<200x128xf32, #tpu.memory_space<vmem>>[vector<16xi32>, vector<16xi32>], vector<16xf32>,
        %parallel_loop3A_327 = tpu.vector_load_idx %arg9[%parallel_loop3A_188, %parallel_loop3A_325] : memref<128x128xf32, #tpu.memory_space<vmem>>[vector<16xi32>, vector<16xi32>], vector<16xf32>,
        %parallel_loop3A_328 = arith.addf %parallel_loop3A_327, %parallel_loop3A_326 : vector<16xf32>
        %parallel_loop3A_329 = arith.constant 0 : i32
        %parallel_loop3A_330 = arith.constant 0 : i32
        %parallel_loop3A_331 = tpu.memref_slice %arg11[%parallel_loop3A_173, %parallel_loop3A_329, %parallel_loop3A_330] : memref<1x64x128xf32, #tpu.memory_space<vmem>> -> memref<1x64x128xf32, #tpu.memory_space<vmem>>
        %parallel_loop3A_332 = tpu.memref_squeeze %parallel_loop3A_331 : memref<1x64x128xf32, #tpu.memory_space<vmem>> -> memref<64x128xf32, #tpu.memory_space<vmem>>
        tpu.vector_store_idx %parallel_loop3A_332[%parallel_loop3A_325, %parallel_loop3A_188], %parallel_loop3A_328 : memref<64x128xf32, #tpu.memory_space<vmem>>[vector<16xi32>, vector<16xi32>], vector<16xf32>,
      } {sc.loop_unroll_factor = 4 : i64, sc.parallel_access}
      %dma_start3A_174 = arith.constant 0 : i32
      %dma_start3A_175 = tpu.memref_slice %arg5[%add3A_152, %dma_start3A_174, %mul3A_2] : memref<200x64x4096xf32, #tpu.memory_space<hbm>> -> memref<1x64x128xf32, #tpu.memory_space<hbm>>
      %dma_start3A_176 = arith.constant 0 : i32
      %dma_start3A_177 = tpu.memref_slice %arg5[%add3A_152, %dma_start3A_176, %mul3A_2] : memref<200x64x4096xf32, #tpu.memory_space<hbm>> -> memref<1x64x128xf32, #tpu.memory_space<hbm>>
      tpu.enqueue_dma source(%arg11 : memref<1x64x128xf32, #tpu.memory_space<vmem>>) target(%dma_start3A_177 : memref<1x64x128xf32, #tpu.memory_space<hbm>>) target_semaphore(%arg15 : memref<!tpu.dma_semaphore, #tpu.memory_space<semaphore_mem>>)
    }
    %scan3A_108 = arith.constant 100 : i32
    %dma_wait3A = arith.constant 0 : i32
    %dma_wait3A_109 = arith.constant 0 : i32
    %dma_wait3A_110 = tpu.memref_slice %arg5[%dma_wait3A, %dma_wait3A_109, %mul3A_2] : memref<200x64x4096xf32, #tpu.memory_space<hbm>> -> memref<1x64x128xf32, #tpu.memory_space<hbm>>
    %dma_wait3A_111 = arith.constant 0 : i32
    %dma_wait3A_112 = arith.constant 0 : i32
    %dma_wait3A_113 = tpu.memref_slice %arg5[%dma_wait3A_111, %dma_wait3A_112, %mul3A_2] : memref<200x64x4096xf32, #tpu.memory_space<hbm>> -> memref<1x64x128xf32, #tpu.memory_space<hbm>>
    tpu.wait_dma2 semaphore(%arg14 : memref<!tpu.dma_semaphore, #tpu.memory_space<semaphore_mem>>) src(%arg10 : memref<1x64x128xf32, #tpu.memory_space<vmem>>) dst(%dma_wait3A_113 : memref<1x64x128xf32, #tpu.memory_space<hbm>>)
    %dma_wait3A_114 = arith.constant 0 : i32
    %dma_wait3A_115 = arith.constant 0 : i32
    %dma_wait3A_116 = tpu.memref_slice %arg5[%dma_wait3A_114, %dma_wait3A_115, %mul3A_2] : memref<200x64x4096xf32, #tpu.memory_space<hbm>> -> memref<1x64x128xf32, #tpu.memory_space<hbm>>
    %dma_wait3A_117 = arith.constant 0 : i32
    %dma_wait3A_118 = arith.constant 0 : i32
    %dma_wait3A_119 = tpu.memref_slice %arg5[%dma_wait3A_117, %dma_wait3A_118, %mul3A_2] : memref<200x64x4096xf32, #tpu.memory_space<hbm>> -> memref<1x64x128xf32, #tpu.memory_space<hbm>>
    tpu.wait_dma2 semaphore(%arg15 : memref<!tpu.dma_semaphore, #tpu.memory_space<semaphore_mem>>) src(%arg11 : memref<1x64x128xf32, #tpu.memory_space<vmem>>) dst(%dma_wait3A_119 : memref<1x64x128xf32, #tpu.memory_space<hbm>>)
    return
  }
}

</mosaic_0001>

<sc_bundles>
// kernel: kernel.3.cloned.1.call-start
scs
__scs_entry_jumppad:
0x0: {  	(pc) =	sbr.rel $0x88, $3  }
0x1: {  	(tag) =	ssettag $0x0;
	lr =	simm.s32 $0x1  }
0x2: {  	[smem:$0x3F9F] =	sst lr;
	_ =	strace $0xD0000000  }
0x3: {  	_ = 	snop  }
0x4: {  	_ = 	snop  }
0x5: {  	_ = 	snop  }
0x6: {  	_ = 	snop  }
0x7: {  	_ = 	snop  }
__scs_overlays_trampoline_lowered:
0x8: {  	[smem:$0x3FAE] =	sst s0  }
0x9: {  	[smem:$0x3FAF] =	sst s1  }
0xa: {  	[smem:$0x3FB0] =	sst s2  }
0xb: {  	[smem:$0x3FB1] =	sst s3  }
0xc: {  	[smem:$0x3FB2] =	sst s4  }
0xd: {  	[smem:$0x3FB3] =	sst s5  }
0xe: {  	[smem:$0x3FB4] =	sst s6  }
0xf: {  	[smem:$0x3FB5] =	sst s7  }
0x10: {  	[smem:$0x3FB6] =	sst s8  }
0x11: {  	[smem:$0x3FB7] =	sst s9;
	s0 =	simm.s32 @!p0 $0x0  }
0x12: {  	s1 =	sld [smem:$0x3F9D];
	s0 =	simm.s32 @p0 $0x1  }
0x13: {  	[smem:$0x3FB8] =	sst s0;
	s0 =	simm.s32 @!p1 $0x0  }
0x14: {  	s2 =	sld [smem:$0x3F9C];
	s0 =	simm.s32 @p1 $0x1  }
0x15: {  	[smem:$0x3FB9] =	sst s0;
	s0 =	simm.s32 @!p2 $0x0  }
0x16: {  	s3 =	sld [smem:$0x3FDB];
	s0 =	simm.s32 @p2 $0x1  }
0x17: {  	s4 =	simm.s32 $0x1BF5;
	[smem:$0x3FBB] =	sst s0  }
0x18: {  	s0 =	sld [smem:$0x3F9E];
	_ =	swait.ge [sflag:s4], $0x0  }
0x19: {  	s7 =	sld [smem:$0x3F9F]  }
0x1a: {  	s8 =	sadd.s32 $0xFFFFE003, lr  }
0x1b: {  	s9 =	sadd.s32 $0xFFFFFEF7, lr;
	s5 =	simm.s32 $0xFFFFFFFF;
	p2 =	slt.u32 s8, $0xFFFFF086  }
0x1c: {  	p1 =	slt.u32 s9, $0xF7A;
	s5 =	simm.s32 @!p2 $0x0  }
0x1d: {  	s5 =	simm.s32 @p1 $0x1;
	p0 =	seq.s32 s7, s2  }
0x1e: {  	s7 =	smul.u32 @!p0 $0xF7A, s2;
	p2 =	seq.s32 @!p0 s5, $0x0  }
0x1f: {  	s9 =	smul.u32 $0xF7A, s1;
	s8 =	simm.s32 @!p0 $0x1BF5;
	p2 =	por !p2, p0  }
0x20: {  	[sflag:s8] =	ssyncset.s32 @!p0 $0xFFFFF086;
	s6 =	sadd.s32 @!p0 s3, s7;
	s7 =	simm.s32 @!p0 $0x108  }
0x21: {  	s3 =	sadd.s32 s3, s9;
	s6 =	sadd.s32 @!p0 $0x88, s6;
	s7 =	simm.s32 @p2 $0x1082  }
0x22: {  	[simem:s7], [sflag:s8] =	dma.local @!p0 [hbm:s6], $0xF7A  }
0x23: {  	s9 =	sor.u32 $0xD0000000, s2;
	s6 =	simm.s32 $0x108;
	_ =	swait.ge @!p0 [sflag:s8], $0x0  }
0x24: {  	s3 =	sadd.s32 $0x88, s3;
	s6 =	simm.s32 @!p1 $0x1082;
	[sflag:s4] =	ssyncset.s32 $0xFFFFF086  }
0x25: {  	[simem:s6], [sflag:s4] =	dma.local [hbm:s3], $0xF7A  }
0x26: {  	[smem:$0x3F9F] =	sst s1;
	(tag) =	ssettag s2;
	_ =	strace s9  }
0x27: {  	s1 =	sld [smem:$0x3FAF]  }
0x28: {  	s2 =	sld [smem:$0x3FB0]  }
0x29: {  	s4 =	sld [smem:$0x3FB2]  }
0x2a: {  	p0 =	seq.s32 s5, $0x0;
	s5 =	sld [smem:$0x3FB3]  }
0x2b: {  	s6 =	sld [smem:$0x3FB4]  }
0x2c: {  	s7 =	sld [smem:$0x3FB5]  }
0x2d: {  	s3 =	simm.s32 $0x108;
	s8 =	sld [smem:$0x3FB6]  }
0x2e: {  	s3 =	simm.s32 @!p0 $0x1082;
	s9 =	sld [smem:$0x3FB7]  }
0x2f: {  	lr =	sadd.s32 s0, s3;
	s0 =	sld [smem:$0x3FAE]  }
0x30: {  	s3 =	sld [smem:$0x3FB1]  }
0x31: {  	[smem:$0x3FBA] =	sst s10  }
0x32: {  	s10 =	sld [smem:$0x3FB8];
	_ =	sdelay $0x3  }
0x33: {  	p0 =	seq.s32 s10, $0x1;
	s10 =	sld [smem:$0x3FBA];
	_ =	sdelay $0x3  }
0x34: {  	[smem:$0x3FBA] =	sst s10  }
0x35: {  	s10 =	sld [smem:$0x3FB9];
	_ =	sdelay $0x3  }
0x36: {  	p1 =	seq.s32 s10, $0x1;
	s10 =	sld [smem:$0x3FBA];
	_ =	sdelay $0x3  }
0x37: {  	[smem:$0x3FBA] =	sst s10  }
0x38: {  	s10 =	sld [smem:$0x3FBB]  }
0x39: {  	_ = 	snop;
	(pc) =	sbr.ind lr, $3  }
0x3a: {  	_ = 	snop  }
0x3b: {  	_ = 	snop  }
0x3c: {  	p2 =	seq.s32 s10, $0x1;
	s10 =	sld [smem:$0x3FBA]  }
0x3d: {  	_ =	shalt  }
0x3e: {  	_ =	shalt  }
0x3f: {  	_ =	shalt  }
0x40: {  	_ =	shalt  }
0x41: {  	_ =	shalt  }
0x42: {  	_ =	shalt  }
0x43: {  	_ =	shalt  }
0x44: {  	_ =	shalt  }
0x45: {  	_ =	shalt  }
0x46: {  	_ =	shalt  }
0x47: {  	_ =	shalt  }
0x48: {  	_ =	shalt  }
0x49: {  	_ =	shalt  }
0x4a: {  	_ =	shalt  }
0x4b: {  	_ =	shalt  }
0x4c: {  	_ =	shalt  }
0x4d: {  	_ =	shalt  }
0x4e: {  	_ =	shalt  }
0x4f: {  	_ =	shalt  }
0x50: {  	_ =	shalt  }
0x51: {  	_ =	shalt  }
0x52: {  	_ =	shalt  }
0x53: {  	_ =	shalt  }
0x54: {  	_ =	shalt  }
0x55: {  	_ =	shalt  }
0x56: {  	_ =	shalt  }
0x57: {  	_ =	shalt  }
0x58: {  	_ =	shalt  }
0x59: {  	_ =	shalt  }
0x5a: {  	_ =	shalt  }
0x5b: {  	_ =	shalt  }
0x5c: {  	_ =	shalt  }
0x5d: {  	_ =	shalt  }
0x5e: {  	_ =	shalt  }
0x5f: {  	_ =	shalt  }
0x60: {  	_ =	shalt  }
0x61: {  	_ =	shalt  }
0x62: {  	_ =	shalt  }
0x63: {  	_ =	shalt  }
0x64: {  	_ =	shalt  }
0x65: {  	_ =	shalt  }
0x66: {  	_ =	shalt  }
0x67: {  	_ =	shalt  }
0x68: {  	_ =	shalt  }
0x69: {  	_ =	shalt  }
0x6a: {  	_ =	shalt  }
0x6b: {  	_ =	shalt  }
0x6c: {  	_ =	shalt  }
0x6d: {  	_ =	shalt  }
0x6e: {  	_ =	shalt  }
0x6f: {  	_ =	shalt  }
0x70: {  	_ =	shalt  }
0x71: {  	_ =	shalt  }
0x72: {  	_ =	shalt  }
0x73: {  	_ =	shalt  }
0x74: {  	_ =	shalt  }
0x75: {  	_ =	shalt  }
0x76: {  	_ =	shalt  }
0x77: {  	_ =	shalt  }
0x78: {  	_ =	shalt  }
0x79: {  	_ =	shalt  }
0x7a: {  	_ =	shalt  }
0x7b: {  	_ =	shalt  }
0x7c: {  	_ =	shalt  }
0x7d: {  	_ =	shalt  }
0x7e: {  	_ =	shalt  }
0x7f: {  	_ =	shalt  }
0x80: {  	_ =	shalt  }
0x81: {  	_ =	shalt  }
0x82: {  	_ =	shalt  }
0x83: {  	_ =	shalt  }
0x84: {  	_ =	shalt  }
0x85: {  	_ =	shalt  }
0x86: {  	_ =	shalt  }
0x87: {  	_ =	shalt  }
.Lfunc_end0:
.L_simem_size_0:
called_computation_lowered:
.L_overlay_start_0:
0x88: {  	s2 =	sld [smem:$0x3FD9]  }
0x89: {  	s3 =	sld [smem:$0x3FFE];
	_ =	sdelay $0x1  }
0x8a: {  	s1 =	srdreg.scid  }
0x8b: {  	s0 =	sand.u32 $0x1, s1  }
0x8c: {  	s17 =	sshll.u32 s0, $0xA;
	s2 =	sadd.s32 s3, s2  }
0x8d: {  	s2 =	sadd.s32 s2, s17  }
0x8e: {  	[smem:$0x3FC6] =	sst s2  }
0x8f: {  	_ = 	snop  }
0x90: {  	s2 =	sld [smem:$0x3FC9]  }
0x91: {  	s18 =	sld [smem:$0x3FD0];
	(tm) =	ssettm $0x1  }
0x92: {  	s4 =	sld [smem:$0x3FFB];
	_ =	sdelay $0x3  }
0x93: {  	_ =	strace s4  }
0x94: {  	s4 =	sld [smem:$0x3FFC];
	_ =	sdelay $0x3  }
0x95: {  	_ =	strace s4  }
0x96: {  	s4 =	sld [smem:$0x3FFD];
	_ =	sdelay $0x3  }
0x97: {  	_ =	strace s4  }
0x98: {  	_ =	strace $0x8FFFFFFF  }
0x99: {  	s19 =	sld [smem:$0x3FDB];
	_ =	sdelay $0x1  }
0x9a: {  	s5 =	simm.s32 $_scs_section_size  }
0x9b: {  	s6 =	simm.s32 $_size__tile_overlayer_lowered;
	s7 =	simm.s32 $_tile_overlayer_lowered  }
0x9c: {  	s22 =	simm.s32 $0x1BFF;
	s21 =	sshll.u32 s7, $0x1;
	s4 =	sadd.s32 s5, s19  }
0x9d: {  	s8 =	simm.s32 $0x0;
	s20 =	sshll.u32 s6, $0x1;
	s6 =	sadd.s32 s21, s4  }
0x9e: {  	[timem:s8], [sflag:s22] =	dma.local [hbm:s6], s20  }
0x9f: {  	_ =	swait.ge [sflag:s22], s20  }
0xa0: {  	s5 =	ssub.s32 $0x0, s20;
	[sflag:s22] =	ssyncset.done $0x0  }
0xa1: {  	[sflag:s22] =	ssyncadd.s32 s5;
	_ =	sdelay $0x1  }
0xa2: {  	s23 =	simm.s32 $0x1B8B  }
0xa3: {  	_ =	swait.ge [sflag:s23], $0x1  }
0xa4: {  	[sflag:s23] =	ssyncset.done $0x0  }
0xa5: {  	s25 =	simm.s32 $0x1B8E;
	s24 =	sld [smem:$0x3FFE];
	[sflag:s23] =	ssyncadd.s32 $0xFFFFFFFF  }
0xa6: {  	s26 =	simm.s32 $execute0_lowered;
	[smem:$0x3FD2] =	sst s25  }
0xa7: {  	s6 =	sshll.u32 s26, $0x1;
	_ =	strace $0x80000046;
	[dreg:$0x1] =	wrdreg $0xFFFFFFFF  }
0xa8: {  	s28 =	simm.s32 $_size_execute0_lowered;
	s4 =	sadd.s32 s4, s6;
	[dreg:$0x0] =	wrdreg $0x0  }
0xa9: {  	s6 =	sshll.u32 s28, $0x1;
	[dreg:$0x2] =	wrdreg s4  }
0xaa: {  	[dreg:$0x3] =	wrdreg s6  }
0xab: {  	[dreg:$0x4] =	wrdreg $0xC0  }
0xac: {  	_ =	task [dreg:s8], $0x5FFFF  }
0xad: {  	[dreg:$0x1] =	wrdreg $0xFFFFFFFF  }
0xae: {  	[dreg:$0x0] =	wrdreg $0x60  }
0xaf: {  	[dreg:$0x2] =	wrdreg s24  }
0xb0: {  	[dreg:$0x3] =	wrdreg s2  }
0xb1: {  	[dreg:$0x4] =	wrdreg s18  }
0xb2: {  	[dreg:$0x5] =	wrdreg $0x9  }
0xb3: {  	_ =	task.clear_ibuf [dreg:s8], $0x6FFFF;
	_ =	strace $0x90000046  }
0xb4: {  	s29 =	simm.s32 $0x9;
	_ =	strace $0x80000048  }
0xb5: {  	_ =	swait.ge [sflag:s29], $0x1  }
0xb6: {  	[sflag:s29] =	ssyncadd.s32 $0xFFFFFFFF  }
0xb7: {  	_ =	strace $0x90000048  }
0xb8: {  	_ =	sfence  }
0xb9: {  	s30 =	sld [smem:$0x0];
	_ =	sdelay $0x2  }
0xba: {  	s31 =	sshll.u32 s1, $0xD;
	s1 =	sshrl.u32 s1, $0x2  }
0xbb: {  	s3 =	sand.u32 $0x4000, s31;
	s1 =	sadd.s32 s1, s30  }
0xbc: {  	s0 =	sor.u32 s3, s0;
	s1 =	sshll.u32 s1, $0x11  }
0xbd: {  	s0 =	sor.u32 s1, s0  }
0xbe: {  	s0 =	sadd.s32 $0x8F2B, s0  }
0xbf: {  	[sflag:s0] =	ssyncadd.remote.s32 $0x1  }
0xc0: {  	_ =	sfence.sel $0xFFFF  }
0xc1: {  	[dreg:$0x0] =	wrdreg $0xFFFFFFFF;
	(pc) =	sbr.abs _section_cstart, $3  }
0xc2: {  	[dreg:$0x1] =	wrdreg $0xFFFFFFFF  }
0xc3: {  	_ =	task.clear_ibuf [dreg:s8], $0x2FFFF;
	_ =	strace $0x9FFFFFFF  }
0xc4: {  	(tm) =	ssettm $0x7FFFFFFF  }
0xc5: {  	_ =	shalt  }
tec
execute0_lowered:
.L_overlay_start_1:
0x0: {  	(tag) =	ssettag $0x1  }
0x1: {  	v0 =	vimm.s32 $0xFEDCBA9  }
0x2: {  	v2 =	vimm.s32 $0x87654321;
	v3 =	vimm.s32 $0x98765432;
	v4 =	vimm.s32 $0x210FEDCB  }
0x3: {  	v5 =	vimm.s32 $0xA9876543;
	v15 =	vimm.s32 $0xCBA98765;
	v36 =	vimm.s32 $0x543210FE  }
0x4: {  	v37 =	vimm.s32 $0xDCBA9876;
	v17 =	vimm.s32 $0x6543210F;
	v18 =	vimm.s32 $0xEDCBA987  }
0x5: {  	v19 =	vimm.s32 $0xFEDCBA98;
	v20 =	vimm.s32 $0x76543210;
	v1 =	vunpack.c.l.s4.s8 v0  }
0x6: {  	v3 =	vunpack.c.l.s4.s8 v3;
	v4 =	vunpack.c.l.s4.s8 v4;
	v33 =	vunpack.c.l.s4.s8 v15  }
0x7: {  	v17 =	vunpack.c.l.s4.s8 v17;
	v18 =	vunpack.c.l.s4.s8 v18;
	v19 =	vunpack.c.l.s4.s8 v19  }
0x8: {  	v38 =	vunpack.c.l.s4.s8 v20;
	v7 =	vunpack.c.0.s8.s32 v1;
	v1 =	vunpack.c.l.s4.s8 v2  }
0x9: {  	v2 =	vimm.s32 $0x10FEDCBA;
	v10 =	vunpack.c.0.s8.s32 v3;
	v11 =	vunpack.c.0.s8.s32 v4  }
0xa: {  	v2 =	vunpack.c.l.s4.s8 v2;
	v8 =	vunpack.c.0.s8.s32 v1;
	v1 =	vunpack.c.l.s4.s8 v5  }
0xb: {  	v16 =	vunpack.c.0.s8.s32 v33;
	v17 =	vunpack.c.0.s8.s32 v17;
	v18 =	vunpack.c.0.s8.s32 v18  }
0xc: {  	v9 =	vunpack.c.0.s8.s32 v2;
	v2 =	vimm.s32 $0x3210FEDC;
	v12 =	vunpack.c.0.s8.s32 v1  }
0xd: {  	v1 =	vunpack.c.l.s4.s8 v2;
	v2 =	vimm.s32 $0xBA987654;
	v3 =	vcombine.low v8, v7  }
0xe: {  	s0 =	rddreg [dreg:$0x0];
	s4 =	srdreg.scid;
	v23 =	vcombine.low v18, v17;
	v57 =	vcombine.low v17, v18;
	v2 =	vunpack.c.l.s4.s8 v2  }
0xf: {  	s7 =	rddreg [dreg:$0x1];
	s5 =	sand.u32 $0x1, s4;
	s4 =	simm.s32 $0x0;
	v41 =	vcombine.low v7, v8;
	v31 =	vcombine.low v10, v9;
	v0 =	vand.u32 $0xF, v3  }
0x10: {  	[smem:$0x7FF] =	sst s4;
	v63 =	vand.u32 $0xF, v23;
	v14 =	vunpack.c.0.s8.s32 v2;
	[tilespmem:$0x1FF10] =	vst v0;
	v2 =	vand.u32 $0xF, v57  }
0x11: {  	s2 =	rddreg [dreg:$0x2];
	v10 =	vcombine.low v9, v10;
	v32 =	vcombine.low v12, v11;
	v61 =	vand.u32 $0xF, v31;
	_ =	strace $0x80000047;
	[tilespmem:$0x1FF20] =	vst v2  }
0x12: {  	v13 =	vunpack.c.0.s8.s32 v1;
	v1 =	vimm.s32 $0x43210FED;
	v11 =	vcombine.low v11, v12;
	[tilespmem:$0x1FF30] =	vst v61  }
0x13: {  	v4 =	vunpack.c.l.s4.s8 v36;
	v54 =	vand.u32 $0xF, v41;
	v6 =	vunpack.c.l.s4.s8 v1;
	[tilespmem:$0x1FF80] =	vst v63  }
0x14: {  	v19 =	vunpack.c.0.s8.s32 v19;
	v47 =	vand.u32 $0xF, v10;
	v51 =	vand.u32 $0xF, v11;
	[tilespmem:$0x1FF90] =	vst v54  }
0x15: {  	[tilespmem:$0x1FFA0] =	vst v47;
	v34 =	vcombine.low v14, v13;
	v35 =	vunpack.c.0.s8.s32 v6;
	v6 =	vunpack.c.l.s4.s8 v37  }
0x16: {  	s1 =	stileid.u32;
	v21 =	vunpack.c.0.s8.s32 v4;
	v1 =	vand.u32 $0xF, v32;
	v42 =	vcombine.low v13, v14;
	[tilespmem:$0x1FFB0] =	vst v51  }
0x17: {  	s11 =	simm.s32 $0x5;
	s12 =	simm.s32 $0x6400;
	s13 =	simm.s32 $0x80;
	[tilespmem:$0x1FFD0] =	vst v1;
	v22 =	vunpack.c.0.s8.s32 v6;
	v62 =	vand.u32 $0xF, v34;
	v39 =	vcombine.low v16, v35  }
0x18: {  	s14 =	simm.s32 $0xC800;
	s15 =	simm.s32 $0x10800;
	s16 =	simm.s32 $0x1;
	v6 =	vunpack.c.0.s8.s32 v38;
	v43 =	vcombine.low v35, v16;
	v52 =	vand.u32 $0xF, v42;
	[tilespmem:$0x1FF40] =	vst v62  }
0x19: {  	s17 =	simm.s32 $0x14800;
	s18 =	simm.s32 $0x2;
	s19 =	simm.s32 $0x4;
	v19 =	vand.u32 $0xF, v19;
	[tilespmem:$0x1FFC0] =	vst v52;
	v58 =	vand.u32 $0xF, v39  }
0x1a: {  	s20 =	simm.s32 $0x16800;
	s21 =	simm.s32 $0x3;
	s22 =	simm.s32 $0x0;
	v40 =	vcombine.low v22, v21;
	v59 =	vcombine.low v19, v6;
	v11 =	vand.u32 $0xF, v43;
	[tilespmem:$0x1FF50] =	vst v58  }
0x1b: {  	s6 =	sshll.u32 s1, $0xB;
	s8 =	sshll.u32 s5, $0xA;
	s9 =	ssub.s32 $0x2, s5;
	v56 =	vcombine.low v21, v22;
	[tilespmem:$0x1FFE0] =	vst v11  }
0x1c: {  	s5 =	sor.u32 s8, s6;
	s31 =	sshrl.u32 s9, $0x1;
	s6 =	sadd.s32 $0xE00, s0;
	v60 =	vand.u32 $0xF, v40;
	[tilespmem:$0x1FF60] =	vst v59  }
0x1d: {  	s10 =	sshrl.u32 s5, $0x3;
	s8 =	ssub.s32 s9, s31;
	s9 =	simm.s32 $0x400;
	v0 =	vand.u32 $0xF, v56;
	[tilespmem:$0x1FF70] =	vst v60  }
0x1e: {  	s7 =	sadd.s32 s7, s10;
	s8 =	smax.u32 s8, $0x1;
	s10 =	simm.s32 $0x8000;
	[tilespmem:$0x1FFF0] =	vst v0  }
.LBB2_1:
0x1f: {  	[tilespmem:s4], [sflag:$0x5] =	stream.strided.gather [hbm4b:s7+s9], $0x6400, s10, s9, $0x38;
	[tilespmem:$0x18800] =	vst v63  }
0x20: {  	_ =	swait.ge [sflag:s11], $0x6400  }
0x21: {  	[sflag:s11] =	ssyncset.done $0x0  }
0x22: {  	[sflag:s11] =	ssyncadd.s32 $0xFFFF9C00  }
0x23: {  	s0 =	rddreg [dreg:$0x0]  }
0x24: {  	[tilespmem:s12], [sflag:$0x5] =	stream.linear.gather [hbm4b:s0+s4], $0x6400, $0x38;
	[tilespmem:$0x18800] =	vst v63  }
0x25: {  	_ =	swait.ge [sflag:s11], $0x6400  }
0x26: {  	[sflag:s11] =	ssyncset.done $0x0  }
0x27: {  	s23 =	simm.s32 $0x0;
	[sflag:s11] =	ssyncadd.s32 $0xFFFF9C00  }
0x28: {  	[tilespmem:s14], [sflag:$0x1] =	stream.indirect.gather [hbm4b:s6+s13], $0x80, s4, s13, $0xb8;
	[tilespmem:$0x18800] =	vst v63  }
.LBB2_2:
0x29: {  	s24 =	sshllo.u32 s23, $0x1;
	s3 =	simm.s32 $0x0;
	s28 =	sshll.u32 s23, $0x1  }
0x2a: {  	s25 =	sshll.u32 s24, $0x7;
	s30 =	sand.u32 $0x40, s3;
	s28 =	sshll.u32 s28, $0x7  }
0x2b: {  	s29 =	sand.u32 $0x30, s3;
	s26 =	sand.u32 $0x3FFFFF80, s25;
	s31 =	sor.u32 $0x30, s30  }
0x2c: {  	v15 =	vlaneseq.u32;
	[tilespmem:s15], [sflag:$0x2] =	stream.indirect.gather [hbm4b:s6+s13], $0x80, s26, s13, $0xb8;
	[tilespmem:$0x18800] =	vst v63  }
0x2d: {  	v16 =	vmov s28;
	v17 =	vor.u32 s29, v15;
	v30 =	vor.u32 s31, v15;
	_ =	swait.ge [sflag:s16], $0x4000  }
0x2e: {  	p0 =	seq.s32 s23, $0x0;
	s0 =	sor.u32 $0x10, s30;
	v18 =	vor.u32 v16, v17;
	v32 =	vshll.u32 v30, $0x7;
	[sflag:s16] =	ssyncset.done $0x0  }
0x2f: {  	s28 =	simm.s32 @!p0 $0x3;
	v27 =	vor.u32 s0, v15;
	v19 =	vor.u32 v17, v32;
	[sflag:s16] =	ssyncadd.s32 $0xFFFFC000  }
0x30: {  	v31 =	vshll.u32 v27, $0x7;
	_ =	swait.ge @!p0 [sflag:s28], $0x2000  }
0x31: {  	s1 =	sor.u32 $0x20, s30;
	v20 =	vor.u32 v17, v31;
	[sflag:s28] =	ssyncset.done @!p0 $0x0;
	v2 =	vld [tilespmem:$0x1FF10]  }
0x32: {  	v28 =	vor.u32 s1, v15;
	[sflag:s28] =	ssyncadd.s32 @!p0 $0xFFFFE000  }
0x33: {  	v29 =	vshll.u32 v28, $0x7;
	v18 =	vld.idx.msk [tilespmem:v18+s12+$0x0], $0xffff  }
0x34: {  	v26 =	vor.u32 s30, v15;
	v21 =	vor.u32 v17, v29;
	v19 =	vld.idx.msk [tilespmem:v19+s14+$0x0], $0xffff  }
0x35: {  	v49 =	vshll.u32 v26, $0x7;
	v22 =	vshll.u32 v17, $0x7  }
0x36: {  	v24 =	vor.u32 v30, v22;
	v17 =	vor.u32 v17, v49;
	v20 =	vld.idx.msk [tilespmem:v20+s14+$0x0], $0xffff;
	v23 =	vor.u32 s29, v2  }
0x37: {  	v33 =	vor.u32 v16, v23  }
0x38: {  	v34 =	vor.u32 v27, v22;
	v35 =	vor.u32 v23, v32  }
0x39: {  	v21 =	vld.idx.msk [tilespmem:v21+s14+$0x0], $0xffff;
	v19 =	vadd.f32 v19, v18  }
0x3a: {  	v36 =	vor.u32 v23, v31  }
0x3b: {  	v37 =	vor.u32 v28, v22;
	v17 =	vld.idx.msk [tilespmem:v17+s14+$0x0], $0xffff;
	v20 =	vadd.f32 v20, v18;
	[tilespmem:v24+s17+$0x0] =	vst.idx.msk $0xffff, v19  }
0x3c: {  	v19 =	vld.idx.msk [tilespmem:v33+s12+$0x0], $0xffff  }
0x3d: {  	v22 =	vor.u32 v26, v22;
	v24 =	vor.u32 v23, v29;
	[tilespmem:v34+s17+$0x0] =	vst.idx.msk $0xffff, v20;
	v20 =	vld.idx.msk [tilespmem:v35+s14+$0x0], $0xffff  }
0x3e: {  	v57 =	vshll.u32 v23, $0x7;
	v21 =	vadd.f32 v21, v18;
	v34 =	vld.idx.msk [tilespmem:v33+s12+$0x0], $0xffff  }
0x3f: {  	v38 =	vor.u32 s29, v61;
	v39 =	vor.u32 v30, v57;
	v23 =	vor.u32 v23, v49;
	v36 =	vld.idx.msk [tilespmem:v36+s14+$0x0], $0xffff  }
0x40: {  	v17 =	vadd.f32 v17, v18;
	v18 =	vor.u32 v16, v38;
	[tilespmem:v37+s17+$0x0] =	vst.idx.msk $0xffff, v21  }
0x41: {  	v40 =	vor.u32 v38, v32;
	v21 =	vor.u32 v27, v57;
	v37 =	vld.idx.msk [tilespmem:v33+s12+$0x0], $0xffff  }
0x42: {  	[tilespmem:v22+s17+$0x0] =	vst.idx.msk $0xffff, v17;
	v17 =	vld.idx.msk [tilespmem:v24+s14+$0x0], $0xffff;
	v19 =	vadd.f32 v20, v19  }
0x43: {  	v22 =	vld.idx.msk [tilespmem:v33+s12+$0x0], $0xffff;
	v20 =	vor.u32 v38, v31  }
0x44: {  	v24 =	vor.u32 v28, v57;
	v23 =	vld.idx.msk [tilespmem:v23+s14+$0x0], $0xffff;
	v3 =	vadd.f32 v36, v34;
	[tilespmem:v39+s17+$0x0] =	vst.idx.msk $0xffff, v19  }
0x45: {  	v19 =	vld.idx.msk [tilespmem:v18+s12+$0x0], $0xffff  }
0x46: {  	v5 =	vor.u32 v38, v29;
	v4 =	vor.u32 v26, v57;
	[tilespmem:v21+s17+$0x0] =	vst.idx.msk $0xffff, v3;
	v21 =	vld.idx.msk [tilespmem:v40+s14+$0x0], $0xffff  }
0x47: {  	v6 =	vshll.u32 v38, $0x7;
	v33 =	vld.idx.msk [tilespmem:v18+s12+$0x0], $0xffff;
	v17 =	vadd.f32 v17, v37  }
0x48: {  	v44 =	vor.u32 s29, v1;
	v7 =	vor.u32 v38, v49;
	v45 =	vor.u32 v30, v6;
	v20 =	vld.idx.msk [tilespmem:v20+s14+$0x0], $0xffff  }
0x49: {  	v22 =	vadd.f32 v23, v22;
	v23 =	vor.u32 v16, v44;
	[tilespmem:v24+s17+$0x0] =	vst.idx.msk $0xffff, v17  }
0x4a: {  	v46 =	vor.u32 v44, v32;
	v17 =	vor.u32 v27, v6;
	v24 =	vld.idx.msk [tilespmem:v18+s12+$0x0], $0xffff  }
0x4b: {  	[tilespmem:v4+s17+$0x0] =	vst.idx.msk $0xffff, v22;
	v22 =	vld.idx.msk [tilespmem:v5+s14+$0x0], $0xffff;
	v19 =	vadd.f32 v21, v19  }
0x4c: {  	v18 =	vld.idx.msk [tilespmem:v18+s12+$0x0], $0xffff;
	v21 =	vor.u32 v44, v31  }
0x4d: {  	v48 =	vor.u32 v28, v6;
	v50 =	vld.idx.msk [tilespmem:v7+s14+$0x0], $0xffff;
	v20 =	vadd.f32 v20, v33;
	[tilespmem:v45+s17+$0x0] =	vst.idx.msk $0xffff, v19  }
0x4e: {  	v19 =	vld.idx.msk [tilespmem:v23+s12+$0x0], $0xffff  }
0x4f: {  	v53 =	vor.u32 v26, v6;
	v55 =	vor.u32 v44, v29;
	[tilespmem:v17+s17+$0x0] =	vst.idx.msk $0xffff, v20;
	v17 =	vld.idx.msk [tilespmem:v46+s14+$0x0], $0xffff  }
0x50: {  	v56 =	vshll.u32 v44, $0x7;
	v22 =	vadd.f32 v22, v24;
	v20 =	vld.idx.msk [tilespmem:v23+s12+$0x0], $0xffff  }
0x51: {  	v57 =	vor.u32 s29, v62;
	v3 =	vor.u32 v30, v56;
	v24 =	vor.u32 v44, v49;
	v21 =	vld.idx.msk [tilespmem:v21+s14+$0x0], $0xffff  }
0x52: {  	v4 =	vor.u32 v16, v57;
	v18 =	vadd.f32 v50, v18;
	[tilespmem:v48+s17+$0x0] =	vst.idx.msk $0xffff, v22  }
0x53: {  	v5 =	vor.u32 v57, v32;
	v22 =	vor.u32 v27, v56;
	v34 =	vld.idx.msk [tilespmem:v23+s12+$0x0], $0xffff  }
0x54: {  	[tilespmem:v53+s17+$0x0] =	vst.idx.msk $0xffff, v18;
	v18 =	vld.idx.msk [tilespmem:v55+s14+$0x0], $0xffff;
	v17 =	vadd.f32 v17, v19  }
0x55: {  	v23 =	vld.idx.msk [tilespmem:v23+s12+$0x0], $0xffff;
	v19 =	vor.u32 v57, v31  }
0x56: {  	v6 =	vor.u32 v28, v56;
	v24 =	vld.idx.msk [tilespmem:v24+s14+$0x0], $0xffff;
	v20 =	vadd.f32 v21, v20;
	[tilespmem:v3+s17+$0x0] =	vst.idx.msk $0xffff, v17  }
0x57: {  	v17 =	vld.idx.msk [tilespmem:v4+s12+$0x0], $0xffff  }
0x58: {  	v7 =	vor.u32 v57, v29;
	v21 =	vor.u32 v26, v56;
	[tilespmem:v22+s17+$0x0] =	vst.idx.msk $0xffff, v20;
	v20 =	vld.idx.msk [tilespmem:v5+s14+$0x0], $0xffff  }
0x59: {  	v44 =	vshll.u32 v57, $0x7;
	v18 =	vadd.f32 v18, v34;
	v22 =	vld.idx.msk [tilespmem:v4+s12+$0x0], $0xffff  }
0x5a: {  	v45 =	vor.u32 v57, v49;
	v46 =	vor.u32 s29, v58;
	v48 =	vor.u32 v30, v44;
	v19 =	vld.idx.msk [tilespmem:v19+s14+$0x0], $0xffff  }
0x5b: {  	v23 =	vadd.f32 v24, v23;
	v24 =	vor.u32 v16, v46;
	[tilespmem:v6+s17+$0x0] =	vst.idx.msk $0xffff, v18  }
0x5c: {  	v50 =	vor.u32 v46, v32;
	v18 =	vor.u32 v27, v44;
	v33 =	vld.idx.msk [tilespmem:v4+s12+$0x0], $0xffff  }
0x5d: {  	[tilespmem:v21+s17+$0x0] =	vst.idx.msk $0xffff, v23;
	v21 =	vld.idx.msk [tilespmem:v7+s14+$0x0], $0xffff;
	v17 =	vadd.f32 v20, v17  }
0x5e: {  	v23 =	vld.idx.msk [tilespmem:v4+s12+$0x0], $0xffff;
	v20 =	vor.u32 v46, v31  }
0x5f: {  	v53 =	vor.u32 v28, v44;
	v34 =	vld.idx.msk [tilespmem:v45+s14+$0x0], $0xffff;
	v19 =	vadd.f32 v19, v22;
	[tilespmem:v48+s17+$0x0] =	vst.idx.msk $0xffff, v17  }
0x60: {  	v17 =	vld.idx.msk [tilespmem:v24+s12+$0x0], $0xffff  }
0x61: {  	v55 =	vor.u32 v46, v29;
	v22 =	vor.u32 v26, v44;
	[tilespmem:v18+s17+$0x0] =	vst.idx.msk $0xffff, v19;
	v18 =	vld.idx.msk [tilespmem:v50+s14+$0x0], $0xffff  }
0x62: {  	v56 =	vshll.u32 v46, $0x7;
	v21 =	vadd.f32 v21, v33;
	v19 =	vld.idx.msk [tilespmem:v24+s12+$0x0], $0xffff  }
0x63: {  	v57 =	vor.u32 v46, v49;
	v3 =	vor.u32 s29, v60;
	v4 =	vor.u32 v30, v56;
	v20 =	vld.idx.msk [tilespmem:v20+s14+$0x0], $0xffff  }
0x64: {  	v5 =	vor.u32 v16, v3;
	v23 =	vadd.f32 v34, v23;
	[tilespmem:v53+s17+$0x0] =	vst.idx.msk $0xffff, v21  }
0x65: {  	v6 =	vor.u32 v3, v32;
	v21 =	vor.u32 v27, v56;
	v35 =	vld.idx.msk [tilespmem:v24+s12+$0x0], $0xffff  }
0x66: {  	[tilespmem:v22+s17+$0x0] =	vst.idx.msk $0xffff, v23;
	v22 =	vld.idx.msk [tilespmem:v55+s14+$0x0], $0xffff;
	v17 =	vadd.f32 v18, v17  }
0x67: {  	v23 =	vld.idx.msk [tilespmem:v24+s12+$0x0], $0xffff;
	v18 =	vor.u32 v3, v31  }
0x68: {  	v24 =	vor.u32 v28, v56;
	v33 =	vld.idx.msk [tilespmem:v57+s14+$0x0], $0xffff;
	v19 =	vadd.f32 v20, v19;
	[tilespmem:v4+s17+$0x0] =	vst.idx.msk $0xffff, v17  }
0x69: {  	v17 =	vld.idx.msk [tilespmem:v5+s12+$0x0], $0xffff  }
0x6a: {  	v7 =	vor.u32 v3, v29;
	v20 =	vor.u32 v26, v56;
	[tilespmem:v21+s17+$0x0] =	vst.idx.msk $0xffff, v19;
	v19 =	vld.idx.msk [tilespmem:v6+s14+$0x0], $0xffff  }
0x6b: {  	v44 =	vshll.u32 v3, $0x7;
	v22 =	vadd.f32 v22, v35;
	v21 =	vld.idx.msk [tilespmem:v5+s12+$0x0], $0xffff  }
0x6c: {  	v45 =	vor.u32 v3, v49;
	v46 =	vor.u32 s29, v63;
	v48 =	vor.u32 v30, v44;
	v18 =	vld.idx.msk [tilespmem:v18+s14+$0x0], $0xffff  }
0x6d: {  	v50 =	vor.u32 v16, v46;
	v23 =	vadd.f32 v33, v23;
	[tilespmem:v24+s17+$0x0] =	vst.idx.msk $0xffff, v22  }
0x6e: {  	v53 =	vor.u32 v46, v32;
	v22 =	vor.u32 v27, v44;
	v24 =	vld.idx.msk [tilespmem:v5+s12+$0x0], $0xffff  }
0x6f: {  	[tilespmem:v20+s17+$0x0] =	vst.idx.msk $0xffff, v23;
	v20 =	vld.idx.msk [tilespmem:v7+s14+$0x0], $0xffff;
	v17 =	vadd.f32 v19, v17  }
0x70: {  	v23 =	vld.idx.msk [tilespmem:v5+s12+$0x0], $0xffff;
	v19 =	vor.u32 v46, v31  }
0x71: {  	v55 =	vor.u32 v28, v44;
	v35 =	vld.idx.msk [tilespmem:v45+s14+$0x0], $0xffff;
	v18 =	vadd.f32 v18, v21;
	[tilespmem:v48+s17+$0x0] =	vst.idx.msk $0xffff, v17  }
0x72: {  	v17 =	vld.idx.msk [tilespmem:v50+s12+$0x0], $0xffff  }
0x73: {  	v56 =	vor.u32 v46, v29;
	v21 =	vor.u32 v26, v44;
	[tilespmem:v22+s17+$0x0] =	vst.idx.msk $0xffff, v18;
	v18 =	vld.idx.msk [tilespmem:v53+s14+$0x0], $0xffff  }
0x74: {  	v57 =	vshll.u32 v46, $0x7;
	v20 =	vadd.f32 v20, v24;
	v22 =	vld.idx.msk [tilespmem:v50+s12+$0x0], $0xffff  }
0x75: {  	v59 =	vor.u32 s29, v59;
	v60 =	vor.u32 v30, v57;
	v24 =	vor.u32 v46, v49;
	v19 =	vld.idx.msk [tilespmem:v19+s14+$0x0], $0xffff  }
0x76: {  	v63 =	vor.u32 v16, v59;
	v23 =	vadd.f32 v35, v23;
	[tilespmem:v55+s17+$0x0] =	vst.idx.msk $0xffff, v20  }
0x77: {  	v3 =	vor.u32 v59, v32;
	v20 =	vor.u32 v27, v57;
	v34 =	vld.idx.msk [tilespmem:v50+s12+$0x0], $0xffff  }
0x78: {  	[tilespmem:v21+s17+$0x0] =	vst.idx.msk $0xffff, v23;
	v21 =	vld.idx.msk [tilespmem:v56+s14+$0x0], $0xffff;
	v17 =	vadd.f32 v18, v17  }
0x79: {  	v23 =	vld.idx.msk [tilespmem:v50+s12+$0x0], $0xffff;
	v18 =	vor.u32 v59, v31  }
0x7a: {  	v4 =	vor.u32 v28, v57;
	v24 =	vld.idx.msk [tilespmem:v24+s14+$0x0], $0xffff;
	v19 =	vadd.f32 v19, v22;
	[tilespmem:v60+s17+$0x0] =	vst.idx.msk $0xffff, v17  }
0x7b: {  	v17 =	vld.idx.msk [tilespmem:v63+s12+$0x0], $0xffff  }
0x7c: {  	v5 =	vor.u32 v59, v29;
	v22 =	vor.u32 v26, v57;
	[tilespmem:v20+s17+$0x0] =	vst.idx.msk $0xffff, v19;
	v19 =	vld.idx.msk [tilespmem:v3+s14+$0x0], $0xffff  }
0x7d: {  	v6 =	vshll.u32 v59, $0x7;
	v21 =	vadd.f32 v21, v34;
	v20 =	vld.idx.msk [tilespmem:v63+s12+$0x0], $0xffff  }
0x7e: {  	v7 =	vor.u32 v59, v49;
	v45 =	vor.u32 v30, v6;
	v44 =	vor.u32 s29, v54;
	v18 =	vld.idx.msk [tilespmem:v18+s14+$0x0], $0xffff  }
0x7f: {  	v23 =	vadd.f32 v24, v23;
	v24 =	vor.u32 v16, v44;
	[tilespmem:v4+s17+$0x0] =	vst.idx.msk $0xffff, v21  }
0x80: {  	v46 =	vor.u32 v44, v32;
	v21 =	vor.u32 v27, v6;
	v33 =	vld.idx.msk [tilespmem:v63+s12+$0x0], $0xffff  }
0x81: {  	[tilespmem:v22+s17+$0x0] =	vst.idx.msk $0xffff, v23;
	v22 =	vld.idx.msk [tilespmem:v5+s14+$0x0], $0xffff;
	v17 =	vadd.f32 v19, v17  }
0x82: {  	v23 =	vld.idx.msk [tilespmem:v63+s12+$0x0], $0xffff;
	v19 =	vor.u32 v44, v31  }
0x83: {  	v48 =	vor.u32 v28, v6;
	v34 =	vld.idx.msk [tilespmem:v7+s14+$0x0], $0xffff;
	v18 =	vadd.f32 v18, v20;
	[tilespmem:v45+s17+$0x0] =	vst.idx.msk $0xffff, v17  }
0x84: {  	v17 =	vld.idx.msk [tilespmem:v24+s12+$0x0], $0xffff  }
0x85: {  	v50 =	vor.u32 v44, v29;
	v20 =	vor.u32 v26, v6;
	[tilespmem:v21+s17+$0x0] =	vst.idx.msk $0xffff, v18;
	v18 =	vld.idx.msk [tilespmem:v46+s14+$0x0], $0xffff  }
0x86: {  	v53 =	vshll.u32 v44, $0x7;
	v22 =	vadd.f32 v22, v33;
	v21 =	vld.idx.msk [tilespmem:v24+s12+$0x0], $0xffff  }
0x87: {  	v55 =	vor.u32 v44, v49;
	v56 =	vor.u32 s29, v47;
	v57 =	vor.u32 v30, v53;
	v19 =	vld.idx.msk [tilespmem:v19+s14+$0x0], $0xffff  }
0x88: {  	v59 =	vor.u32 v16, v56;
	v23 =	vadd.f32 v34, v23;
	[tilespmem:v48+s17+$0x0] =	vst.idx.msk $0xffff, v22  }
0x89: {  	v60 =	vor.u32 v56, v32;
	v22 =	vor.u32 v27, v53;
	v35 =	vld.idx.msk [tilespmem:v24+s12+$0x0], $0xffff  }
0x8a: {  	[tilespmem:v20+s17+$0x0] =	vst.idx.msk $0xffff, v23;
	v20 =	vld.idx.msk [tilespmem:v50+s14+$0x0], $0xffff;
	v17 =	vadd.f32 v18, v17  }
0x8b: {  	v23 =	vld.idx.msk [tilespmem:v24+s12+$0x0], $0xffff;
	v18 =	vor.u32 v56, v31  }
0x8c: {  	v24 =	vor.u32 v28, v53;
	v33 =	vld.idx.msk [tilespmem:v55+s14+$0x0], $0xffff;
	v19 =	vadd.f32 v19, v21;
	[tilespmem:v57+s17+$0x0] =	vst.idx.msk $0xffff, v17  }
0x8d: {  	v17 =	vld.idx.msk [tilespmem:v59+s12+$0x0], $0xffff  }
0x8e: {  	v63 =	vor.u32 v56, v29;
	v21 =	vor.u32 v26, v53;
	[tilespmem:v22+s17+$0x0] =	vst.idx.msk $0xffff, v19;
	v19 =	vld.idx.msk [tilespmem:v60+s14+$0x0], $0xffff  }
0x8f: {  	v3 =	vshll.u32 v56, $0x7;
	v20 =	vadd.f32 v20, v35;
	v22 =	vld.idx.msk [tilespmem:v59+s12+$0x0], $0xffff  }
0x90: {  	v4 =	vor.u32 v56, v49;
	v5 =	vor.u32 s29, v51;
	v6 =	vor.u32 v30, v3;
	v18 =	vld.idx.msk [tilespmem:v18+s14+$0x0], $0xffff  }
0x91: {  	v7 =	vor.u32 v16, v5;
	v23 =	vadd.f32 v33, v23;
	[tilespmem:v24+s17+$0x0] =	vst.idx.msk $0xffff, v20  }
0x92: {  	v48 =	vor.u32 v5, v32;
	v20 =	vor.u32 v27, v3;
	v24 =	vld.idx.msk [tilespmem:v59+s12+$0x0], $0xffff  }
0x93: {  	s28 =	simm.s32 $0x8;
	[tilespmem:v21+s17+$0x0] =	vst.idx.msk $0xffff, v23;
	v21 =	vld.idx.msk [tilespmem:v63+s14+$0x0], $0xffff;
	v17 =	vadd.f32 v19, v17  }
0x94: {  	s26 =	sand.u32 $0x30, s28;
	v23 =	vld.idx.msk [tilespmem:v59+s12+$0x0], $0xffff;
	v19 =	vor.u32 v5, v31  }
0x95: {  	v57 =	vor.u32 s26, v15;
	v50 =	vld.idx.msk [tilespmem:v4+s14+$0x0], $0xffff;
	v18 =	vadd.f32 v18, v22;
	[tilespmem:v6+s17+$0x0] =	vst.idx.msk $0xffff, v17  }
0x96: {  	v46 =	vor.u32 v16, v57;
	v17 =	vor.u32 v28, v3;
	v22 =	vld.idx.msk [tilespmem:v7+s12+$0x0], $0xffff  }
0x97: {  	[tilespmem:v20+s17+$0x0] =	vst.idx.msk $0xffff, v18;
	v18 =	vld.idx.msk [tilespmem:v48+s14+$0x0], $0xffff  }
0x98: {  	v51 =	vor.u32 v5, v29;
	v20 =	vor.u32 v26, v3;
	v53 =	vld.idx.msk [tilespmem:v7+s12+$0x0], $0xffff  }
0x99: {  	v43 =	vor.u32 s29, v52;
	v37 =	vshll.u32 v5, $0x7;
	v21 =	vadd.f32 v21, v24;
	v19 =	vld.idx.msk [tilespmem:v19+s14+$0x0], $0xffff  }
0x9a: {  	s3 =	simm.s32 $0x40;
	v41 =	vor.u32 v43, v31;
	v55 =	vor.u32 v5, v49;
	v24 =	vor.u32 v30, v37  }
0x9b: {  	s30 =	sand.u32 $0x40, s3;
	v44 =	vor.u32 v16, v43;
	v46 =	vld.idx.msk [tilespmem:v46+s12+$0x0], $0xffff;
	v23 =	vadd.f32 v50, v23;
	[tilespmem:v17+s17+$0x0] =	vst.idx.msk $0xffff, v21  }
0x9c: {  	s31 =	sor.u32 $0x30, s30;
	v47 =	vor.u32 v43, v29;
	v56 =	vor.u32 v27, v37;
	v21 =	vor.u32 v43, v32;
	v39 =	vld.idx.msk [tilespmem:v7+s12+$0x0], $0xffff  }
0x9d: {  	v35 =	vld.idx.msk [tilespmem:v51+s14+$0x0], $0xffff;
	v17 =	vadd.f32 v18, v22;
	[tilespmem:v20+s17+$0x0] =	vst.idx.msk $0xffff, v23;
	v20 =	vor.u32 s31, v15;
	s31 =	sor.u32 $0x20, s30  }
0x9e: {  	v33 =	vld.idx.msk [tilespmem:v7+s12+$0x0], $0xffff;
	v19 =	vadd.f32 v19, v53;
	v22 =	vshll.u32 v20, $0x7;
	v18 =	vor.u32 s31, v15  }
0x9f: {  	s1 =	sor.u32 $0x10, s30;
	v34 =	vld.idx.msk [tilespmem:v55+s14+$0x0], $0xffff;
	v7 =	vor.u32 v28, v37;
	[tilespmem:v24+s17+$0x0] =	vst.idx.msk $0xffff, v17;
	v48 =	vor.u32 v57, v22  }
0xa0: {  	v37 =	vor.u32 v26, v37;
	v17 =	vor.u32 s1, v15;
	v23 =	vshll.u32 v18, $0x7;
	v45 =	vld.idx.msk [tilespmem:v44+s12+$0x0], $0xffff  }
0xa1: {  	v42 =	vshll.u32 v43, $0x7;
	v59 =	vld.idx.msk [tilespmem:v21+s14+$0x0], $0xffff;
	v21 =	vshll.u32 v17, $0x7;
	[tilespmem:v56+s17+$0x0] =	vst.idx.msk $0xffff, v19;
	v50 =	vor.u32 v57, v23  }
0xa2: {  	v19 =	vor.u32 s30, v15;
	v60 =	vor.u32 v57, v21;
	v6 =	vld.idx.msk [tilespmem:v44+s12+$0x0], $0xffff;
	v35 =	vadd.f32 v35, v39  }
0xa3: {  	v63 =	vor.u32 v30, v42;
	v43 =	vor.u32 v43, v49;
	v52 =	vld.idx.msk [tilespmem:v41+s14+$0x0], $0xffff;
	v24 =	vshll.u32 v19, $0x7  }
0xa4: {  	v40 =	vor.u32 s29, v11;
	v55 =	vor.u32 v57, v24;
	[tilespmem:v7+s17+$0x0] =	vst.idx.msk $0xffff, v35;
	v48 =	vld.idx.msk [tilespmem:v48+s14+$0x0], $0xffff  }
0xa5: {  	v41 =	vor.u32 v16, v40;
	v33 =	vadd.f32 v34, v33;
	v47 =	vld.idx.msk [tilespmem:v47+s14+$0x0], $0xffff  }
0xa6: {  	v53 =	vor.u32 v40, v32;
	v45 =	vadd.f32 v59, v45;
	v50 =	vld.idx.msk [tilespmem:v50+s14+$0x0], $0xffff  }
0xa7: {  	v56 =	vshll.u32 v57, $0x7;
	[tilespmem:v37+s17+$0x0] =	vst.idx.msk $0xffff, v33;
	v38 =	vld.idx.msk [tilespmem:v60+s14+$0x0], $0xffff  }
0xa8: {  	v60 =	vor.u32 v20, v56;
	v43 =	vld.idx.msk [tilespmem:v43+s14+$0x0], $0xffff;
	[tilespmem:v63+s17+$0x0] =	vst.idx.msk $0xffff, v45;
	v45 =	vor.u32 s26, v2  }
0xa9: {  	v3 =	vmov v54;
	v5 =	vor.u32 v18, v56;
	v54 =	vld.idx.msk [tilespmem:v55+s14+$0x0], $0xffff;
	v34 =	vor.u32 v16, v45  }
0xaa: {  	v35 =	vor.u32 v17, v56;
	v57 =	vld.idx.msk [tilespmem:v41+s12+$0x0], $0xffff;
	v55 =	vor.u32 v45, v22  }
0xab: {  	v39 =	vshll.u32 v40, $0x7;
	v53 =	vld.idx.msk [tilespmem:v53+s14+$0x0], $0xffff;
	v63 =	vadd.f32 v48, v46  }
0xac: {  	v36 =	vor.u32 s29, v0;
	v4 =	vmovc v58;
	v2 =	vor.u32 v30, v39;
	v48 =	vld.idx.msk [tilespmem:v44+s12+$0x0], $0xffff;
	v50 =	vadd.f32 v50, v46  }
0xad: {  	v58 =	vor.u32 v45, v21;
	v44 =	vld.idx.msk [tilespmem:v44+s12+$0x0], $0xffff;
	v38 =	vadd.f32 v38, v46;
	[tilespmem:v60+s17+$0x0] =	vst.idx.msk $0xffff, v63  }
0xae: {  	v37 =	vor.u32 v16, v36;
	[tilespmem:v5+s17+$0x0] =	vst.idx.msk $0xffff, v50;
	v51 =	vld.idx.msk [tilespmem:v34+s12+$0x0], $0xffff  }
0xaf: {  	v7 =	vor.u32 v36, v32;
	[tilespmem:v35+s17+$0x0] =	vst.idx.msk $0xffff, v38;
	v35 =	vld.idx.msk [tilespmem:v55+s14+$0x0], $0xffff  }
0xb0: {  	v0 =	vor.u32 v45, v23;
	v63 =	vadd.f32 v53, v57;
	v53 =	vor.u32 v19, v56;
	v60 =	vld.idx.msk [tilespmem:v34+s12+$0x0], $0xffff  }
0xb1: {  	v56 =	vld.idx.msk [tilespmem:v34+s12+$0x0], $0xffff  }
0xb2: {  	v57 =	vshll.u32 v45, $0x7;
	v38 =	vor.u32 v45, v24;
	v58 =	vld.idx.msk [tilespmem:v58+s14+$0x0], $0xffff;
	[tilespmem:v2+s17+$0x0] =	vst.idx.msk $0xffff, v63  }
0xb3: {  	v45 =	vor.u32 s26, v61;
	v59 =	vor.u32 v20, v57;
	v2 =	vadd.f32 v54, v46;
	v61 =	vld.idx.msk [tilespmem:v37+s12+$0x0], $0xffff  }
0xb4: {  	v5 =	vmov v62;
	v46 =	vor.u32 v16, v45;
	v50 =	vld.idx.msk [tilespmem:v7+s14+$0x0], $0xffff  }
0xb5: {  	v62 =	vor.u32 v45, v22;
	v54 =	vor.u32 v17, v57;
	[tilespmem:v53+s17+$0x0] =	vst.idx.msk $0xffff, v2;
	v53 =	vld.idx.msk [tilespmem:v0+s14+$0x0], $0xffff  }
0xb6: {  	v7 =	vadd.f32 v35, v51;
	v55 =	vld.idx.msk [tilespmem:v34+s12+$0x0], $0xffff  }
0xb7: {  	v35 =	vshll.u32 v36, $0x7;
	v51 =	vor.u32 v45, v21;
	v63 =	vld [tilespmem:$0x1FF20]  }
0xb8: {  	v0 =	vor.u32 v30, v35;
	v38 =	vld.idx.msk [tilespmem:v38+s14+$0x0], $0xffff;
	v56 =	vadd.f32 v58, v56;
	[tilespmem:v59+s17+$0x0] =	vst.idx.msk $0xffff, v7  }
0xb9: {  	v2 =	vor.u32 v18, v57;
	v59 =	vld.idx.msk [tilespmem:v46+s12+$0x0], $0xffff  }
0xba: {  	[tilespmem:v54+s17+$0x0] =	vst.idx.msk $0xffff, v56;
	v54 =	vld.idx.msk [tilespmem:v62+s14+$0x0], $0xffff  }
0xbb: {  	v7 =	vor.u32 v45, v23;
	v50 =	vadd.f32 v50, v61;
	v56 =	vor.u32 v19, v57;
	v61 =	vld.idx.msk [tilespmem:v46+s12+$0x0], $0xffff  }
0xbc: {  	v62 =	vshll.u32 v45, $0x7;
	v51 =	vld.idx.msk [tilespmem:v51+s14+$0x0], $0xffff;
	v53 =	vadd.f32 v53, v60  }
0xbd: {  	v60 =	vor.u32 s26, v1;
	v1 =	vor.u32 v20, v62;
	[tilespmem:v0+s17+$0x0] =	vst.idx.msk $0xffff, v50;
	v0 =	vor.u32 v45, v24  }
0xbe: {  	v34 =	vor.u32 s29, v63;
	v55 =	vadd.f32 v38, v55;
	v38 =	vor.u32 v16, v60;
	[tilespmem:v2+s17+$0x0] =	vst.idx.msk $0xffff, v53  }
0xbf: {  	v25 =	vor.u32 v60, v22;
	v33 =	vor.u32 v16, v34;
	v58 =	vld.idx.msk [tilespmem:v46+s12+$0x0], $0xffff  }
0xc0: {  	v2 =	vor.u32 v17, v62;
	[tilespmem:v56+s17+$0x0] =	vst.idx.msk $0xffff, v55;
	v55 =	vld.idx.msk [tilespmem:v7+s14+$0x0], $0xffff;
	v54 =	vadd.f32 v54, v59  }
0xc1: {  	v56 =	vor.u32 v27, v42;
	v46 =	vld.idx.msk [tilespmem:v46+s12+$0x0], $0xffff  }
0xc2: {  	v7 =	vor.u32 v60, v21;
	[tilespmem:v1+s17+$0x0] =	vst.idx.msk $0xffff, v54;
	v50 =	vld.idx.msk [tilespmem:v0+s14+$0x0], $0xffff  }
0xc3: {  	v51 =	vadd.f32 v51, v61;
	v0 =	vor.u32 v18, v62;
	v59 =	vld.idx.msk [tilespmem:v38+s12+$0x0], $0xffff  }
0xc4: {  	v52 =	vadd.f32 v52, v6;
	v25 =	vld.idx.msk [tilespmem:v25+s14+$0x0], $0xffff  }
0xc5: {  	v1 =	vor.u32 v19, v62;
	v45 =	vld.idx.msk [tilespmem:v33+s12+$0x0], $0xffff;
	[tilespmem:v2+s17+$0x0] =	vst.idx.msk $0xffff, v51;
	v2 =	vor.u32 v60, v23  }
0xc6: {  	v61 =	vld.idx.msk [tilespmem:v38+s12+$0x0], $0xffff;
	[tilespmem:v56+s17+$0x0] =	vst.idx.msk $0xffff, v52;
	v52 =	vshll.u32 v60, $0x7;
	v55 =	vadd.f32 v55, v58  }
0xc7: {  	v57 =	vor.u32 v60, v24;
	v56 =	vld.idx.msk [tilespmem:v7+s14+$0x0], $0xffff;
	v58 =	vor.u32 s26, v5;
	v60 =	vor.u32 v20, v52  }
0xc8: {  	v54 =	vld.idx.msk [tilespmem:v41+s12+$0x0], $0xffff;
	v7 =	vor.u32 v58, v22;
	v46 =	vadd.f32 v50, v46;
	[tilespmem:v0+s17+$0x0] =	vst.idx.msk $0xffff, v55  }
0xc9: {  	v6 =	vor.u32 v17, v52;
	v50 =	vor.u32 v16, v58;
	v62 =	vld.idx.msk [tilespmem:v38+s12+$0x0], $0xffff  }
0xca: {  	v25 =	vadd.f32 v25, v59;
	v0 =	vld.idx.msk [tilespmem:v2+s14+$0x0], $0xffff;
	[tilespmem:v1+s17+$0x0] =	vst.idx.msk $0xffff, v46;
	v1 =	vor.u32 v28, v42  }
0xcb: {  	v5 =	vor.u32 v40, v31;
	v2 =	vor.u32 v58, v21;
	v38 =	vld.idx.msk [tilespmem:v38+s12+$0x0], $0xffff  }
0xcc: {  	v56 =	vadd.f32 v56, v61;
	v57 =	vld.idx.msk [tilespmem:v57+s14+$0x0], $0xffff;
	[tilespmem:v60+s17+$0x0] =	vst.idx.msk $0xffff, v25;
	v25 =	vor.u32 v18, v52  }
0xcd: {  	v47 =	vadd.f32 v47, v48;
	v42 =	vor.u32 v26, v42;
	v48 =	vld.idx.msk [tilespmem:v7+s14+$0x0], $0xffff  }
0xce: {  	v52 =	vor.u32 v19, v52;
	[tilespmem:v6+s17+$0x0] =	vst.idx.msk $0xffff, v56;
	v6 =	vor.u32 v58, v23;
	v60 =	vld.idx.msk [tilespmem:v50+s12+$0x0], $0xffff  }
0xcf: {  	v56 =	vld.idx.msk [tilespmem:v50+s12+$0x0], $0xffff;
	v46 =	vadd.f32 v0, v62;
	[tilespmem:v1+s17+$0x0] =	vst.idx.msk $0xffff, v47;
	v47 =	vshll.u32 v58, $0x7  }
0xd0: {  	v7 =	vor.u32 v58, v24;
	v51 =	vld.idx.msk [tilespmem:v2+s14+$0x0], $0xffff;
	v58 =	vor.u32 s26, v4;
	v0 =	vor.u32 v20, v47  }
0xd1: {  	v59 =	vld.idx.msk [tilespmem:v5+s14+$0x0], $0xffff;
	v38 =	vadd.f32 v57, v38;
	v57 =	vor.u32 v16, v58;
	[tilespmem:v25+s17+$0x0] =	vst.idx.msk $0xffff, v46  }
0xd2: {  	v1 =	vor.u32 v17, v47;
	v4 =	vor.u32 v58, v22;
	v2 =	vld.idx.msk [tilespmem:v50+s12+$0x0], $0xffff  }
0xd3: {  	v5 =	vld.idx.msk [tilespmem:v6+s14+$0x0], $0xffff;
	[tilespmem:v52+s17+$0x0] =	vst.idx.msk $0xffff, v38;
	v48 =	vadd.f32 v48, v60  }
0xd4: {  	v43 =	vadd.f32 v43, v44;
	v50 =	vld.idx.msk [tilespmem:v50+s12+$0x0], $0xffff  }
0xd5: {  	v6 =	vor.u32 v58, v21;
	v51 =	vadd.f32 v51, v56;
	v53 =	vld.idx.msk [tilespmem:v7+s14+$0x0], $0xffff;
	[tilespmem:v0+s17+$0x0] =	vst.idx.msk $0xffff, v48  }
0xd6: {  	v32 =	vor.u32 v34, v32;
	[tilespmem:v42+s17+$0x0] =	vst.idx.msk $0xffff, v43;
	v56 =	vld.idx.msk [tilespmem:v57+s12+$0x0], $0xffff  }
0xd7: {  	v7 =	vor.u32 v18, v47;
	[tilespmem:v1+s17+$0x0] =	vst.idx.msk $0xffff, v51;
	v44 =	vld.idx.msk [tilespmem:v4+s14+$0x0], $0xffff  }
0xd8: {  	v38 =	vadd.f32 v5, v2;
	v5 =	vld [tilespmem:$0x1FF70]  }
0xd9: {  	v46 =	vor.u32 v19, v47;
	v51 =	vld.idx.msk [tilespmem:v57+s12+$0x0], $0xffff  }
0xda: {  	v42 =	vshll.u32 v58, $0x7;
	v4 =	vor.u32 v58, v23;
	v43 =	vld.idx.msk [tilespmem:v6+s14+$0x0], $0xffff;
	v2 =	vor.u32 v27, v39  }
0xdb: {  	v32 =	vld.idx.msk [tilespmem:v32+s14+$0x0], $0xffff;
	v52 =	vor.u32 v58, v24;
	v6 =	vor.u32 v20, v42  }
0xdc: {  	v25 =	vld.idx.msk [tilespmem:v41+s12+$0x0], $0xffff;
	v50 =	vadd.f32 v53, v50;
	[tilespmem:v7+s17+$0x0] =	vst.idx.msk $0xffff, v38;
	v7 =	vor.u32 v17, v42  }
0xdd: {  	v54 =	vadd.f32 v59, v54;
	v38 =	vld.idx.msk [tilespmem:v41+s12+$0x0], $0xffff;
	v58 =	vor.u32 s26, v5  }
0xde: {  	v48 =	vld.idx.msk [tilespmem:v57+s12+$0x0], $0xffff;
	[tilespmem:v46+s17+$0x0] =	vst.idx.msk $0xffff, v50;
	v44 =	vadd.f32 v44, v56;
	v53 =	vor.u32 v16, v58  }
0xdf: {  	v1 =	vld.idx.msk [tilespmem:v4+s14+$0x0], $0xffff;
	v43 =	vadd.f32 v43, v51;
	[tilespmem:v2+s17+$0x0] =	vst.idx.msk $0xffff, v54;
	v0 =	vor.u32 v58, v22  }
0xe0: {  	v5 =	vld.idx.msk [tilespmem:v57+s12+$0x0], $0xffff;
	[tilespmem:v6+s17+$0x0] =	vst.idx.msk $0xffff, v44  }
0xe1: {  	v52 =	vld.idx.msk [tilespmem:v52+s14+$0x0], $0xffff;
	v4 =	vor.u32 v58, v21;
	[tilespmem:v7+s17+$0x0] =	vst.idx.msk $0xffff, v43  }
0xe2: {  	v55 =	vor.u32 v40, v29;
	v63 =	vld [tilespmem:$0x1FF80]  }
0xe3: {  	v40 =	vor.u32 v40, v49;
	v6 =	vor.u32 v18, v42;
	v51 =	vld.idx.msk [tilespmem:v53+s12+$0x0], $0xffff  }
0xe4: {  	v7 =	vor.u32 v58, v23;
	v41 =	vld.idx.msk [tilespmem:v0+s14+$0x0], $0xffff  }
0xe5: {  	v57 =	vld.idx.msk [tilespmem:v53+s12+$0x0], $0xffff  }
0xe6: {  	v47 =	vshll.u32 v58, $0x7;
	v42 =	vor.u32 v19, v42;
	v46 =	vadd.f32 v1, v48;
	v50 =	vld.idx.msk [tilespmem:v4+s14+$0x0], $0xffff  }
0xe7: {  	v55 =	vld.idx.msk [tilespmem:v55+s14+$0x0], $0xffff;
	v1 =	vor.u32 v20, v47  }
0xe8: {  	v62 =	vor.u32 v36, v31;
	v40 =	vld.idx.msk [tilespmem:v40+s14+$0x0], $0xffff;
	v2 =	vor.u32 v17, v47;
	[tilespmem:v6+s17+$0x0] =	vst.idx.msk $0xffff, v46  }
0xe9: {  	v48 =	vor.u32 v58, v24;
	v52 =	vadd.f32 v52, v5;
	v6 =	vld.idx.msk [tilespmem:v7+s14+$0x0], $0xffff;
	v7 =	vor.u32 v28, v39  }
0xea: {  	v0 =	vor.u32 s26, v63;
	v4 =	vld.idx.msk [tilespmem:v53+s12+$0x0], $0xffff;
	v41 =	vadd.f32 v41, v51  }
0xeb: {  	v44 =	vld.idx.msk [tilespmem:v37+s12+$0x0], $0xffff;
	[tilespmem:v42+s17+$0x0] =	vst.idx.msk $0xffff, v52;
	v56 =	vor.u32 v16, v0;
	v50 =	vadd.f32 v50, v57  }
0xec: {  	v25 =	vadd.f32 v55, v25;
	v52 =	vld.idx.msk [tilespmem:v53+s12+$0x0], $0xffff;
	v5 =	vor.u32 v0, v22;
	[tilespmem:v1+s17+$0x0] =	vst.idx.msk $0xffff, v41  }
0xed: {  	v53 =	vld.idx.msk [tilespmem:v62+s14+$0x0], $0xffff;
	[tilespmem:v2+s17+$0x0] =	vst.idx.msk $0xffff, v50  }
0xee: {  	v61 =	vor.u32 v0, v21;
	v48 =	vld.idx.msk [tilespmem:v48+s14+$0x0], $0xffff;
	[tilespmem:v7+s17+$0x0] =	vst.idx.msk $0xffff, v25  }
0xef: {  	v63 =	vor.u32 v18, v47;
	v42 =	vadd.f32 v6, v4;
	v4 =	vld [tilespmem:$0x1FF60]  }
0xf0: {  	v57 =	vld.idx.msk [tilespmem:v56+s12+$0x0], $0xffff  }
0xf1: {  	v47 =	vor.u32 v19, v47;
	v50 =	vor.u32 v0, v23;
	v46 =	vld.idx.msk [tilespmem:v5+s14+$0x0], $0xffff  }
0xf2: {  	v25 =	vshll.u32 v0, $0x7;
	v55 =	vld.idx.msk [tilespmem:v56+s12+$0x0], $0xffff  }
0xf3: {  	v39 =	vor.u32 v26, v39;
	v51 =	vor.u32 v0, v24;
	v43 =	vld.idx.msk [tilespmem:v61+s14+$0x0], $0xffff;
	v5 =	vor.u32 v20, v25  }
0xf4: {  	v41 =	vld.idx.msk [tilespmem:v37+s12+$0x0], $0xffff;
	v48 =	vadd.f32 v48, v52;
	[tilespmem:v63+s17+$0x0] =	vst.idx.msk $0xffff, v42;
	v54 =	vor.u32 s26, v4  }
0xf5: {  	v38 =	vadd.f32 v40, v38;
	v59 =	vld.idx.msk [tilespmem:v56+s12+$0x0], $0xffff;
	v52 =	vor.u32 v16, v54  }
0xf6: {  	v6 =	vor.u32 v17, v25;
	[tilespmem:v47+s17+$0x0] =	vst.idx.msk $0xffff, v48;
	v62 =	vld.idx.msk [tilespmem:v50+s14+$0x0], $0xffff;
	v7 =	vor.u32 v54, v22  }
0xf7: {  	v0 =	vld.idx.msk [tilespmem:v56+s12+$0x0], $0xffff;
	v46 =	vadd.f32 v46, v57  }
0xf8: {  	v1 =	vor.u32 v36, v29;
	[tilespmem:v39+s17+$0x0] =	vst.idx.msk $0xffff, v38;
	v51 =	vld.idx.msk [tilespmem:v51+s14+$0x0], $0xffff;
	v63 =	vor.u32 v54, v21  }
0xf9: {  	v2 =	vor.u32 v18, v25;
	v37 =	vld.idx.msk [tilespmem:v37+s12+$0x0], $0xffff;
	v43 =	vadd.f32 v43, v55;
	[tilespmem:v5+s17+$0x0] =	vst.idx.msk $0xffff, v46  }
0xfa: {  	v4 =	vld.idx.msk [tilespmem:v52+s12+$0x0], $0xffff  }
0xfb: {  	v25 =	vor.u32 v19, v25;
	[tilespmem:v6+s17+$0x0] =	vst.idx.msk $0xffff, v43;
	v6 =	vor.u32 v54, v23;
	v5 =	vld.idx.msk [tilespmem:v7+s14+$0x0], $0xffff  }
0xfc: {  	v61 =	vor.u32 v54, v24;
	v47 =	vadd.f32 v62, v59;
	v43 =	vld.idx.msk [tilespmem:v52+s12+$0x0], $0xffff;
	v7 =	vshll.u32 v54, $0x7  }
0xfd: {  	v62 =	vor.u32 s26, v3;
	v50 =	vadd.f32 v51, v0;
	v60 =	vld.idx.msk [tilespmem:v63+s14+$0x0], $0xffff;
	v63 =	vor.u32 v20, v7  }
0xfe: {  	v55 =	vld.idx.msk [tilespmem:v1+s14+$0x0], $0xffff;
	v3 =	vor.u32 v27, v35;
	v51 =	vor.u32 v16, v62;
	[tilespmem:v2+s17+$0x0] =	vst.idx.msk $0xffff, v47  }
0xff: {  	v1 =	vor.u32 v62, v22;
	v0 =	vor.u32 v17, v7;
	v47 =	vld.idx.msk [tilespmem:v52+s12+$0x0], $0xffff  }
0x100: {  	[tilespmem:v25+s17+$0x0] =	vst.idx.msk $0xffff, v50;
	v25 =	vld.idx.msk [tilespmem:v6+s14+$0x0], $0xffff;
	v40 =	vadd.f32 v5, v4  }
0x101: {  	v44 =	vadd.f32 v53, v44;
	v50 =	vld.idx.msk [tilespmem:v52+s12+$0x0], $0xffff  }
0x102: {  	v2 =	vor.u32 v62, v21;
	v48 =	vld.idx.msk [tilespmem:v61+s14+$0x0], $0xffff;
	v39 =	vadd.f32 v60, v43;
	[tilespmem:v63+s17+$0x0] =	vst.idx.msk $0xffff, v40  }
0x103: {  	v36 =	vor.u32 v36, v49;
	[tilespmem:v3+s17+$0x0] =	vst.idx.msk $0xffff, v44;
	v4 =	vld.idx.msk [tilespmem:v51+s12+$0x0], $0xffff  }
0x104: {  	v31 =	vor.u32 v34, v31;
	v38 =	vor.u32 v19, v7;
	[tilespmem:v0+s17+$0x0] =	vst.idx.msk $0xffff, v39;
	v5 =	vld.idx.msk [tilespmem:v1+s14+$0x0], $0xffff  }
0x105: {  	v56 =	vshll.u32 v62, $0x7;
	v6 =	vor.u32 v62, v23;
	v61 =	vor.u32 v62, v24;
	v62 =	vld [tilespmem:$0x1FFA0]  }
0x106: {  	v40 =	vor.u32 v18, v7;
	v7 =	vld.idx.msk [tilespmem:v51+s12+$0x0], $0xffff  }
0x107: {  	v3 =	vor.u32 v28, v35;
	v48 =	vadd.f32 v48, v50;
	v42 =	vld.idx.msk [tilespmem:v2+s14+$0x0], $0xffff  }
0x108: {  	v36 =	vld.idx.msk [tilespmem:v36+s14+$0x0], $0xffff;
	v60 =	vor.u32 v20, v56  }
0x109: {  	v31 =	vld.idx.msk [tilespmem:v31+s14+$0x0], $0xffff;
	v25 =	vadd.f32 v25, v47;
	v0 =	vor.u32 v17, v56;
	[tilespmem:v38+s17+$0x0] =	vst.idx.msk $0xffff, v48  }
0x10a: {  	v41 =	vadd.f32 v55, v41;
	v43 =	vld.idx.msk [tilespmem:v61+s14+$0x0], $0xffff;
	v63 =	vor.u32 s26, v62  }
0x10b: {  	[tilespmem:v40+s17+$0x0] =	vst.idx.msk $0xffff, v25;
	v25 =	vld.idx.msk [tilespmem:v33+s12+$0x0], $0xffff;
	v39 =	vadd.f32 v5, v4;
	v50 =	vor.u32 v16, v63  }
0x10c: {  	[tilespmem:v3+s17+$0x0] =	vst.idx.msk $0xffff, v41;
	v1 =	vld.idx.msk [tilespmem:v51+s12+$0x0], $0xffff;
	v42 =	vadd.f32 v42, v7;
	v2 =	vor.u32 v63, v22  }
0x10d: {  	v48 =	vshll.u32 v34, $0x7;
	v46 =	vld.idx.msk [tilespmem:v6+s14+$0x0], $0xffff;
	[tilespmem:v60+s17+$0x0] =	vst.idx.msk $0xffff, v39  }
0x10e: {  	v57 =	vor.u32 v30, v48;
	v5 =	vld.idx.msk [tilespmem:v51+s12+$0x0], $0xffff;
	v4 =	vor.u32 v63, v21;
	[tilespmem:v0+s17+$0x0] =	vst.idx.msk $0xffff, v42  }
0x10f: {  	v61 =	vor.u32 v63, v23;
	v62 =	vor.u32 v63, v24;
	v44 =	vshll.u32 v63, $0x7;
	v63 =	vld [tilespmem:$0x1FFB0]  }
0x110: {  	v6 =	vor.u32 v18, v56;
	v7 =	vld.idx.msk [tilespmem:v50+s12+$0x0], $0xffff  }
0x111: {  	v59 =	vld.idx.msk [tilespmem:v2+s14+$0x0], $0xffff  }
0x112: {  	v32 =	vadd.f32 v32, v45;
	v60 =	vor.u32 v19, v56;
	v42 =	vld.idx.msk [tilespmem:v50+s12+$0x0], $0xffff  }
0x113: {  	v58 =	vor.u32 v26, v35;
	v3 =	vadd.f32 v36, v37;
	v30 =	vadd.f32 v46, v1;
	v39 =	vld.idx.msk [tilespmem:v4+s14+$0x0], $0xffff  }
0x114: {  	[tilespmem:v57+s17+$0x0] =	vst.idx.msk $0xffff, v32;
	v1 =	vor.u32 v20, v44;
	v43 =	vadd.f32 v43, v5;
	v0 =	vor.u32 s26, v63  }
0x115: {  	v2 =	vor.u32 v17, v44;
	[tilespmem:v6+s17+$0x0] =	vst.idx.msk $0xffff, v30;
	v30 =	vld.idx.msk [tilespmem:v33+s12+$0x0], $0xffff;
	v35 =	vor.u32 v16, v0  }
0x116: {  	v4 =	vld.idx.msk [tilespmem:v50+s12+$0x0], $0xffff;
	v5 =	vor.u32 v0, v22;
	v6 =	vadd.f32 v59, v7;
	v7 =	vor.u32 v27, v48  }
0x117: {  	[tilespmem:v60+s17+$0x0] =	vst.idx.msk $0xffff, v43;
	v41 =	vld.idx.msk [tilespmem:v61+s14+$0x0], $0xffff  }
0x118: {  	[tilespmem:v58+s17+$0x0] =	vst.idx.msk $0xffff, v3;
	v55 =	vld.idx.msk [tilespmem:v50+s12+$0x0], $0xffff;
	v27 =	vadd.f32 v39, v42  }
0x119: {  	v31 =	vadd.f32 v31, v25;
	v56 =	vld.idx.msk [tilespmem:v62+s14+$0x0], $0xffff;
	v53 =	vor.u32 v0, v21;
	[tilespmem:v1+s17+$0x0] =	vst.idx.msk $0xffff, v6  }
0x11a: {  	v29 =	vor.u32 v34, v29;
	[tilespmem:v2+s17+$0x0] =	vst.idx.msk $0xffff, v27;
	v58 =	vld.idx.msk [tilespmem:v35+s12+$0x0], $0xffff  }
0x11b: {  	v57 =	vor.u32 v18, v44;
	v60 =	vld.idx.msk [tilespmem:v5+s14+$0x0], $0xffff;
	[tilespmem:v7+s17+$0x0] =	vst.idx.msk $0xffff, v31  }
0x11c: {  	v26 =	vor.u32 v26, v48;
	v59 =	vor.u32 v19, v44;
	v63 =	vld [tilespmem:$0x1FFC0]  }
0x11d: {  	v25 =	vor.u32 v28, v48;
	v61 =	vor.u32 v0, v23;
	v28 =	vshll.u32 v0, $0x7;
	v38 =	vld.idx.msk [tilespmem:v35+s12+$0x0], $0xffff  }
0x11e: {  	v37 =	vor.u32 v0, v24;
	v43 =	vor.u32 v17, v28;
	v62 =	vadd.f32 v41, v4;
	v40 =	vld.idx.msk [tilespmem:v53+s14+$0x0], $0xffff  }
0x11f: {  	v44 =	vor.u32 v20, v28;
	v27 =	vor.u32 v34, v49;
	v39 =	vadd.f32 v56, v55;
	v31 =	vld.idx.msk [tilespmem:v29+s14+$0x0], $0xffff  }
0x120: {  	v34 =	vor.u32 v19, v28;
	v28 =	vor.u32 v18, v28;
	v29 =	vld.idx.msk [tilespmem:v33+s12+$0x0], $0xffff;
	[tilespmem:v57+s17+$0x0] =	vst.idx.msk $0xffff, v62  }
0x121: {  	[tilespmem:v59+s17+$0x0] =	vst.idx.msk $0xffff, v39;
	v33 =	vld.idx.msk [tilespmem:v35+s12+$0x0], $0xffff;
	v45 =	vadd.f32 v60, v58;
	v36 =	vor.u32 s26, v63  }
0x122: {  	s30 =	simm.s32 $0x80;
	s29 =	simm.s32 $0x4;
	v39 =	vld.idx.msk [tilespmem:v61+s14+$0x0], $0xffff;
	v32 =	vor.u32 v16, v36;
	v46 =	vor.u32 v36, v22;
	v41 =	vor.u32 v36, v21  }
.LBB2_3:
0x123: {  	v48 =	vld.idx.msk [tilespmem:v35+s12+$0x0], $0xffff  }
0x124: {  	v37 =	vld.idx.msk [tilespmem:v37+s14+$0x0], $0xffff  }
0x125: {  	v53 =	vld.idx.msk [tilespmem:v27+s14+$0x0], $0xffff  }
0x126: {  	s28 =	sadd.s32 $0x8, s28;
	v0 =	vld [tilespmem:$0x1FF10]  }
0x127: {  	s1 =	sand.u32 $0x40, s30;
	v49 =	vor.u32 v36, v24;
	v13 =	vld [tilespmem:$0x1FF20];
	s31 =	sand.u32 $0x30, s28;
	v38 =	vadd.f32 v40, v38;
	[tilespmem:v44+s17+$0x0] =	vst.idx.msk $0xffff, v45  }
0x128: {  	v50 =	vor.u32 v36, v23;
	v5 =	vshll.u32 v36, $0x7;
	s0 =	sor.u32 $0x30, s1;
	v7 =	vor.u32 s31, v15;
	v51 =	vld.idx.msk [tilespmem:v32+s12+$0x0], $0xffff  }
0x129: {  	v42 =	vor.u32 s1, v15;
	s3 =	sor.u32 $0x10, s1;
	v55 =	vor.u32 s0, v15;
	v4 =	vld.idx.msk [tilespmem:v46+s14+$0x0], $0xffff;
	v52 =	vor.u32 v16, v7;
	[tilespmem:v43+s17+$0x0] =	vst.idx.msk $0xffff, v38  }
0x12a: {  	s1 =	sor.u32 $0x20, s1;
	v44 =	vor.u32 s3, v15;
	v35 =	vshll.u32 v55, $0x7;
	v57 =	vld.idx.msk [tilespmem:v32+s12+$0x0], $0xffff;
	v33 =	vadd.f32 v39, v33  }
0x12b: {  	v45 =	vor.u32 s1, v15;
	v56 =	vshll.u32 v44, $0x7;
	v54 =	vor.u32 v7, v35;
	v41 =	vld.idx.msk [tilespmem:v41+s14+$0x0], $0xffff  }
0x12c: {  	v47 =	vshll.u32 v45, $0x7;
	v58 =	vor.u32 v7, v56;
	v43 =	vor.u32 s31, v0;
	v0 =	vld [tilespmem:$0x1FFF0];
	[tilespmem:v28+s17+$0x0] =	vst.idx.msk $0xffff, v33  }
0x12d: {  	v60 =	vor.u32 s26, v11;
	v46 =	vshll.u32 v42, $0x7;
	v59 =	vor.u32 v7, v47;
	v8 =	vld.idx.msk [tilespmem:v50+s14+$0x0], $0xffff  }
0x12e: {  	v61 =	vor.u32 v20, v5;
	v62 =	vor.u32 v17, v5;
	v27 =	vor.u32 v7, v46;
	v39 =	vld.idx.msk [tilespmem:v52+s12+$0x0], $0xffff  }
0x12f: {  	v36 =	vor.u32 v18, v5;
	v38 =	vor.u32 v16, v60;
	v52 =	vor.u32 v19, v5;
	v5 =	vld.idx.msk [tilespmem:v32+s12+$0x0], $0xffff  }
0x130: {  	v6 =	vor.u32 v60, v22;
	v37 =	vadd.f32 v37, v48;
	v54 =	vld.idx.msk [tilespmem:v54+s14+$0x0], $0xffff  }
0x131: {  	v7 =	vshll.u32 v7, $0x7;
	v28 =	vadd.f32 v4, v51;
	v33 =	vld.idx.msk [tilespmem:v58+s14+$0x0], $0xffff  }
0x132: {  	[tilespmem:v34+s17+$0x0] =	vst.idx.msk $0xffff, v37;
	v37 =	vld.idx.msk [tilespmem:v59+s14+$0x0], $0xffff;
	v40 =	vadd.f32 v41, v57;
	v41 =	vor.u32 v55, v7  }
0x133: {  	[tilespmem:v61+s17+$0x0] =	vst.idx.msk $0xffff, v28;
	v59 =	vor.u32 v16, v43;
	v61 =	vor.u32 v44, v7;
	v27 =	vld.idx.msk [tilespmem:v27+s14+$0x0], $0xffff  }
0x134: {  	v2 =	vor.u32 v43, v35;
	v34 =	vor.u32 v45, v7;
	v57 =	vld.idx.msk [tilespmem:v38+s12+$0x0], $0xffff  }
0x135: {  	v63 =	vor.u32 v43, v56;
	v28 =	vor.u32 v42, v7;
	v48 =	vld.idx.msk [tilespmem:v6+s14+$0x0], $0xffff;
	v54 =	vadd.f32 v54, v39  }
0x136: {  	v1 =	vor.u32 v43, v47;
	v4 =	vshll.u32 v60, $0x7;
	v58 =	vld.idx.msk [tilespmem:v32+s12+$0x0], $0xffff;
	v6 =	vadd.f32 v33, v39  }
0x137: {  	v9 =	vor.u32 v20, v4;
	v7 =	vor.u32 s26, v0;
	v0 =	vld [tilespmem:$0x1FF30];
	v37 =	vadd.f32 v37, v39;
	[tilespmem:v41+s17+$0x0] =	vst.idx.msk $0xffff, v54  }
0x138: {  	v32 =	vor.u32 v7, v22;
	v27 =	vadd.f32 v27, v39;
	[tilespmem:v61+s17+$0x0] =	vst.idx.msk $0xffff, v6;
	v6 =	vld.idx.msk [tilespmem:v59+s12+$0x0], $0xffff  }
0x139: {  	v33 =	vor.u32 v16, v7;
	[tilespmem:v34+s17+$0x0] =	vst.idx.msk $0xffff, v37;
	v2 =	vld.idx.msk [tilespmem:v2+s14+$0x0], $0xffff  }
0x13a: {  	v3 =	vor.u32 v43, v46;
	v48 =	vadd.f32 v48, v57;
	[tilespmem:v28+s17+$0x0] =	vst.idx.msk $0xffff, v27;
	v39 =	vld.idx.msk [tilespmem:v59+s12+$0x0], $0xffff  }
0x13b: {  	v51 =	vor.u32 v60, v21;
	[tilespmem:v62+s17+$0x0] =	vst.idx.msk $0xffff, v40;
	v40 =	vshll.u32 v43, $0x7;
	v1 =	vld.idx.msk [tilespmem:v1+s14+$0x0], $0xffff  }
0x13c: {  	[tilespmem:v9+s17+$0x0] =	vst.idx.msk $0xffff, v48;
	v9 =	vor.u32 s31, v0;
	v54 =	vld.idx.msk [tilespmem:v63+s14+$0x0], $0xffff;
	v27 =	vor.u32 v55, v40  }
0x13d: {  	v50 =	vor.u32 v60, v23;
	v41 =	vor.u32 v60, v24;
	v60 =	vor.u32 v16, v9;
	v32 =	vld.idx.msk [tilespmem:v32+s14+$0x0], $0xffff  }
0x13e: {  	v5 =	vadd.f32 v8, v5;
	v61 =	vor.u32 v44, v40;
	v10 =	vor.u32 v9, v35;
	v34 =	vld.idx.msk [tilespmem:v33+s12+$0x0], $0xffff  }
0x13f: {  	v57 =	vor.u32 v17, v4;
	v63 =	vld.idx.msk [tilespmem:v59+s12+$0x0], $0xffff;
	v2 =	vadd.f32 v2, v6;
	v6 =	vshll.u32 v7, $0x7  }
0x140: {  	v3 =	vld.idx.msk [tilespmem:v3+s14+$0x0], $0xffff;
	v48 =	vor.u32 v42, v40;
	v62 =	vor.u32 v9, v56;
	v14 =	vor.u32 v20, v6  }
0x141: {  	v40 =	vor.u32 v45, v40;
	v59 =	vld.idx.msk [tilespmem:v59+s12+$0x0], $0xffff;
	v39 =	vadd.f32 v54, v39;
	[tilespmem:v27+s17+$0x0] =	vst.idx.msk $0xffff, v2  }
0x142: {  	v13 =	vor.u32 s26, v13;
	v37 =	vor.u32 v19, v4;
	v0 =	vmov v11;
	[tilespmem:v36+s17+$0x0] =	vst.idx.msk $0xffff, v5;
	v2 =	vld.idx.msk [tilespmem:v60+s12+$0x0], $0xffff  }
0x143: {  	v11 =	vor.u32 v9, v47;
	[tilespmem:v61+s17+$0x0] =	vst.idx.msk $0xffff, v39;
	v8 =	vld.idx.msk [tilespmem:v10+s14+$0x0], $0xffff;
	v10 =	vadd.f32 v32, v34  }
0x144: {  	v54 =	vor.u32 v18, v4;
	v4 =	vor.u32 v13, v22;
	v1 =	vadd.f32 v1, v63;
	v27 =	vld.idx.msk [tilespmem:v60+s12+$0x0], $0xffff  }
0x145: {  	[tilespmem:v14+s17+$0x0] =	vst.idx.msk $0xffff, v10;
	v10 =	vld [tilespmem:$0x1FFD0]  }
0x146: {  	v12 =	vor.u32 v9, v46;
	v3 =	vadd.f32 v3, v59;
	[tilespmem:v40+s17+$0x0] =	vst.idx.msk $0xffff, v1;
	v36 =	vld.idx.msk [tilespmem:v62+s14+$0x0], $0xffff  }
0x147: {  	v28 =	vor.u32 v16, v13;
	v5 =	vshll.u32 v9, $0x7;
	v61 =	vld.idx.msk [tilespmem:v60+s12+$0x0], $0xffff  }
0x148: {  	[tilespmem:v48+s17+$0x0] =	vst.idx.msk $0xffff, v3;
	v3 =	vld.idx.msk [tilespmem:v11+s14+$0x0], $0xffff;
	v14 =	vor.u32 v55, v5  }
0x149: {  	s26 =	smov.u32 s31;
	v43 =	vor.u32 v7, v21;
	v1 =	vld.idx.msk [tilespmem:v4+s14+$0x0], $0xffff;
	v4 =	vor.u32 v44, v5  }
0x14a: {  	v9 =	vor.u32 v42, v5;
	v22 =	vmovc v35;
	v11 =	vld.idx.msk [tilespmem:v60+s12+$0x0], $0xffff;
	v5 =	vor.u32 v45, v5;
	v10 =	vor.u32 s26, v10  }
0x14b: {  	v34 =	vor.u32 v7, v24;
	v12 =	vld.idx.msk [tilespmem:v12+s14+$0x0], $0xffff;
	v2 =	vadd.f32 v8, v2;
	v59 =	vor.u32 v16, v10  }
0x14c: {  	v39 =	vor.u32 v7, v23;
	v32 =	vld.idx.msk [tilespmem:v28+s12+$0x0], $0xffff;
	v7 =	vadd.f32 v36, v27;
	v35 =	vor.u32 v10, v22  }
0x14d: {  	v27 =	vor.u32 v13, v24;
	v3 =	vadd.f32 v3, v61;
	v24 =	vld.idx.msk [tilespmem:v49+s14+$0x0], $0xffff;
	[tilespmem:v14+s17+$0x0] =	vst.idx.msk $0xffff, v2  }
0x14e: {  	v8 =	vshll.u32 v13, $0x7;
	v14 =	vld [tilespmem:$0x1FF40];
	v60 =	vor.u32 v10, v56;
	[tilespmem:v4+s17+$0x0] =	vst.idx.msk $0xffff, v7  }
0x14f: {  	v20 =	vor.u32 v20, v8;
	[tilespmem:v5+s17+$0x0] =	vst.idx.msk $0xffff, v3;
	v3 =	vld.idx.msk [tilespmem:v38+s12+$0x0], $0xffff  }
0x150: {  	v62 =	vor.u32 v10, v47;
	v2 =	vld.idx.msk [tilespmem:v59+s12+$0x0], $0xffff  }
0x151: {  	v48 =	vor.u32 v17, v6;
	v63 =	vor.u32 v10, v46;
	v4 =	vld.idx.msk [tilespmem:v35+s14+$0x0], $0xffff  }
0x152: {  	v40 =	vor.u32 v18, v6;
	v36 =	vor.u32 v19, v6;
	v1 =	vadd.f32 v1, v32;
	v6 =	vld.idx.msk [tilespmem:v59+s12+$0x0], $0xffff  }
0x153: {  	v11 =	vadd.f32 v12, v11;
	v32 =	vor.u32 v13, v23;
	v35 =	vor.u32 v13, v21;
	v13 =	vld.idx.msk [tilespmem:v60+s14+$0x0], $0xffff  }
0x154: {  	v7 =	vadd.f32 v31, v30;
	v10 =	vshll.u32 v10, $0x7;
	[tilespmem:v20+s17+$0x0] =	vst.idx.msk $0xffff, v1;
	v20 =	vmov v55;
	v30 =	vld.idx.msk [tilespmem:v59+s12+$0x0], $0xffff  }
0x155: {  	[tilespmem:v9+s17+$0x0] =	vst.idx.msk $0xffff, v11;
	v14 =	vor.u32 s26, v14;
	v11 =	vld.idx.msk [tilespmem:v62+s14+$0x0], $0xffff;
	v23 =	vor.u32 v20, v10  }
0x156: {  	v21 =	vmov v56;
	v12 =	vor.u32 v16, v14;
	v56 =	vld.idx.msk [tilespmem:v63+s14+$0x0], $0xffff  }
0x157: {  	v5 =	vor.u32 v44, v10;
	v31 =	vor.u32 v14, v22;
	v62 =	vld [tilespmem:$0x1FF80]  }
0x158: {  	v60 =	vld [tilespmem:$0x1FF70];
	v2 =	vadd.f32 v4, v2  }
0x159: {  	v9 =	vor.u32 v14, v21;
	v4 =	vld.idx.msk [tilespmem:v59+s12+$0x0], $0xffff  }
0x15a: {  	v59 =	vld [tilespmem:$0x1FF60];
	v6 =	vadd.f32 v13, v6;
	[tilespmem:v23+s17+$0x0] =	vst.idx.msk $0xffff, v2  }
0x15b: {  	v1 =	vor.u32 v42, v10;
	v10 =	vor.u32 v45, v10;
	v13 =	vld.idx.msk [tilespmem:v12+s12+$0x0], $0xffff  }
0x15c: {  	[tilespmem:v5+s17+$0x0] =	vst.idx.msk $0xffff, v6;
	v63 =	vld.idx.msk [tilespmem:v31+s14+$0x0], $0xffff  }
0x15d: {  	v53 =	vadd.f32 v53, v29;
	v29 =	vor.u32 v17, v8;
	v55 =	vor.u32 v14, v47;
	v6 =	vld.idx.msk [tilespmem:v12+s12+$0x0], $0xffff  }
0x15e: {  	v11 =	vadd.f32 v11, v30;
	v2 =	vor.u32 v19, v8;
	v8 =	vor.u32 v18, v8;
	v9 =	vld.idx.msk [tilespmem:v9+s14+$0x0], $0xffff  }
0x15f: {  	[tilespmem:v25+s17+$0x0] =	vst.idx.msk $0xffff, v7;
	v25 =	vmov v8;
	v8 =	vld [tilespmem:$0x1FF50]  }
0x160: {  	[tilespmem:v10+s17+$0x0] =	vst.idx.msk $0xffff, v11;
	v31 =	vld.idx.msk [tilespmem:v51+s14+$0x0], $0xffff  }
0x161: {  	v17 =	vmov v44;
	v49 =	vor.u32 v14, v46;
	v14 =	vshll.u32 v14, $0x7;
	v44 =	vld.idx.msk [tilespmem:v12+s12+$0x0], $0xffff  }
0x162: {  	v58 =	vadd.f32 v24, v58;
	v30 =	vor.u32 v20, v14;
	v61 =	vld.idx.msk [tilespmem:v55+s14+$0x0], $0xffff  }
0x163: {  	v19 =	vmovc v42;
	v18 =	vmov v45;
	v11 =	vor.u32 v17, v14;
	v10 =	vld.idx.msk [tilespmem:v38+s12+$0x0], $0xffff;
	v4 =	vadd.f32 v56, v4  }
0x164: {  	[tilespmem:v52+s17+$0x0] =	vst.idx.msk $0xffff, v58;
	v7 =	vor.u32 v19, v14;
	v14 =	vor.u32 v18, v14;
	v55 =	vld [tilespmem:$0x1FFA0];
	v8 =	vor.u32 s26, v8  }
0x165: {  	v56 =	vld [tilespmem:$0x1FFB0];
	[tilespmem:v1+s17+$0x0] =	vst.idx.msk $0xffff, v4;
	v42 =	vor.u32 v16, v8  }
0x166: {  	v5 =	vadd.f32 v63, v13;
	v12 =	vld.idx.msk [tilespmem:v12+s12+$0x0], $0xffff;
	[tilespmem:v26+s17+$0x0] =	vst.idx.msk $0xffff, v53;
	v58 =	vor.u32 v8, v22  }
0x167: {  	v4 =	vadd.f32 v61, v44;
	v51 =	vld.idx.msk [tilespmem:v49+s14+$0x0], $0xffff  }
0x168: {  	v1 =	vor.u32 v8, v21;
	[tilespmem:v30+s17+$0x0] =	vst.idx.msk $0xffff, v5;
	v30 =	vld.idx.msk [tilespmem:v50+s14+$0x0], $0xffff  }
0x169: {  	v23 =	vmov v47;
	v6 =	vadd.f32 v9, v6;
	[tilespmem:v14+s17+$0x0] =	vst.idx.msk $0xffff, v4;
	v4 =	vld.idx.msk [tilespmem:v38+s12+$0x0], $0xffff  }
0x16a: {  	v26 =	vmov v2;
	v3 =	vadd.f32 v31, v3;
	v63 =	vor.u32 v8, v23;
	v2 =	vld.idx.msk [tilespmem:v42+s12+$0x0], $0xffff  }
0x16b: {  	v24 =	vmov v46;
	[tilespmem:v11+s17+$0x0] =	vst.idx.msk $0xffff, v6;
	v5 =	vld.idx.msk [tilespmem:v58+s14+$0x0], $0xffff  }
0x16c: {  	v13 =	vor.u32 v8, v24;
	v6 =	vld.idx.msk [tilespmem:v42+s12+$0x0], $0xffff;
	[tilespmem:v57+s17+$0x0] =	vst.idx.msk $0xffff, v3;
	v3 =	vshll.u32 v8, $0x7  }
0x16d: {  	v9 =	vor.u32 s26, v60;
	v12 =	vadd.f32 v51, v12;
	v1 =	vld.idx.msk [tilespmem:v1+s14+$0x0], $0xffff;
	v11 =	vor.u32 v20, v3  }
0x16e: {  	v31 =	vor.u32 v16, v9;
	v53 =	vld.idx.msk [tilespmem:v42+s12+$0x0], $0xffff  }
0x16f: {  	v58 =	vor.u32 v9, v22;
	v14 =	vor.u32 v17, v3;
	[tilespmem:v7+s17+$0x0] =	vst.idx.msk $0xffff, v12;
	v12 =	vld.idx.msk [tilespmem:v63+s14+$0x0], $0xffff  }
0x170: {  	v63 =	vld.idx.msk [tilespmem:v42+s12+$0x0], $0xffff;
	v2 =	vadd.f32 v5, v2  }
0x171: {  	v61 =	vor.u32 v9, v21;
	v8 =	vor.u32 v19, v3;
	v3 =	vor.u32 v18, v3;
	v13 =	vld.idx.msk [tilespmem:v13+s14+$0x0], $0xffff  }
0x172: {  	v51 =	vadd.f32 v30, v10;
	v30 =	vld.idx.msk [tilespmem:v41+s14+$0x0], $0xffff;
	v1 =	vadd.f32 v1, v6;
	[tilespmem:v11+s17+$0x0] =	vst.idx.msk $0xffff, v2  }
0x173: {  	v2 =	vld.idx.msk [tilespmem:v31+s12+$0x0], $0xffff  }
0x174: {  	v50 =	vor.u32 v9, v23;
	[tilespmem:v14+s17+$0x0] =	vst.idx.msk $0xffff, v1;
	v1 =	vld.idx.msk [tilespmem:v58+s14+$0x0], $0xffff  }
0x175: {  	v49 =	vor.u32 v9, v24;
	v52 =	vshll.u32 v9, $0x7;
	v9 =	vadd.f32 v12, v53;
	v10 =	vld.idx.msk [tilespmem:v31+s12+$0x0], $0xffff  }
0x176: {  	[tilespmem:v54+s17+$0x0] =	vst.idx.msk $0xffff, v51;
	v12 =	vor.u32 s26, v62;
	v14 =	vor.u32 v20, v52;
	v7 =	vld.idx.msk [tilespmem:v61+s14+$0x0], $0xffff  }
0x177: {  	v5 =	vadd.f32 v13, v63;
	v13 =	vor.u32 v16, v12;
	[tilespmem:v3+s17+$0x0] =	vst.idx.msk $0xffff, v9;
	v3 =	vld.idx.msk [tilespmem:v33+s12+$0x0], $0xffff  }
0x178: {  	v54 =	vor.u32 v12, v22;
	v9 =	vor.u32 v17, v52;
	v53 =	vld.idx.msk [tilespmem:v31+s12+$0x0], $0xffff  }
0x179: {  	[tilespmem:v8+s17+$0x0] =	vst.idx.msk $0xffff, v5;
	v8 =	vld.idx.msk [tilespmem:v50+s14+$0x0], $0xffff;
	v1 =	vadd.f32 v1, v2  }
0x17a: {  	v58 =	vor.u32 v12, v21;
	v42 =	vld.idx.msk [tilespmem:v49+s14+$0x0], $0xffff  }
0x17b: {  	v6 =	vor.u32 v18, v52;
	v2 =	vld.idx.msk [tilespmem:v31+s12+$0x0], $0xffff;
	v7 =	vadd.f32 v7, v10;
	[tilespmem:v14+s17+$0x0] =	vst.idx.msk $0xffff, v1  }
0x17c: {  	v1 =	vld.idx.msk [tilespmem:v13+s12+$0x0], $0xffff  }
0x17d: {  	[tilespmem:v9+s17+$0x0] =	vst.idx.msk $0xffff, v7;
	v63 =	vld.idx.msk [tilespmem:v54+s14+$0x0], $0xffff  }
0x17e: {  	v11 =	vor.u32 v19, v52;
	v61 =	vor.u32 v12, v23;
	v8 =	vadd.f32 v8, v53;
	v9 =	vld.idx.msk [tilespmem:v13+s12+$0x0], $0xffff  }
0x17f: {  	v4 =	vadd.f32 v30, v4;
	v5 =	vld.idx.msk [tilespmem:v58+s14+$0x0], $0xffff  }
0x180: {  	v45 =	vshll.u32 v12, $0x7;
	v31 =	vor.u32 v12, v24;
	v30 =	vld.idx.msk [tilespmem:v43+s14+$0x0], $0xffff;
	[tilespmem:v6+s17+$0x0] =	vst.idx.msk $0xffff, v8  }
0x181: {  	v12 =	vor.u32 s26, v59;
	v8 =	vor.u32 v17, v45;
	v2 =	vadd.f32 v42, v2;
	v6 =	vld.idx.msk [tilespmem:v33+s12+$0x0], $0xffff  }
0x182: {  	[tilespmem:v37+s17+$0x0] =	vst.idx.msk $0xffff, v4;
	v46 =	vor.u32 v16, v12;
	v47 =	vld.idx.msk [tilespmem:v13+s12+$0x0], $0xffff  }
0x183: {  	[tilespmem:v11+s17+$0x0] =	vst.idx.msk $0xffff, v2;
	v11 =	vld.idx.msk [tilespmem:v61+s14+$0x0], $0xffff  }
0x184: {  	v14 =	vor.u32 v20, v45;
	v50 =	vld.idx.msk [tilespmem:v13+s12+$0x0], $0xffff;
	v5 =	vadd.f32 v5, v9  }
0x185: {  	v31 =	vld.idx.msk [tilespmem:v31+s14+$0x0], $0xffff  }
0x186: {  	v49 =	vor.u32 v12, v22;
	v53 =	vld.idx.msk [tilespmem:v33+s12+$0x0], $0xffff;
	v3 =	vadd.f32 v30, v3;
	[tilespmem:v8+s17+$0x0] =	vst.idx.msk $0xffff, v5  }
0x187: {  	v4 =	vor.u32 v18, v45;
	v2 =	vor.u32 v12, v21;
	v1 =	vadd.f32 v63, v1;
	v8 =	vld.idx.msk [tilespmem:v46+s12+$0x0], $0xffff  }
0x188: {  	v51 =	vor.u32 v12, v23;
	v13 =	vor.u32 v12, v24;
	[tilespmem:v48+s17+$0x0] =	vst.idx.msk $0xffff, v3;
	v3 =	vshll.u32 v12, $0x7;
	v12 =	vld [tilespmem:$0x1FF90]  }
0x189: {  	v30 =	vld.idx.msk [tilespmem:v39+s14+$0x0], $0xffff;
	[tilespmem:v14+s17+$0x0] =	vst.idx.msk $0xffff, v1  }
0x18a: {  	v10 =	vor.u32 v19, v45;
	v1 =	vld.idx.msk [tilespmem:v46+s12+$0x0], $0xffff  }
0x18b: {  	v52 =	vld.idx.msk [tilespmem:v49+s14+$0x0], $0xffff;
	v9 =	vadd.f32 v11, v47  }
0x18c: {  	v2 =	vld.idx.msk [tilespmem:v2+s14+$0x0], $0xffff  }
0x18d: {  	v57 =	vld [tilespmem:$0x1FFC0];
	v14 =	vor.u32 v20, v3;
	v7 =	vadd.f32 v31, v50;
	[tilespmem:v4+s17+$0x0] =	vst.idx.msk $0xffff, v9;
	v12 =	vor.u32 s26, v12  }
0x18e: {  	v54 =	vld.idx.msk [tilespmem:v46+s12+$0x0], $0xffff;
	v31 =	vor.u32 v16, v12  }
0x18f: {  	v9 =	vor.u32 v17, v3;
	[tilespmem:v10+s17+$0x0] =	vst.idx.msk $0xffff, v7;
	v10 =	vld.idx.msk [tilespmem:v51+s14+$0x0], $0xffff;
	v58 =	vor.u32 v12, v22  }
0x190: {  	v1 =	vadd.f32 v52, v1;
	v63 =	vld.idx.msk [tilespmem:v46+s12+$0x0], $0xffff  }
0x191: {  	v11 =	vor.u32 v19, v3;
	v3 =	vor.u32 v18, v3;
	v13 =	vld.idx.msk [tilespmem:v13+s14+$0x0], $0xffff;
	v61 =	vor.u32 v12, v21  }
0x192: {  	v6 =	vadd.f32 v30, v6;
	v30 =	vld.idx.msk [tilespmem:v34+s14+$0x0], $0xffff;
	v2 =	vadd.f32 v2, v8;
	[tilespmem:v14+s17+$0x0] =	vst.idx.msk $0xffff, v1  }
0x193: {  	v1 =	vld.idx.msk [tilespmem:v31+s12+$0x0], $0xffff  }
0x194: {  	v43 =	vor.u32 v12, v23;
	[tilespmem:v9+s17+$0x0] =	vst.idx.msk $0xffff, v2;
	v2 =	vld.idx.msk [tilespmem:v58+s14+$0x0], $0xffff  }
0x195: {  	v42 =	vor.u32 v12, v24;
	v44 =	vshll.u32 v12, $0x7;
	v9 =	vadd.f32 v10, v54;
	v8 =	vld.idx.msk [tilespmem:v31+s12+$0x0], $0xffff  }
0x196: {  	[tilespmem:v40+s17+$0x0] =	vst.idx.msk $0xffff, v6;
	v12 =	vor.u32 s26, v55;
	v14 =	vor.u32 v20, v44;
	v7 =	vld.idx.msk [tilespmem:v61+s14+$0x0], $0xffff  }
0x197: {  	v5 =	vadd.f32 v13, v63;
	v13 =	vor.u32 v16, v12;
	[tilespmem:v3+s17+$0x0] =	vst.idx.msk $0xffff, v9;
	v3 =	vld.idx.msk [tilespmem:v28+s12+$0x0], $0xffff  }
0x198: {  	v46 =	vor.u32 v12, v22;
	v9 =	vor.u32 v17, v44;
	v45 =	vld.idx.msk [tilespmem:v31+s12+$0x0], $0xffff  }
0x199: {  	[tilespmem:v11+s17+$0x0] =	vst.idx.msk $0xffff, v5;
	v11 =	vld.idx.msk [tilespmem:v43+s14+$0x0], $0xffff;
	v1 =	vadd.f32 v2, v1  }
0x19a: {  	v47 =	vor.u32 v12, v21;
	v37 =	vld.idx.msk [tilespmem:v42+s14+$0x0], $0xffff  }
0x19b: {  	v6 =	vor.u32 v18, v44;
	v2 =	vld.idx.msk [tilespmem:v31+s12+$0x0], $0xffff;
	v7 =	vadd.f32 v7, v8;
	[tilespmem:v14+s17+$0x0] =	vst.idx.msk $0xffff, v1  }
0x19c: {  	v1 =	vld.idx.msk [tilespmem:v13+s12+$0x0], $0xffff  }
0x19d: {  	[tilespmem:v9+s17+$0x0] =	vst.idx.msk $0xffff, v7;
	v49 =	vld.idx.msk [tilespmem:v46+s14+$0x0], $0xffff  }
0x19e: {  	v48 =	vor.u32 v12, v23;
	v10 =	vor.u32 v19, v44;
	v9 =	vadd.f32 v11, v45;
	v8 =	vld.idx.msk [tilespmem:v13+s12+$0x0], $0xffff  }
0x19f: {  	v50 =	vshll.u32 v12, $0x7;
	v4 =	vadd.f32 v30, v53;
	v31 =	vor.u32 v12, v24;
	v5 =	vld.idx.msk [tilespmem:v47+s14+$0x0], $0xffff  }
0x1a0: {  	v12 =	vor.u32 s26, v56;
	v14 =	vor.u32 v20, v50;
	v51 =	vld.idx.msk [tilespmem:v35+s14+$0x0], $0xffff;
	[tilespmem:v6+s17+$0x0] =	vst.idx.msk $0xffff, v9  }
0x1a1: {  	v35 =	vor.u32 v16, v12;
	v2 =	vadd.f32 v37, v2;
	v30 =	vld.idx.msk [tilespmem:v28+s12+$0x0], $0xffff  }
0x1a2: {  	v52 =	vor.u32 v17, v50;
	[tilespmem:v36+s17+$0x0] =	vst.idx.msk $0xffff, v4;
	v53 =	vor.u32 v12, v22;
	v9 =	vld.idx.msk [tilespmem:v13+s12+$0x0], $0xffff  }
0x1a3: {  	[tilespmem:v10+s17+$0x0] =	vst.idx.msk $0xffff, v2;
	v10 =	vld.idx.msk [tilespmem:v48+s14+$0x0], $0xffff;
	v1 =	vadd.f32 v49, v1  }
0x1a4: {  	v2 =	vor.u32 v12, v21;
	v54 =	vld.idx.msk [tilespmem:v13+s12+$0x0], $0xffff  }
0x1a5: {  	v58 =	vld.idx.msk [tilespmem:v31+s14+$0x0], $0xffff;
	v5 =	vadd.f32 v5, v8;
	[tilespmem:v14+s17+$0x0] =	vst.idx.msk $0xffff, v1  }
0x1a6: {  	v4 =	vor.u32 v18, v50;
	v3 =	vadd.f32 v51, v3;
	v1 =	vld.idx.msk [tilespmem:v35+s12+$0x0], $0xffff  }
0x1a7: {  	s29 =	sadd.s32 $0x4, s29;
	v36 =	vor.u32 s26, v57;
	[tilespmem:v52+s17+$0x0] =	vst.idx.msk $0xffff, v5;
	v61 =	vld.idx.msk [tilespmem:v53+s14+$0x0], $0xffff  }
0x1a8: {  	p1 =	slt.u32 s29, $0x1C;
	v11 =	vor.u32 v19, v50;
	v13 =	vor.u32 v12, v23;
	v38 =	vld.idx.msk [tilespmem:v35+s12+$0x0], $0xffff;
	[tilespmem:v29+s17+$0x0] =	vst.idx.msk $0xffff, v3  }
.Ltmp0:
0x1a9: {  	v41 =	vor.u32 v36, v21;
	v46 =	vor.u32 v36, v22;
	v40 =	vld.idx.msk [tilespmem:v2+s14+$0x0], $0xffff;
	v2 =	vadd.f32 v10, v9;
	(pc) =	sbr.rel @p1 .LBB2_3-.Ltmp0, $4  }
0x1aa: {  	v37 =	vor.u32 v12, v24;
	v31 =	vld.idx.msk [tilespmem:v32+s14+$0x0], $0xffff;
	v32 =	vor.u32 v16, v36;
	v3 =	vshll.u32 v12, $0x7  }
0x1ab: {  	v29 =	vld.idx.msk [tilespmem:v28+s12+$0x0], $0xffff;
	v34 =	vor.u32 v19, v3;
	v63 =	vadd.f32 v58, v54;
	[tilespmem:v4+s17+$0x0] =	vst.idx.msk $0xffff, v2  }
0x1ac: {  	v44 =	vor.u32 v20, v3;
	v43 =	vor.u32 v17, v3;
	v28 =	vor.u32 v18, v3;
	v33 =	vld.idx.msk [tilespmem:v35+s12+$0x0], $0xffff  }
0x1ad: {  	s30 =	sadd.s32 $0x40, s30;
	[tilespmem:v11+s17+$0x0] =	vst.idx.msk $0xffff, v63;
	v11 =	vmov v0;
	v39 =	vld.idx.msk [tilespmem:v13+s14+$0x0], $0xffff;
	v45 =	vadd.f32 v61, v1  }
0x1ae: {  	_ =	sdelay $0x1  }
0x1af: {  	v58 =	vld [tilespmem:$0x1FF10]  }
0x1b0: {  	v15 =	vld [tilespmem:$0x1FFD0]  }
0x1b1: {  	v1 =	vld.idx.msk [tilespmem:v35+s12+$0x0], $0xffff  }
0x1b2: {  	v2 =	vld.idx.msk [tilespmem:v37+s14+$0x0], $0xffff;
	v3 =	vadd.f32 v40, v38;
	[tilespmem:v44+s17+$0x0] =	vst.idx.msk $0xffff, v45  }
0x1b3: {  	v4 =	vld.idx.msk [tilespmem:v32+s12+$0x0], $0xffff  }
0x1b4: {  	v5 =	vor.u32 v36, v23;
	[tilespmem:v43+s17+$0x0] =	vst.idx.msk $0xffff, v3;
	v3 =	vld.idx.msk [tilespmem:v46+s14+$0x0], $0xffff  }
0x1b5: {  	v9 =	vshll.u32 v36, $0x7;
	v6 =	vld.idx.msk [tilespmem:v32+s12+$0x0], $0xffff;
	v7 =	vadd.f32 v39, v33  }
0x1b6: {  	v8 =	vor.u32 v36, v24;
	v11 =	vor.u32 s26, v11;
	v12 =	vor.u32 v20, v9;
	v10 =	vld.idx.msk [tilespmem:v41+s14+$0x0], $0xffff  }
0x1b7: {  	v1 =	vadd.f32 v2, v1;
	v2 =	vor.u32 v16, v11;
	[tilespmem:v28+s17+$0x0] =	vst.idx.msk $0xffff, v7  }
0x1b8: {  	v13 =	vor.u32 v11, v22;
	v14 =	vor.u32 v17, v9;
	v7 =	vld.idx.msk [tilespmem:v32+s12+$0x0], $0xffff  }
0x1b9: {  	[tilespmem:v34+s17+$0x0] =	vst.idx.msk $0xffff, v1;
	v1 =	vld.idx.msk [tilespmem:v5+s14+$0x0], $0xffff;
	v3 =	vadd.f32 v3, v4  }
0x1ba: {  	v35 =	vld.idx.msk [tilespmem:v32+s12+$0x0], $0xffff  }
0x1bb: {  	v36 =	vor.u32 v11, v21;
	v8 =	vld.idx.msk [tilespmem:v8+s14+$0x0], $0xffff;
	v6 =	vadd.f32 v10, v6;
	[tilespmem:v12+s17+$0x0] =	vst.idx.msk $0xffff, v3  }
0x1bc: {  	v37 =	vor.u32 v18, v9;
	v38 =	vld.idx.msk [tilespmem:v2+s12+$0x0], $0xffff  }
0x1bd: {  	v12 =	vld.idx.msk [tilespmem:v13+s14+$0x0], $0xffff;
	[tilespmem:v14+s17+$0x0] =	vst.idx.msk $0xffff, v6  }
0x1be: {  	v3 =	vor.u32 v19, v9;
	v41 =	vld [tilespmem:$0x1FFF0]  }
0x1bf: {  	v40 =	vshll.u32 v11, $0x7;
	v13 =	vld.idx.msk [tilespmem:v2+s12+$0x0], $0xffff;
	v1 =	vadd.f32 v1, v7  }
0x1c0: {  	v39 =	vor.u32 v11, v23;
	v14 =	vor.u32 v20, v40;
	v46 =	vld.idx.msk [tilespmem:v36+s14+$0x0], $0xffff  }
0x1c1: {  	[tilespmem:v37+s17+$0x0] =	vst.idx.msk $0xffff, v1;
	v1 =	vadd.f32 v8, v35  }
0x1c2: {  	v63 =	vor.u32 v17, v40;
	v11 =	vor.u32 v11, v24  }
0x1c3: {  	[tilespmem:v3+s17+$0x0] =	vst.idx.msk $0xffff, v1;
	v3 =	vadd.f32 v12, v38  }
0x1c4: {  	v54 =	vld.idx.msk [tilespmem:v2+s12+$0x0], $0xffff;
	v7 =	vor.u32 s26, v41  }
0x1c5: {  	v1 =	vld.idx.msk [tilespmem:v39+s14+$0x0], $0xffff;
	v47 =	vor.u32 v16, v7;
	[tilespmem:v14+s17+$0x0] =	vst.idx.msk $0xffff, v3;
	v3 =	vadd.f32 v46, v13  }
0x1c6: {  	v61 =	vor.u32 v7, v22;
	v2 =	vld.idx.msk [tilespmem:v2+s12+$0x0], $0xffff  }
0x1c7: {  	v11 =	vld.idx.msk [tilespmem:v11+s14+$0x0], $0xffff;
	[tilespmem:v63+s17+$0x0] =	vst.idx.msk $0xffff, v3  }
0x1c8: {  	v36 =	vor.u32 v18, v40;
	v37 =	vor.u32 v7, v21;
	v51 =	vld [tilespmem:$0x1FF20];
	_ =	sdelay $0x1  }
0x1c9: {  	v38 =	vor.u32 v19, v40;
	v12 =	vor.u32 v7, v23;
	v39 =	vld.idx.msk [tilespmem:v47+s12+$0x0], $0xffff  }
0x1ca: {  	v3 =	vshll.u32 v7, $0x7;
	v1 =	vadd.f32 v1, v54;
	v13 =	vld.idx.msk [tilespmem:v61+s14+$0x0], $0xffff  }
0x1cb: {  	v44 =	vmov v41;
	v7 =	vor.u32 v7, v24;
	v41 =	vor.u32 v20, v3;
	v14 =	vld.idx.msk [tilespmem:v47+s12+$0x0], $0xffff  }
0x1cc: {  	[tilespmem:v36+s17+$0x0] =	vst.idx.msk $0xffff, v1;
	v1 =	vadd.f32 v11, v2;
	v2 =	vld.idx.msk [tilespmem:v37+s14+$0x0], $0xffff;
	v40 =	vor.u32 s26, v51  }
0x1cd: {  	v43 =	vld.idx.msk [tilespmem:v47+s12+$0x0], $0xffff;
	v42 =	vor.u32 v16, v40  }
0x1ce: {  	[tilespmem:v38+s17+$0x0] =	vst.idx.msk $0xffff, v1;
	v1 =	vld.idx.msk [tilespmem:v12+s14+$0x0], $0xffff;
	v45 =	vor.u32 v40, v22;
	v16 =	vor.u32 v17, v3  }
0x1cf: {  	v5 =	vld.idx.msk [tilespmem:v47+s12+$0x0], $0xffff;
	v46 =	vadd.f32 v13, v39  }
0x1d0: {  	v47 =	vor.u32 v18, v3;
	v7 =	vld.idx.msk [tilespmem:v7+s14+$0x0], $0xffff;
	v12 =	vor.u32 v40, v21  }
0x1d1: {  	v13 =	vld.idx.msk [tilespmem:v27+s14+$0x0], $0xffff;
	v2 =	vadd.f32 v2, v14;
	[tilespmem:v41+s17+$0x0] =	vst.idx.msk $0xffff, v46  }
0x1d2: {  	v3 =	vor.u32 v19, v3;
	v14 =	vor.u32 v40, v23;
	v4 =	vld.idx.msk [tilespmem:v42+s12+$0x0], $0xffff  }
0x1d3: {  	v1 =	vadd.f32 v1, v43;
	v11 =	vld.idx.msk [tilespmem:v45+s14+$0x0], $0xffff;
	[tilespmem:v16+s17+$0x0] =	vst.idx.msk $0xffff, v2  }
0x1d4: {  	v2 =	vor.u32 v40, v24;
	v48 =	vld.idx.msk [tilespmem:v42+s12+$0x0], $0xffff  }
0x1d5: {  	[tilespmem:v47+s17+$0x0] =	vst.idx.msk $0xffff, v1;
	v1 =	vadd.f32 v7, v5;
	v49 =	vld.idx.msk [tilespmem:v12+s14+$0x0], $0xffff  }
0x1d6: {  	v52 =	vld.idx.msk [tilespmem:v42+s12+$0x0], $0xffff  }
0x1d7: {  	v8 =	vshll.u32 v40, $0x7;
	[tilespmem:v3+s17+$0x0] =	vst.idx.msk $0xffff, v1;
	v1 =	vld.idx.msk [tilespmem:v14+s14+$0x0], $0xffff  }
0x1d8: {  	v50 =	vor.u32 v20, v8;
	v3 =	vld.idx.msk [tilespmem:v42+s12+$0x0], $0xffff  }
0x1d9: {  	v54 =	vadd.f32 v31, v30;
	v53 =	vor.u32 v17, v8;
	v2 =	vld.idx.msk [tilespmem:v2+s14+$0x0], $0xffff  }
0x1da: {  	v61 =	vadd.f32 v13, v29;
	v12 =	vor.u32 v18, v8  }
0x1db: {  	[tilespmem:v25+s17+$0x0] =	vst.idx.msk $0xffff, v54;
	v63 =	vor.u32 v19, v8;
	v4 =	vadd.f32 v11, v4  }
0x1dc: {  	p1 =	sne.s32 s23, $0x63;
	[tilespmem:v26+s17+$0x0] =	vst.idx.msk $0xffff, v61;
	v5 =	vadd.f32 v49, v48  }
.Ltmp1:
0x1dd: {  	s0 =	sshll.u32 s23, $0x13;
	[tilespmem:v50+s17+$0x0] =	vst.idx.msk $0xffff, v4;
	v1 =	vadd.f32 v1, v52;
	(pc) =	sbr.rel @p1 .LBB2_6-.Ltmp1, $4  }
0x1de: {  	s0 =	sor.u32 s5, s0;
	[tilespmem:v53+s17+$0x0] =	vst.idx.msk $0xffff, v5;
	v2 =	vadd.f32 v2, v3  }
0x1df: {  	s0 =	sshrl.u32 s0, $0x3;
	[tilespmem:v12+s17+$0x0] =	vst.idx.msk $0xffff, v1  }
0x1e0: {  	s0 =	sadd.s32 s2, s0;
	[tilespmem:v63+s17+$0x0] =	vst.idx.msk $0xffff, v2  }
0x1e1: {  	[hbm4b:s0+s9] =	stream.strided.scatter [tilespmem:s17], [sflag:$0x3], $0x2000, s10, s9, $0x38;
	[tilespmem:$0x18800] =	vst v63  }
.Ltmp2:
0x1e2: {  	_ =	swait.ge [sflag:s18], $0x4000;
	(pc) =	sbr.rel .LBB2_7-.Ltmp2, $4  }
0x1e3: {  	v61 =	vld [tilespmem:$0x1FF30]  }
0x1e4: {  	v52 =	vld [tilespmem:$0x1FF40]  }
0x1e5: {  	[sflag:s18] =	ssyncset.done $0x0;
	v53 =	vld [tilespmem:$0x1FF50]  }
0x1e6: {  	v19 =	vlaneseq.u32;
	v54 =	vld [tilespmem:$0x1FF90];
	[sflag:s18] =	ssyncadd.s32 $0xFFFFC000  }
.LBB2_6:
0x1e7: {  	s0 =	sshll.u32 s23, $0x8  }
0x1e8: {  	s0 =	sand.u32 $0x3FFFFF00, s0  }
0x1e9: {  	s0 =	sadd.s32 $0x100, s0  }
0x1ea: {  	[tilespmem:s14], [sflag:$0x1] =	stream.indirect.gather [hbm4b:s6+s13], $0x80, s0, s13, $0xb8;
	[tilespmem:$0x18800] =	vst v63  }
.Ltmp3:
0x1eb: {  	_ =	swait.ge [sflag:s18], $0x4000;
	(pc) =	sbr.rel @p0 .LBB2_8-.Ltmp3, $4  }
0x1ec: {  	v61 =	vld [tilespmem:$0x1FF30]  }
0x1ed: {  	v52 =	vld [tilespmem:$0x1FF40]  }
0x1ee: {  	[sflag:s18] =	ssyncset.done $0x0;
	v53 =	vld [tilespmem:$0x1FF50]  }
0x1ef: {  	v19 =	vlaneseq.u32;
	v54 =	vld [tilespmem:$0x1FF90];
	[sflag:s18] =	ssyncadd.s32 $0xFFFFC000  }
.LBB2_7:
0x1f0: {  	_ =	swait.ge [sflag:s19], $0x2000  }
0x1f1: {  	[sflag:s19] =	ssyncset.done $0x0  }
0x1f2: {  	[sflag:s19] =	ssyncadd.s32 $0xFFFFE000  }
.LBB2_8:
0x1f3: {  	s0 =	simm.s32 $0x0  }
0x1f4: {  	s1 =	sand.u32 $0x40, s0  }
0x1f5: {  	s28 =	sand.u32 $0x30, s0;
	s31 =	sor.u32 $0x30, s1  }
0x1f6: {  	v16 =	vmov s25;
	v1 =	vor.u32 s28, v19;
	v30 =	vor.u32 s31, v19  }
0x1f7: {  	s3 =	sor.u32 $0x10, s1;
	v2 =	vor.u32 v16, v1;
	v32 =	vshll.u32 v30, $0x7  }
0x1f8: {  	v29 =	vor.u32 s3, v19;
	v3 =	vor.u32 v1, v32  }
0x1f9: {  	s25 =	sor.u32 $0x20, s1;
	v31 =	vshll.u32 v29, $0x7  }
0x1fa: {  	v25 =	vor.u32 s25, v19;
	v4 =	vor.u32 v1, v31  }
0x1fb: {  	v28 =	vshll.u32 v25, $0x7  }
0x1fc: {  	v26 =	vor.u32 s1, v19;
	v5 =	vor.u32 v1, v28;
	v2 =	vld.idx.msk [tilespmem:v2+s12+$0x0], $0xffff  }
0x1fd: {  	v27 =	vshll.u32 v26, $0x7;
	v3 =	vld.idx.msk [tilespmem:v3+s15+$0x0], $0xffff  }
0x1fe: {  	v6 =	vshll.u32 v1, $0x7;
	v1 =	vor.u32 v1, v27  }
0x1ff: {  	v7 =	vor.u32 s28, v58;
	v8 =	vor.u32 v30, v6;
	v4 =	vld.idx.msk [tilespmem:v4+s15+$0x0], $0xffff  }
0x200: {  	v9 =	vor.u32 v16, v7  }
0x201: {  	v10 =	vor.u32 v29, v6;
	v11 =	vor.u32 v7, v32;
	v5 =	vld.idx.msk [tilespmem:v5+s15+$0x0], $0xffff  }
0x202: {  	v3 =	vadd.f32 v3, v2  }
0x203: {  	v13 =	vor.u32 v25, v6;
	v12 =	vor.u32 v7, v31;
	v1 =	vld.idx.msk [tilespmem:v1+s15+$0x0], $0xffff  }
0x204: {  	v4 =	vadd.f32 v4, v2;
	[tilespmem:v8+s20+$0x0] =	vst.idx.msk $0xffff, v3  }
0x205: {  	v6 =	vor.u32 v26, v6;
	v37 =	vor.u32 v7, v28;
	v3 =	vld.idx.msk [tilespmem:v9+s12+$0x0], $0xffff  }
0x206: {  	v5 =	vadd.f32 v5, v2;
	[tilespmem:v10+s20+$0x0] =	vst.idx.msk $0xffff, v4;
	v38 =	vld.idx.msk [tilespmem:v11+s15+$0x0], $0xffff  }
0x207: {  	v14 =	vor.u32 s28, v61;
	v39 =	vshll.u32 v7, $0x7;
	v7 =	vor.u32 v7, v27;
	v10 =	vld.idx.msk [tilespmem:v9+s12+$0x0], $0xffff  }
0x208: {  	v17 =	vor.u32 v30, v39;
	v1 =	vadd.f32 v1, v2;
	[tilespmem:v13+s20+$0x0] =	vst.idx.msk $0xffff, v5;
	v12 =	vld.idx.msk [tilespmem:v12+s15+$0x0], $0xffff  }
0x209: {  	v2 =	vor.u32 v16, v14;
	v13 =	vld.idx.msk [tilespmem:v9+s12+$0x0], $0xffff  }
0x20a: {  	v40 =	vor.u32 v29, v39;
	v18 =	vor.u32 v14, v32;
	[tilespmem:v6+s20+$0x0] =	vst.idx.msk $0xffff, v1;
	v1 =	vld.idx.msk [tilespmem:v37+s15+$0x0], $0xffff  }
0x20b: {  	v6 =	vld.idx.msk [tilespmem:v9+s12+$0x0], $0xffff;
	v3 =	vadd.f32 v38, v3  }
0x20c: {  	v42 =	vor.u32 v25, v39;
	v41 =	vor.u32 v14, v31;
	v7 =	vld.idx.msk [tilespmem:v7+s15+$0x0], $0xffff  }
0x20d: {  	v43 =	vadd.f32 v12, v10;
	[tilespmem:v17+s20+$0x0] =	vst.idx.msk $0xffff, v3  }
0x20e: {  	v45 =	vor.u32 v26, v39;
	v46 =	vor.u32 v14, v28;
	v3 =	vld.idx.msk [tilespmem:v2+s12+$0x0], $0xffff  }
0x20f: {  	v1 =	vadd.f32 v1, v13;
	[tilespmem:v40+s20+$0x0] =	vst.idx.msk $0xffff, v43;
	v47 =	vld.idx.msk [tilespmem:v18+s15+$0x0], $0xffff  }
0x210: {  	v50 =	vor.u32 s28, v15;
	v48 =	vshll.u32 v14, $0x7;
	v49 =	vor.u32 v14, v27;
	v9 =	vld.idx.msk [tilespmem:v2+s12+$0x0], $0xffff  }
0x211: {  	v6 =	vadd.f32 v7, v6;
	v17 =	vor.u32 v30, v48;
	[tilespmem:v42+s20+$0x0] =	vst.idx.msk $0xffff, v1;
	v4 =	vld.idx.msk [tilespmem:v41+s15+$0x0], $0xffff  }
0x212: {  	v63 =	vor.u32 v16, v50;
	v8 =	vld.idx.msk [tilespmem:v2+s12+$0x0], $0xffff  }
0x213: {  	v1 =	vor.u32 v29, v48;
	[tilespmem:v45+s20+$0x0] =	vst.idx.msk $0xffff, v6;
	v18 =	vor.u32 v50, v32;
	v33 =	vld.idx.msk [tilespmem:v46+s15+$0x0], $0xffff  }
0x214: {  	v2 =	vld.idx.msk [tilespmem:v2+s12+$0x0], $0xffff;
	v3 =	vadd.f32 v47, v3  }
0x215: {  	v35 =	vor.u32 v25, v48;
	v34 =	vor.u32 v50, v31;
	v36 =	vld.idx.msk [tilespmem:v49+s15+$0x0], $0xffff  }
0x216: {  	v4 =	vadd.f32 v4, v9;
	[tilespmem:v17+s20+$0x0] =	vst.idx.msk $0xffff, v3  }
0x217: {  	v37 =	vor.u32 v26, v48;
	v38 =	vor.u32 v50, v28;
	v3 =	vld.idx.msk [tilespmem:v63+s12+$0x0], $0xffff  }
0x218: {  	v6 =	vadd.f32 v33, v8;
	[tilespmem:v1+s20+$0x0] =	vst.idx.msk $0xffff, v4;
	v1 =	vld.idx.msk [tilespmem:v18+s15+$0x0], $0xffff  }
0x219: {  	v39 =	vshll.u32 v50, $0x7;
	v40 =	vor.u32 v50, v27;
	v41 =	vor.u32 s28, v52;
	v4 =	vld.idx.msk [tilespmem:v63+s12+$0x0], $0xffff  }
0x21a: {  	v2 =	vadd.f32 v36, v2;
	v17 =	vor.u32 v30, v39;
	[tilespmem:v35+s20+$0x0] =	vst.idx.msk $0xffff, v6;
	v5 =	vld.idx.msk [tilespmem:v34+s15+$0x0], $0xffff  }
0x21b: {  	v42 =	vor.u32 v16, v41;
	v10 =	vld.idx.msk [tilespmem:v63+s12+$0x0], $0xffff  }
0x21c: {  	v43 =	vor.u32 v29, v39;
	[tilespmem:v37+s20+$0x0] =	vst.idx.msk $0xffff, v2;
	v18 =	vor.u32 v41, v32;
	v2 =	vld.idx.msk [tilespmem:v38+s15+$0x0], $0xffff  }
0x21d: {  	v7 =	vld.idx.msk [tilespmem:v63+s12+$0x0], $0xffff;
	v1 =	vadd.f32 v1, v3  }
0x21e: {  	v45 =	vor.u32 v25, v39;
	v8 =	vld.idx.msk [tilespmem:v40+s15+$0x0], $0xffff;
	v3 =	vor.u32 v41, v31  }
0x21f: {  	v4 =	vadd.f32 v5, v4;
	[tilespmem:v17+s20+$0x0] =	vst.idx.msk $0xffff, v1  }
0x220: {  	v46 =	vor.u32 v26, v39;
	v47 =	vor.u32 v41, v28;
	v1 =	vld.idx.msk [tilespmem:v42+s12+$0x0], $0xffff  }
0x221: {  	v2 =	vadd.f32 v2, v10;
	[tilespmem:v43+s20+$0x0] =	vst.idx.msk $0xffff, v4;
	v48 =	vld.idx.msk [tilespmem:v18+s15+$0x0], $0xffff  }
0x222: {  	v49 =	vshll.u32 v41, $0x7;
	v50 =	vor.u32 v41, v27;
	v63 =	vor.u32 s28, v53;
	v6 =	vld.idx.msk [tilespmem:v42+s12+$0x0], $0xffff  }
0x223: {  	v7 =	vadd.f32 v8, v7;
	v17 =	vor.u32 v30, v49;
	[tilespmem:v45+s20+$0x0] =	vst.idx.msk $0xffff, v2;
	v3 =	vld.idx.msk [tilespmem:v3+s15+$0x0], $0xffff  }
0x224: {  	v33 =	vor.u32 v16, v63;
	v9 =	vld.idx.msk [tilespmem:v42+s12+$0x0], $0xffff  }
0x225: {  	v2 =	vor.u32 v29, v49;
	[tilespmem:v46+s20+$0x0] =	vst.idx.msk $0xffff, v7;
	v18 =	vor.u32 v63, v32;
	v34 =	vld.idx.msk [tilespmem:v47+s15+$0x0], $0xffff  }
0x226: {  	v7 =	vld.idx.msk [tilespmem:v42+s12+$0x0], $0xffff;
	v1 =	vadd.f32 v48, v1  }
0x227: {  	v36 =	vor.u32 v25, v49;
	v35 =	vor.u32 v63, v31;
	v10 =	vld.idx.msk [tilespmem:v50+s15+$0x0], $0xffff  }
0x228: {  	v3 =	vadd.f32 v3, v6;
	[tilespmem:v17+s20+$0x0] =	vst.idx.msk $0xffff, v1  }
0x229: {  	v37 =	vor.u32 v26, v49;
	v38 =	vor.u32 v63, v28;
	v1 =	vld.idx.msk [tilespmem:v33+s12+$0x0], $0xffff  }
0x22a: {  	v5 =	vadd.f32 v34, v9;
	[tilespmem:v2+s20+$0x0] =	vst.idx.msk $0xffff, v3;
	v2 =	vld.idx.msk [tilespmem:v18+s15+$0x0], $0xffff  }
0x22b: {  	v39 =	vshll.u32 v63, $0x7;
	v40 =	vor.u32 v63, v27;
	v41 =	vor.u32 s28, v60;
	v3 =	vld.idx.msk [tilespmem:v33+s12+$0x0], $0xffff  }
0x22c: {  	v7 =	vadd.f32 v10, v7;
	v17 =	vor.u32 v30, v39;
	[tilespmem:v36+s20+$0x0] =	vst.idx.msk $0xffff, v5;
	v4 =	vld.idx.msk [tilespmem:v35+s15+$0x0], $0xffff  }
0x22d: {  	v42 =	vor.u32 v16, v41;
	v11 =	vld.idx.msk [tilespmem:v33+s12+$0x0], $0xffff  }
0x22e: {  	v43 =	vor.u32 v29, v39;
	[tilespmem:v37+s20+$0x0] =	vst.idx.msk $0xffff, v7;
	v45 =	vld.idx.msk [tilespmem:v38+s15+$0x0], $0xffff;
	v18 =	vor.u32 v41, v32  }
0x22f: {  	v7 =	vld.idx.msk [tilespmem:v33+s12+$0x0], $0xffff;
	v1 =	vadd.f32 v2, v1  }
0x230: {  	v46 =	vor.u32 v25, v39;
	v9 =	vld.idx.msk [tilespmem:v40+s15+$0x0], $0xffff;
	v2 =	vor.u32 v41, v31  }
0x231: {  	v3 =	vadd.f32 v4, v3;
	[tilespmem:v17+s20+$0x0] =	vst.idx.msk $0xffff, v1  }
0x232: {  	v47 =	vor.u32 v26, v39;
	v48 =	vor.u32 v41, v28;
	v1 =	vld.idx.msk [tilespmem:v42+s12+$0x0], $0xffff  }
0x233: {  	v6 =	vadd.f32 v45, v11;
	[tilespmem:v43+s20+$0x0] =	vst.idx.msk $0xffff, v3;
	v3 =	vld.idx.msk [tilespmem:v18+s15+$0x0], $0xffff  }
0x234: {  	v49 =	vshll.u32 v41, $0x7;
	v50 =	vor.u32 v41, v27;
	v63 =	vor.u32 s28, v62;
	v5 =	vld.idx.msk [tilespmem:v42+s12+$0x0], $0xffff  }
0x235: {  	v7 =	vadd.f32 v9, v7;
	[tilespmem:v46+s20+$0x0] =	vst.idx.msk $0xffff, v6;
	v17 =	vor.u32 v30, v49;
	v2 =	vld.idx.msk [tilespmem:v2+s15+$0x0], $0xffff  }
0x236: {  	v33 =	vor.u32 v16, v63;
	v8 =	vld.idx.msk [tilespmem:v42+s12+$0x0], $0xffff  }
0x237: {  	v34 =	vor.u32 v29, v49;
	[tilespmem:v47+s20+$0x0] =	vst.idx.msk $0xffff, v7;
	v35 =	vld.idx.msk [tilespmem:v48+s15+$0x0], $0xffff;
	v18 =	vor.u32 v63, v32  }
0x238: {  	v7 =	vld.idx.msk [tilespmem:v42+s12+$0x0], $0xffff;
	v1 =	vadd.f32 v3, v1  }
0x239: {  	v36 =	vor.u32 v25, v49;
	v11 =	vld.idx.msk [tilespmem:v50+s15+$0x0], $0xffff;
	v3 =	vor.u32 v63, v31  }
0x23a: {  	v2 =	vadd.f32 v2, v5;
	[tilespmem:v17+s20+$0x0] =	vst.idx.msk $0xffff, v1  }
0x23b: {  	v37 =	vor.u32 v26, v49;
	v38 =	vor.u32 v63, v28;
	v1 =	vld.idx.msk [tilespmem:v33+s12+$0x0], $0xffff  }
0x23c: {  	v4 =	vadd.f32 v35, v8;
	[tilespmem:v34+s20+$0x0] =	vst.idx.msk $0xffff, v2;
	v2 =	vld.idx.msk [tilespmem:v18+s15+$0x0], $0xffff  }
0x23d: {  	v39 =	vshll.u32 v63, $0x7;
	v40 =	vor.u32 v63, v27;
	v41 =	vor.u32 s28, v59;
	v6 =	vld.idx.msk [tilespmem:v33+s12+$0x0], $0xffff  }
0x23e: {  	v7 =	vadd.f32 v11, v7;
	[tilespmem:v36+s20+$0x0] =	vst.idx.msk $0xffff, v4;
	v17 =	vor.u32 v30, v39;
	v3 =	vld.idx.msk [tilespmem:v3+s15+$0x0], $0xffff  }
0x23f: {  	v42 =	vor.u32 v16, v41;
	v10 =	vld.idx.msk [tilespmem:v33+s12+$0x0], $0xffff  }
0x240: {  	v43 =	vor.u32 v29, v39;
	[tilespmem:v37+s20+$0x0] =	vst.idx.msk $0xffff, v7;
	v45 =	vld.idx.msk [tilespmem:v38+s15+$0x0], $0xffff;
	v18 =	vor.u32 v41, v32  }
0x241: {  	v7 =	vld.idx.msk [tilespmem:v33+s12+$0x0], $0xffff;
	v1 =	vadd.f32 v2, v1  }
0x242: {  	v46 =	vor.u32 v25, v39;
	v8 =	vld.idx.msk [tilespmem:v40+s15+$0x0], $0xffff;
	v2 =	vor.u32 v41, v31  }
0x243: {  	v3 =	vadd.f32 v3, v6;
	[tilespmem:v17+s20+$0x0] =	vst.idx.msk $0xffff, v1  }
0x244: {  	v47 =	vor.u32 v26, v39;
	v48 =	vor.u32 v41, v28;
	v1 =	vld.idx.msk [tilespmem:v42+s12+$0x0], $0xffff  }
0x245: {  	v5 =	vadd.f32 v45, v10;
	[tilespmem:v43+s20+$0x0] =	vst.idx.msk $0xffff, v3;
	v3 =	vld.idx.msk [tilespmem:v18+s15+$0x0], $0xffff  }
0x246: {  	v49 =	vshll.u32 v41, $0x7;
	v50 =	vor.u32 v41, v27;
	v63 =	vor.u32 s28, v54;
	v4 =	vld.idx.msk [tilespmem:v42+s12+$0x0], $0xffff  }
0x247: {  	v7 =	vadd.f32 v8, v7;
	[tilespmem:v46+s20+$0x0] =	vst.idx.msk $0xffff, v5;
	v17 =	vor.u32 v30, v49;
	v2 =	vld.idx.msk [tilespmem:v2+s15+$0x0], $0xffff  }
0x248: {  	v33 =	vor.u32 v16, v63;
	v9 =	vld.idx.msk [tilespmem:v42+s12+$0x0], $0xffff  }
0x249: {  	v34 =	vor.u32 v29, v49;
	[tilespmem:v47+s20+$0x0] =	vst.idx.msk $0xffff, v7;
	v35 =	vld.idx.msk [tilespmem:v48+s15+$0x0], $0xffff;
	v18 =	vor.u32 v63, v32  }
0x24a: {  	v7 =	vld.idx.msk [tilespmem:v42+s12+$0x0], $0xffff;
	v1 =	vadd.f32 v3, v1  }
0x24b: {  	v36 =	vor.u32 v25, v49;
	v10 =	vld.idx.msk [tilespmem:v50+s15+$0x0], $0xffff;
	v3 =	vor.u32 v63, v31  }
0x24c: {  	v2 =	vadd.f32 v2, v4;
	[tilespmem:v17+s20+$0x0] =	vst.idx.msk $0xffff, v1  }
0x24d: {  	v37 =	vor.u32 v26, v49;
	v38 =	vor.u32 v63, v28;
	v1 =	vld.idx.msk [tilespmem:v33+s12+$0x0], $0xffff  }
0x24e: {  	v6 =	vadd.f32 v35, v9;
	[tilespmem:v34+s20+$0x0] =	vst.idx.msk $0xffff, v2;
	v2 =	vld.idx.msk [tilespmem:v18+s15+$0x0], $0xffff  }
0x24f: {  	v39 =	vshll.u32 v63, $0x7;
	v40 =	vor.u32 v63, v27;
	v41 =	vor.u32 s28, v55;
	v5 =	vld.idx.msk [tilespmem:v33+s12+$0x0], $0xffff  }
0x250: {  	v7 =	vadd.f32 v10, v7;
	[tilespmem:v36+s20+$0x0] =	vst.idx.msk $0xffff, v6;
	v17 =	vor.u32 v30, v39;
	v3 =	vld.idx.msk [tilespmem:v3+s15+$0x0], $0xffff  }
0x251: {  	v42 =	vor.u32 v16, v41;
	v11 =	vld.idx.msk [tilespmem:v33+s12+$0x0], $0xffff  }
0x252: {  	v43 =	vor.u32 v29, v39;
	[tilespmem:v37+s20+$0x0] =	vst.idx.msk $0xffff, v7;
	v45 =	vld.idx.msk [tilespmem:v38+s15+$0x0], $0xffff;
	v18 =	vor.u32 v41, v32  }
0x253: {  	v7 =	vld.idx.msk [tilespmem:v33+s12+$0x0], $0xffff;
	v1 =	vadd.f32 v2, v1  }
0x254: {  	v9 =	vld.idx.msk [tilespmem:v40+s15+$0x0], $0xffff;
	v2 =	vor.u32 v41, v31  }
0x255: {  	v46 =	vor.u32 v25, v39;
	v3 =	vadd.f32 v3, v5;
	[tilespmem:v17+s20+$0x0] =	vst.idx.msk $0xffff, v1  }
0x256: {  	v47 =	vor.u32 v26, v39;
	v1 =	vld.idx.msk [tilespmem:v42+s12+$0x0], $0xffff  }
0x257: {  	v48 =	vor.u32 v41, v28;
	[tilespmem:v43+s20+$0x0] =	vst.idx.msk $0xffff, v3;
	v3 =	vld.idx.msk [tilespmem:v18+s15+$0x0], $0xffff  }
0x258: {  	v50 =	vor.u32 v41, v27;
	v49 =	vshll.u32 v41, $0x7;
	v4 =	vadd.f32 v45, v11;
	v6 =	vld.idx.msk [tilespmem:v42+s12+$0x0], $0xffff  }
0x259: {  	v63 =	vor.u32 s28, v56;
	v7 =	vadd.f32 v9, v7;
	v17 =	vor.u32 v30, v49;
	v2 =	vld.idx.msk [tilespmem:v2+s15+$0x0], $0xffff  }
0x25a: {  	v9 =	vor.u32 v16, v63;
	[tilespmem:v46+s20+$0x0] =	vst.idx.msk $0xffff, v4  }
0x25b: {  	v36 =	vor.u32 v29, v49;
	[tilespmem:v47+s20+$0x0] =	vst.idx.msk $0xffff, v7;
	v8 =	vld.idx.msk [tilespmem:v42+s12+$0x0], $0xffff;
	v18 =	vor.u32 v63, v32  }
0x25c: {  	v7 =	vld.idx.msk [tilespmem:v42+s12+$0x0], $0xffff;
	v1 =	vadd.f32 v3, v1  }
0x25d: {  	v38 =	vld.idx.msk [tilespmem:v50+s15+$0x0], $0xffff  }
0x25e: {  	v37 =	vld.idx.msk [tilespmem:v48+s15+$0x0], $0xffff;
	v3 =	vor.u32 v63, v31;
	v2 =	vadd.f32 v2, v6;
	[tilespmem:v17+s20+$0x0] =	vst.idx.msk $0xffff, v1  }
0x25f: {  	v45 =	vor.u32 v26, v49;
	v39 =	vld.idx.msk [tilespmem:v9+s12+$0x0], $0xffff  }
0x260: {  	v1 =	vor.u32 v25, v49;
	[tilespmem:v36+s20+$0x0] =	vst.idx.msk $0xffff, v2;
	v2 =	vld.idx.msk [tilespmem:v18+s15+$0x0], $0xffff  }
0x261: {  	s26 =	simm.s32 $0x40;
	v13 =	vshll.u32 v63, $0x7;
	v49 =	vor.u32 v63, v27  }
0x262: {  	s0 =	sand.u32 $0x40, s26;
	v48 =	vor.u32 v30, v13;
	v7 =	vadd.f32 v38, v7;
	v47 =	vld.idx.msk [tilespmem:v9+s12+$0x0], $0xffff  }
0x263: {  	s30 =	sor.u32 $0x30, s0;
	v46 =	vor.u32 v63, v28;
	v43 =	vor.u32 s28, v57;
	v5 =	vadd.f32 v37, v8;
	v3 =	vld.idx.msk [tilespmem:v3+s15+$0x0], $0xffff  }
0x264: {  	v20 =	vor.u32 s30, v19;
	v50 =	vor.u32 v29, v13;
	v33 =	vor.u32 v16, v43;
	[tilespmem:v45+s20+$0x0] =	vst.idx.msk $0xffff, v7  }
0x265: {  	s26 =	simm.s32 $0x8;
	v7 =	vld.idx.msk [tilespmem:v9+s12+$0x0], $0xffff;
	[tilespmem:v1+s20+$0x0] =	vst.idx.msk $0xffff, v5;
	v1 =	vor.u32 v43, v32;
	v2 =	vadd.f32 v2, v39  }
0x266: {  	s25 =	sand.u32 $0x30, s26;
	v22 =	vshll.u32 v20, $0x7;
	v5 =	vld.idx.msk [tilespmem:v49+s15+$0x0], $0xffff  }
0x267: {  	s3 =	sor.u32 $0x10, s0;
	v40 =	vor.u32 s28, v0;
	v45 =	vor.u32 v43, v31;
	v63 =	vld.idx.msk [tilespmem:v9+s12+$0x0], $0xffff;
	[tilespmem:v48+s20+$0x0] =	vst.idx.msk $0xffff, v2;
	v2 =	vor.u32 s25, v19  }
0x268: {  	s31 =	sor.u32 $0x20, s0;
	v17 =	vor.u32 s3, v19;
	v46 =	vld.idx.msk [tilespmem:v46+s15+$0x0], $0xffff;
	v3 =	vadd.f32 v3, v47;
	v47 =	vor.u32 v16, v2  }
0x269: {  	v21 =	vshll.u32 v17, $0x7;
	v18 =	vor.u32 s31, v19;
	v8 =	vld.idx.msk [tilespmem:v33+s12+$0x0], $0xffff;
	v48 =	vor.u32 v2, v22  }
0x26a: {  	v23 =	vshll.u32 v18, $0x7;
	v19 =	vor.u32 s0, v19;
	v1 =	vld.idx.msk [tilespmem:v1+s15+$0x0], $0xffff;
	[tilespmem:v50+s20+$0x0] =	vst.idx.msk $0xffff, v3;
	v3 =	vor.u32 v2, v21  }
0x26b: {  	v42 =	vshll.u32 v43, $0x7;
	v49 =	vor.u32 v2, v23;
	v24 =	vshll.u32 v19, $0x7;
	v10 =	vld.idx.msk [tilespmem:v33+s12+$0x0], $0xffff  }
0x26c: {  	v34 =	vor.u32 v30, v42;
	v50 =	vor.u32 v26, v13;
	v4 =	vld.idx.msk [tilespmem:v45+s15+$0x0], $0xffff;
	v37 =	vor.u32 v2, v24  }
0x26d: {  	v36 =	vor.u32 v25, v13;
	v13 =	vor.u32 v43, v28;
	v43 =	vor.u32 v43, v27;
	v9 =	vld.idx.msk [tilespmem:v47+s12+$0x0], $0xffff  }
0x26e: {  	v41 =	vor.u32 v16, v40;
	v11 =	vld.idx.msk [tilespmem:v48+s15+$0x0], $0xffff  }
0x26f: {  	v35 =	vor.u32 v40, v32;
	v5 =	vadd.f32 v5, v7;
	v3 =	vld.idx.msk [tilespmem:v3+s15+$0x0], $0xffff  }
0x270: {  	v2 =	vshll.u32 v2, $0x7;
	v1 =	vadd.f32 v1, v8;
	v12 =	vld.idx.msk [tilespmem:v49+s15+$0x0], $0xffff  }
0x271: {  	v48 =	vor.u32 v20, v2;
	[tilespmem:v50+s20+$0x0] =	vst.idx.msk $0xffff, v5;
	v38 =	vld.idx.msk [tilespmem:v37+s15+$0x0], $0xffff  }
0x272: {  	v43 =	vld.idx.msk [tilespmem:v43+s15+$0x0], $0xffff;
	[tilespmem:v34+s20+$0x0] =	vst.idx.msk $0xffff, v1;
	v1 =	vadd.f32 v46, v63;
	v63 =	vor.u32 s25, v58  }
0x273: {  	v5 =	vor.u32 v18, v2;
	v34 =	vld.idx.msk [tilespmem:v41+s12+$0x0], $0xffff;
	v7 =	vor.u32 v16, v63  }
0x274: {  	v35 =	vld.idx.msk [tilespmem:v35+s15+$0x0], $0xffff;
	v45 =	vor.u32 v63, v22;
	[tilespmem:v36+s20+$0x0] =	vst.idx.msk $0xffff, v1  }
0x275: {  	v1 =	vor.u32 v17, v2;
	v36 =	vor.u32 s28, v44;
	v44 =	vld.idx.msk [tilespmem:v33+s12+$0x0], $0xffff;
	v49 =	vadd.f32 v11, v9  }
0x276: {  	v39 =	vshll.u32 v40, $0x7;
	v8 =	vld.idx.msk [tilespmem:v33+s12+$0x0], $0xffff;
	v12 =	vadd.f32 v12, v9  }
0x277: {  	v46 =	vor.u32 v30, v39;
	v50 =	vor.u32 v63, v21;
	v13 =	vld.idx.msk [tilespmem:v13+s15+$0x0], $0xffff;
	[tilespmem:v48+s20+$0x0] =	vst.idx.msk $0xffff, v49  }
0x278: {  	v3 =	vadd.f32 v3, v9;
	v37 =	vor.u32 v16, v36;
	[tilespmem:v5+s20+$0x0] =	vst.idx.msk $0xffff, v12;
	v14 =	vld.idx.msk [tilespmem:v7+s12+$0x0], $0xffff  }
0x279: {  	v58 =	vor.u32 v63, v23;
	v33 =	vor.u32 v36, v32;
	v49 =	vld.idx.msk [tilespmem:v7+s12+$0x0], $0xffff  }
0x27a: {  	v2 =	vor.u32 v19, v2;
	[tilespmem:v1+s20+$0x0] =	vst.idx.msk $0xffff, v3;
	v1 =	vld.idx.msk [tilespmem:v45+s15+$0x0], $0xffff;
	v3 =	vadd.f32 v35, v34  }
0x27b: {  	v6 =	vor.u32 s25, v61;
	v47 =	vshll.u32 v63, $0x7;
	v45 =	vld.idx.msk [tilespmem:v7+s12+$0x0], $0xffff  }
0x27c: {  	v11 =	vld.idx.msk [tilespmem:v50+s15+$0x0], $0xffff;
	[tilespmem:v46+s20+$0x0] =	vst.idx.msk $0xffff, v3;
	v3 =	vor.u32 v63, v24;
	v63 =	vor.u32 v20, v47  }
0x27d: {  	v35 =	vadd.f32 v38, v9;
	v9 =	vor.u32 v16, v6;
	v48 =	vld.idx.msk [tilespmem:v37+s12+$0x0], $0xffff  }
0x27e: {  	v38 =	vor.u32 v17, v47;
	v50 =	vor.u32 v6, v22;
	v12 =	vld.idx.msk [tilespmem:v33+s15+$0x0], $0xffff  }
0x27f: {  	[tilespmem:v2+s20+$0x0] =	vst.idx.msk $0xffff, v35;
	v2 =	vld.idx.msk [tilespmem:v58+s15+$0x0], $0xffff;
	v35 =	vshll.u32 v36, $0x7;
	v1 =	vadd.f32 v1, v14  }
0x280: {  	v5 =	vor.u32 v6, v21;
	v34 =	vor.u32 s28, v51;
	v7 =	vld.idx.msk [tilespmem:v7+s12+$0x0], $0xffff;
	v58 =	vor.u32 v30, v35  }
0x281: {  	v33 =	vor.u32 v16, v34;
	v11 =	vadd.f32 v11, v45;
	v3 =	vld.idx.msk [tilespmem:v3+s15+$0x0], $0xffff;
	[tilespmem:v63+s20+$0x0] =	vst.idx.msk $0xffff, v1  }
0x282: {  	v1 =	vor.u32 v18, v47;
	v63 =	vor.u32 v34, v32;
	v45 =	vld.idx.msk [tilespmem:v9+s12+$0x0], $0xffff  }
0x283: {  	[tilespmem:v38+s20+$0x0] =	vst.idx.msk $0xffff, v11;
	v11 =	vld.idx.msk [tilespmem:v50+s15+$0x0], $0xffff;
	v12 =	vadd.f32 v12, v48  }
0x284: {  	v47 =	vor.u32 v19, v47;
	v48 =	vor.u32 v6, v23;
	v50 =	vld.idx.msk [tilespmem:v9+s12+$0x0], $0xffff  }
0x285: {  	v51 =	vshll.u32 v6, $0x7;
	v2 =	vadd.f32 v2, v49;
	v5 =	vld.idx.msk [tilespmem:v5+s15+$0x0], $0xffff;
	[tilespmem:v58+s20+$0x0] =	vst.idx.msk $0xffff, v12  }
0x286: {  	v6 =	vor.u32 v6, v24;
	v12 =	vor.u32 s25, v15;
	v58 =	vor.u32 v20, v51;
	v32 =	vld.idx.msk [tilespmem:v33+s12+$0x0], $0xffff  }
0x287: {  	v3 =	vadd.f32 v3, v7;
	v7 =	vor.u32 v16, v12;
	[tilespmem:v1+s20+$0x0] =	vst.idx.msk $0xffff, v2;
	v38 =	vld.idx.msk [tilespmem:v63+s15+$0x0], $0xffff  }
0x288: {  	v1 =	vor.u32 v17, v51;
	v63 =	vor.u32 v12, v22;
	v2 =	vld.idx.msk [tilespmem:v9+s12+$0x0], $0xffff  }
0x289: {  	v11 =	vadd.f32 v11, v45;
	[tilespmem:v47+s20+$0x0] =	vst.idx.msk $0xffff, v3;
	v3 =	vld.idx.msk [tilespmem:v48+s15+$0x0], $0xffff;
	v48 =	vor.u32 v29, v42  }
0x28a: {  	v49 =	vor.u32 v12, v21;
	v9 =	vld.idx.msk [tilespmem:v9+s12+$0x0], $0xffff  }
0x28b: {  	v5 =	vadd.f32 v5, v50;
	v6 =	vld.idx.msk [tilespmem:v6+s15+$0x0], $0xffff;
	[tilespmem:v58+s20+$0x0] =	vst.idx.msk $0xffff, v11;
	v58 =	vor.u32 v18, v51  }
0x28c: {  	v4 =	vadd.f32 v4, v10;
	v14 =	vld.idx.msk [tilespmem:v7+s12+$0x0], $0xffff  }
0x28d: {  	[tilespmem:v1+s20+$0x0] =	vst.idx.msk $0xffff, v5;
	v1 =	vld.idx.msk [tilespmem:v63+s15+$0x0], $0xffff;
	v5 =	vor.u32 v19, v51;
	v63 =	vor.u32 v12, v23  }
0x28e: {  	v46 =	vld.idx.msk [tilespmem:v7+s12+$0x0], $0xffff;
	[tilespmem:v48+s20+$0x0] =	vst.idx.msk $0xffff, v4;
	v4 =	vshll.u32 v12, $0x7;
	v2 =	vadd.f32 v3, v2  }
0x28f: {  	v45 =	vld.idx.msk [tilespmem:v49+s15+$0x0], $0xffff;
	v3 =	vor.u32 v12, v24;
	v12 =	vor.u32 s25, v52;
	v52 =	vor.u32 v40, v31  }
0x290: {  	v47 =	vor.u32 v20, v4;
	v6 =	vadd.f32 v6, v9;
	[tilespmem:v58+s20+$0x0] =	vst.idx.msk $0xffff, v2;
	v2 =	vld.idx.msk [tilespmem:v41+s12+$0x0], $0xffff  }
0x291: {  	v9 =	vor.u32 v16, v12;
	v48 =	vld.idx.msk [tilespmem:v7+s12+$0x0], $0xffff  }
0x292: {  	v11 =	vor.u32 v17, v4;
	v58 =	vor.u32 v12, v22;
	[tilespmem:v5+s20+$0x0] =	vst.idx.msk $0xffff, v6;
	v63 =	vld.idx.msk [tilespmem:v63+s15+$0x0], $0xffff  }
0x293: {  	v50 =	vor.u32 v25, v42;
	v1 =	vadd.f32 v1, v14;
	v7 =	vld.idx.msk [tilespmem:v7+s12+$0x0], $0xffff  }
0x294: {  	v51 =	vor.u32 v12, v21;
	v3 =	vld.idx.msk [tilespmem:v3+s15+$0x0], $0xffff  }
0x295: {  	v45 =	vadd.f32 v45, v46;
	v14 =	vld.idx.msk [tilespmem:v52+s15+$0x0], $0xffff;
	[tilespmem:v47+s20+$0x0] =	vst.idx.msk $0xffff, v1;
	v1 =	vor.u32 v18, v4  }
0x296: {  	v8 =	vadd.f32 v13, v8;
	v46 =	vld.idx.msk [tilespmem:v9+s12+$0x0], $0xffff  }
0x297: {  	[tilespmem:v11+s20+$0x0] =	vst.idx.msk $0xffff, v45;
	v4 =	vor.u32 v19, v4;
	v11 =	vld.idx.msk [tilespmem:v58+s15+$0x0], $0xffff;
	v58 =	vor.u32 v12, v23  }
0x298: {  	[tilespmem:v50+s20+$0x0] =	vst.idx.msk $0xffff, v8;
	v6 =	vshll.u32 v12, $0x7;
	v45 =	vld.idx.msk [tilespmem:v9+s12+$0x0], $0xffff;
	v5 =	vadd.f32 v63, v48  }
0x299: {  	v10 =	vor.u32 v12, v24;
	v8 =	vld.idx.msk [tilespmem:v51+s15+$0x0], $0xffff;
	v12 =	vor.u32 s25, v53;
	v63 =	vor.u32 v20, v6  }
0x29a: {  	v3 =	vadd.f32 v3, v7;
	v7 =	vor.u32 v16, v12;
	[tilespmem:v1+s20+$0x0] =	vst.idx.msk $0xffff, v5;
	v1 =	vld.idx.msk [tilespmem:v41+s12+$0x0], $0xffff  }
0x29b: {  	v52 =	vor.u32 v12, v22;
	v5 =	vor.u32 v17, v6;
	v48 =	vld.idx.msk [tilespmem:v9+s12+$0x0], $0xffff  }
0x29c: {  	[tilespmem:v4+s20+$0x0] =	vst.idx.msk $0xffff, v3;
	v3 =	vld.idx.msk [tilespmem:v58+s15+$0x0], $0xffff;
	v53 =	vadd.f32 v11, v46  }
0x29d: {  	v11 =	vor.u32 v26, v42;
	v58 =	vor.u32 v12, v21;
	v9 =	vld.idx.msk [tilespmem:v9+s12+$0x0], $0xffff  }
0x29e: {  	v8 =	vadd.f32 v8, v45;
	v42 =	vor.u32 v40, v28;
	v10 =	vld.idx.msk [tilespmem:v10+s15+$0x0], $0xffff;
	[tilespmem:v63+s20+$0x0] =	vst.idx.msk $0xffff, v53  }
0x29f: {  	v40 =	vor.u32 v40, v27;
	v50 =	vld.idx.msk [tilespmem:v7+s12+$0x0], $0xffff  }
0x2a0: {  	v63 =	vor.u32 v18, v6;
	v51 =	vld.idx.msk [tilespmem:v52+s15+$0x0], $0xffff;
	[tilespmem:v5+s20+$0x0] =	vst.idx.msk $0xffff, v8  }
0x2a1: {  	v43 =	vadd.f32 v43, v44;
	v53 =	vld.idx.msk [tilespmem:v7+s12+$0x0], $0xffff  }
0x2a2: {  	v6 =	vor.u32 v19, v6;
	v52 =	vor.u32 v12, v23;
	v13 =	vld.idx.msk [tilespmem:v58+s15+$0x0], $0xffff  }
0x2a3: {  	[tilespmem:v11+s20+$0x0] =	vst.idx.msk $0xffff, v43;
	v11 =	vshll.u32 v12, $0x7;
	v3 =	vadd.f32 v3, v48;
	v42 =	vld.idx.msk [tilespmem:v42+s15+$0x0], $0xffff  }
0x2a4: {  	v12 =	vor.u32 v12, v24;
	v43 =	vor.u32 s25, v60;
	v58 =	vor.u32 v20, v11;
	v40 =	vld.idx.msk [tilespmem:v40+s15+$0x0], $0xffff  }
0x2a5: {  	v9 =	vadd.f32 v10, v9;
	v10 =	vor.u32 v16, v43;
	[tilespmem:v63+s20+$0x0] =	vst.idx.msk $0xffff, v3;
	v3 =	vld.idx.msk [tilespmem:v41+s12+$0x0], $0xffff  }
0x2a6: {  	v60 =	vor.u32 v17, v11;
	v63 =	vor.u32 v43, v22;
	v41 =	vld.idx.msk [tilespmem:v7+s12+$0x0], $0xffff  }
0x2a7: {  	v49 =	vor.u32 v29, v39;
	[tilespmem:v6+s20+$0x0] =	vst.idx.msk $0xffff, v9;
	v48 =	vld.idx.msk [tilespmem:v52+s15+$0x0], $0xffff;
	v5 =	vadd.f32 v51, v50  }
0x2a8: {  	v50 =	vor.u32 v43, v21;
	v7 =	vld.idx.msk [tilespmem:v7+s12+$0x0], $0xffff  }
0x2a9: {  	v51 =	vor.u32 v18, v11;
	v12 =	vld.idx.msk [tilespmem:v12+s15+$0x0], $0xffff;
	v13 =	vadd.f32 v13, v53;
	[tilespmem:v58+s20+$0x0] =	vst.idx.msk $0xffff, v5  }
0x2aa: {  	v2 =	vadd.f32 v14, v2;
	v52 =	vld.idx.msk [tilespmem:v10+s12+$0x0], $0xffff  }
0x2ab: {  	v11 =	vor.u32 v19, v11;
	v58 =	vor.u32 v43, v23;
	[tilespmem:v60+s20+$0x0] =	vst.idx.msk $0xffff, v13;
	v53 =	vld.idx.msk [tilespmem:v63+s15+$0x0], $0xffff  }
0x2ac: {  	[tilespmem:v49+s20+$0x0] =	vst.idx.msk $0xffff, v2;
	v2 =	vshll.u32 v43, $0x7;
	v14 =	vld.idx.msk [tilespmem:v10+s12+$0x0], $0xffff;
	v6 =	vadd.f32 v48, v41  }
0x2ad: {  	v63 =	vor.u32 v43, v24;
	v60 =	vld.idx.msk [tilespmem:v50+s15+$0x0], $0xffff;
	v41 =	vor.u32 s25, v62;
	v48 =	vor.u32 v20, v2  }
0x2ae: {  	v5 =	vld.idx.msk [tilespmem:v37+s12+$0x0], $0xffff;
	v7 =	vadd.f32 v12, v7;
	v12 =	vor.u32 v16, v41;
	[tilespmem:v51+s20+$0x0] =	vst.idx.msk $0xffff, v6  }
0x2af: {  	v49 =	vor.u32 v17, v2;
	v50 =	vor.u32 v41, v22;
	v45 =	vld.idx.msk [tilespmem:v10+s12+$0x0], $0xffff  }
0x2b0: {  	v51 =	vld.idx.msk [tilespmem:v58+s15+$0x0], $0xffff;
	[tilespmem:v11+s20+$0x0] =	vst.idx.msk $0xffff, v7;
	v4 =	vadd.f32 v53, v52  }
0x2b1: {  	v58 =	vor.u32 v36, v31;
	v52 =	vor.u32 v25, v39;
	v10 =	vld.idx.msk [tilespmem:v10+s12+$0x0], $0xffff  }
0x2b2: {  	v53 =	vor.u32 v41, v21;
	v9 =	vld.idx.msk [tilespmem:v63+s15+$0x0], $0xffff;
	v8 =	vadd.f32 v60, v14;
	[tilespmem:v48+s20+$0x0] =	vst.idx.msk $0xffff, v4  }
0x2b3: {  	v60 =	vor.u32 v18, v2;
	v62 =	vld.idx.msk [tilespmem:v12+s12+$0x0], $0xffff  }
0x2b4: {  	v1 =	vadd.f32 v42, v1;
	[tilespmem:v49+s20+$0x0] =	vst.idx.msk $0xffff, v8;
	v63 =	vld.idx.msk [tilespmem:v50+s15+$0x0], $0xffff  }
0x2b5: {  	v2 =	vor.u32 v19, v2;
	v48 =	vor.u32 v41, v23;
	v49 =	vld.idx.msk [tilespmem:v12+s12+$0x0], $0xffff  }
0x2b6: {  	v7 =	vadd.f32 v51, v45;
	v44 =	vld.idx.msk [tilespmem:v58+s15+$0x0], $0xffff;
	[tilespmem:v52+s20+$0x0] =	vst.idx.msk $0xffff, v1;
	v1 =	vshll.u32 v41, $0x7  }
0x2b7: {  	v51 =	vor.u32 v41, v24;
	v50 =	vld.idx.msk [tilespmem:v53+s15+$0x0], $0xffff;
	v41 =	vor.u32 s25, v59;
	v52 =	vor.u32 v20, v1  }
0x2b8: {  	v9 =	vadd.f32 v9, v10;
	v10 =	vor.u32 v16, v41;
	[tilespmem:v60+s20+$0x0] =	vst.idx.msk $0xffff, v7;
	v4 =	vld.idx.msk [tilespmem:v37+s12+$0x0], $0xffff  }
0x2b9: {  	v46 =	vor.u32 v29, v35;
	v31 =	vor.u32 v34, v31;
	v59 =	vor.u32 v41, v22;
	v58 =	vld.idx.msk [tilespmem:v12+s12+$0x0], $0xffff  }
0x2ba: {  	v53 =	vor.u32 v17, v1;
	[tilespmem:v2+s20+$0x0] =	vst.idx.msk $0xffff, v9;
	v2 =	vld.idx.msk [tilespmem:v48+s15+$0x0], $0xffff;
	v6 =	vadd.f32 v63, v62  }
0x2bb: {  	v60 =	vor.u32 v26, v39;
	v12 =	vld.idx.msk [tilespmem:v12+s12+$0x0], $0xffff  }
0x2bc: {  	v62 =	vor.u32 v41, v21;
	v13 =	vld.idx.msk [tilespmem:v51+s15+$0x0], $0xffff;
	v5 =	vadd.f32 v44, v5;
	[tilespmem:v52+s20+$0x0] =	vst.idx.msk $0xffff, v6  }
0x2bd: {  	v63 =	vor.u32 v36, v28;
	v11 =	vadd.f32 v50, v49;
	v48 =	vld.idx.msk [tilespmem:v10+s12+$0x0], $0xffff  }
0x2be: {  	v47 =	vor.u32 v18, v1;
	[tilespmem:v46+s20+$0x0] =	vst.idx.msk $0xffff, v5;
	v49 =	vld.idx.msk [tilespmem:v59+s15+$0x0], $0xffff  }
0x2bf: {  	v3 =	vadd.f32 v40, v3;
	[tilespmem:v53+s20+$0x0] =	vst.idx.msk $0xffff, v11;
	v31 =	vld.idx.msk [tilespmem:v31+s15+$0x0], $0xffff  }
0x2c0: {  	v1 =	vor.u32 v19, v1;
	v50 =	vor.u32 v41, v23;
	v51 =	vld.idx.msk [tilespmem:v10+s12+$0x0], $0xffff  }
0x2c1: {  	[tilespmem:v60+s20+$0x0] =	vst.idx.msk $0xffff, v3;
	v3 =	vshll.u32 v41, $0x7;
	v52 =	vld.idx.msk [tilespmem:v62+s15+$0x0], $0xffff;
	v2 =	vadd.f32 v2, v58  }
0x2c2: {  	v54 =	vor.u32 s25, v54;
	v53 =	vor.u32 v41, v24;
	v58 =	vor.u32 v20, v3;
	v14 =	vld.idx.msk [tilespmem:v63+s15+$0x0], $0xffff  }
0x2c3: {  	v63 =	vor.u32 v36, v27;
	v12 =	vadd.f32 v13, v12;
	[tilespmem:v47+s20+$0x0] =	vst.idx.msk $0xffff, v2;
	v2 =	vld.idx.msk [tilespmem:v37+s12+$0x0], $0xffff  }
0x2c4: {  	v13 =	vor.u32 v16, v54;
	v60 =	vld.idx.msk [tilespmem:v10+s12+$0x0], $0xffff  }
0x2c5: {  	v59 =	vor.u32 v17, v3;
	v62 =	vor.u32 v54, v22;
	[tilespmem:v1+s20+$0x0] =	vst.idx.msk $0xffff, v12;
	v1 =	vld.idx.msk [tilespmem:v50+s15+$0x0], $0xffff  }
0x2c6: {  	v7 =	vadd.f32 v49, v48;
	v10 =	vld.idx.msk [tilespmem:v10+s12+$0x0], $0xffff  }
0x2c7: {  	v45 =	vor.u32 v54, v21;
	v9 =	vld.idx.msk [tilespmem:v53+s15+$0x0], $0xffff  }
0x2c8: {  	v47 =	vor.u32 v18, v3;
	v8 =	vadd.f32 v52, v51;
	v11 =	vld.idx.msk [tilespmem:v63+s15+$0x0], $0xffff;
	[tilespmem:v58+s20+$0x0] =	vst.idx.msk $0xffff, v7  }
0x2c9: {  	v48 =	vld.idx.msk [tilespmem:v13+s12+$0x0], $0xffff  }
0x2ca: {  	v3 =	vor.u32 v19, v3;
	v50 =	vor.u32 v54, v23;
	[tilespmem:v59+s20+$0x0] =	vst.idx.msk $0xffff, v8;
	v49 =	vld.idx.msk [tilespmem:v62+s15+$0x0], $0xffff  }
0x2cb: {  	v52 =	vshll.u32 v54, $0x7;
	v51 =	vld.idx.msk [tilespmem:v13+s12+$0x0], $0xffff;
	v1 =	vadd.f32 v1, v60  }
0x2cc: {  	v55 =	vor.u32 s25, v55;
	v54 =	vor.u32 v54, v24;
	v53 =	vor.u32 v20, v52;
	v12 =	vld.idx.msk [tilespmem:v45+s15+$0x0], $0xffff  }
0x2cd: {  	v9 =	vadd.f32 v9, v10;
	v10 =	vor.u32 v16, v55;
	[tilespmem:v47+s20+$0x0] =	vst.idx.msk $0xffff, v1;
	v1 =	vld.idx.msk [tilespmem:v33+s12+$0x0], $0xffff  }
0x2ce: {  	v58 =	vor.u32 v17, v52;
	v60 =	vor.u32 v55, v22;
	v59 =	vld.idx.msk [tilespmem:v13+s12+$0x0], $0xffff  }
0x2cf: {  	[tilespmem:v3+s20+$0x0] =	vst.idx.msk $0xffff, v9;
	v3 =	vor.u32 v25, v35;
	v8 =	vld.idx.msk [tilespmem:v50+s15+$0x0], $0xffff;
	v6 =	vadd.f32 v49, v48  }
0x2d0: {  	v62 =	vor.u32 v55, v21;
	v9 =	vld.idx.msk [tilespmem:v13+s12+$0x0], $0xffff  }
0x2d1: {  	v46 =	vor.u32 v26, v35;
	v5 =	vld.idx.msk [tilespmem:v54+s15+$0x0], $0xffff;
	v12 =	vadd.f32 v12, v51;
	[tilespmem:v53+s20+$0x0] =	vst.idx.msk $0xffff, v6  }
0x2d2: {  	v4 =	vadd.f32 v14, v4;
	v37 =	vld.idx.msk [tilespmem:v10+s12+$0x0], $0xffff  }
0x2d3: {  	v36 =	vshll.u32 v55, $0x7;
	v63 =	vor.u32 v18, v52;
	[tilespmem:v58+s20+$0x0] =	vst.idx.msk $0xffff, v12;
	v47 =	vld.idx.msk [tilespmem:v60+s15+$0x0], $0xffff  }
0x2d4: {  	v2 =	vadd.f32 v11, v2;
	[tilespmem:v3+s20+$0x0] =	vst.idx.msk $0xffff, v4;
	v3 =	vor.u32 v19, v52;
	v12 =	vld.idx.msk [tilespmem:v10+s12+$0x0], $0xffff  }
0x2d5: {  	v50 =	vor.u32 s25, v56;
	v48 =	vor.u32 v55, v23;
	v49 =	vor.u32 v55, v24;
	v6 =	vld.idx.msk [tilespmem:v62+s15+$0x0], $0xffff  }
0x2d6: {  	v13 =	vshll.u32 v34, $0x7;
	[tilespmem:v46+s20+$0x0] =	vst.idx.msk $0xffff, v2;
	v51 =	vor.u32 v20, v36;
	v8 =	vadd.f32 v8, v59  }
0x2d7: {  	v55 =	vor.u32 v29, v13;
	v29 =	vld.idx.msk [tilespmem:v33+s12+$0x0], $0xffff;
	v52 =	vor.u32 v17, v36;
	v5 =	vadd.f32 v5, v9  }
0x2d8: {  	v35 =	vor.u32 v16, v50;
	v45 =	vor.u32 v30, v13;
	v30 =	vld.idx.msk [tilespmem:v33+s12+$0x0], $0xffff;
	[tilespmem:v63+s20+$0x0] =	vst.idx.msk $0xffff, v8  }
0x2d9: {  	v54 =	vor.u32 v50, v22;
	v53 =	vld.idx.msk [tilespmem:v10+s12+$0x0], $0xffff;
	[tilespmem:v3+s20+$0x0] =	vst.idx.msk $0xffff, v5;
	v3 =	vadd.f32 v47, v37  }
0x2da: {  	v32 =	vadd.f32 v38, v32;
	v27 =	vor.u32 v34, v27;
	v4 =	vld.idx.msk [tilespmem:v48+s15+$0x0], $0xffff;
	v2 =	vadd.f32 v6, v12  }
0x2db: {  	v56 =	vor.u32 v50, v21;
	v1 =	vadd.f32 v31, v1;
	v58 =	vld.idx.msk [tilespmem:v10+s12+$0x0], $0xffff;
	[tilespmem:v51+s20+$0x0] =	vst.idx.msk $0xffff, v3  }
0x2dc: {  	v59 =	vld.idx.msk [tilespmem:v49+s15+$0x0], $0xffff;
	v3 =	vor.u32 v34, v28;
	[tilespmem:v52+s20+$0x0] =	vst.idx.msk $0xffff, v2;
	v2 =	vor.u32 v18, v36  }
0x2dd: {  	v26 =	vor.u32 v26, v13;
	v25 =	vor.u32 v25, v13;
	v62 =	vor.u32 v19, v36;
	v60 =	vld.idx.msk [tilespmem:v35+s12+$0x0], $0xffff  }
0x2de: {  	v63 =	vor.u32 v50, v23;
	[tilespmem:v55+s20+$0x0] =	vst.idx.msk $0xffff, v1;
	v1 =	vshll.u32 v50, $0x7;
	v11 =	vld.idx.msk [tilespmem:v54+s15+$0x0], $0xffff  }
0x2df: {  	[tilespmem:v45+s20+$0x0] =	vst.idx.msk $0xffff, v32;
	v44 =	vor.u32 v20, v1;
	v38 =	vld.idx.msk [tilespmem:v35+s12+$0x0], $0xffff;
	v4 =	vadd.f32 v4, v53  }
0x2e0: {  	v43 =	vor.u32 v17, v1;
	v37 =	vor.u32 v50, v24;
	v34 =	vor.u32 v19, v1;
	v40 =	vld.idx.msk [tilespmem:v56+s15+$0x0], $0xffff  }
0x2e1: {  	v36 =	vor.u32 s25, v57;
	v31 =	vld.idx.msk [tilespmem:v3+s15+$0x0], $0xffff;
	v3 =	vadd.f32 v59, v58;
	[tilespmem:v2+s20+$0x0] =	vst.idx.msk $0xffff, v4  }
0x2e2: {  	v28 =	vor.u32 v18, v1;
	v32 =	vor.u32 v16, v36;
	v46 =	vor.u32 v36, v22;
	v33 =	vld.idx.msk [tilespmem:v35+s12+$0x0], $0xffff  }
0x2e3: {  	s29 =	simm.s32 $0x80;
	v0 =	vlaneseq.u32;
	s28 =	simm.s32 $0x4;
	v41 =	vor.u32 v36, v21;
	v45 =	vadd.f32 v11, v60;
	v39 =	vld.idx.msk [tilespmem:v63+s15+$0x0], $0xffff;
	[tilespmem:v62+s20+$0x0] =	vst.idx.msk $0xffff, v3  }
.LBB2_9:
0x2e4: {  	v1 =	vld.idx.msk [tilespmem:v35+s12+$0x0], $0xffff  }
0x2e5: {  	v3 =	vld.idx.msk [tilespmem:v37+s15+$0x0], $0xffff  }
0x2e6: {  	v14 =	vld [tilespmem:$0x1FFE0]  }
0x2e7: {  	v53 =	vld.idx.msk [tilespmem:v27+s15+$0x0], $0xffff  }
0x2e8: {  	s0 =	sand.u32 $0x40, s29;
	s26 =	sadd.s32 $0x8, s26;
	v15 =	vld [tilespmem:$0x1FFF0];
	v4 =	vadd.f32 v40, v38;
	[tilespmem:v44+s20+$0x0] =	vst.idx.msk $0xffff, v45  }
0x2e9: {  	v49 =	vor.u32 v36, v24;
	v2 =	vor.u32 v36, v23;
	s30 =	sand.u32 $0x30, s26;
	v42 =	vor.u32 s0, v0;
	s3 =	sor.u32 $0x30, s0;
	v6 =	vld.idx.msk [tilespmem:v32+s12+$0x0], $0xffff  }
0x2ea: {  	v11 =	vshll.u32 v36, $0x7;
	s1 =	sor.u32 $0x10, s0;
	v5 =	vor.u32 s30, v0;
	v55 =	vor.u32 s3, v0;
	v62 =	vld.idx.msk [tilespmem:v46+s15+$0x0], $0xffff;
	[tilespmem:v43+s20+$0x0] =	vst.idx.msk $0xffff, v4  }
0x2eb: {  	v44 =	vor.u32 s1, v0;
	v7 =	vor.u32 v16, v5;
	v35 =	vshll.u32 v55, $0x7;
	v9 =	vld.idx.msk [tilespmem:v32+s12+$0x0], $0xffff  }
0x2ec: {  	s0 =	sor.u32 $0x20, s0;
	v56 =	vshll.u32 v44, $0x7;
	v8 =	vor.u32 v5, v35;
	v12 =	vld.idx.msk [tilespmem:v41+s15+$0x0], $0xffff;
	v33 =	vadd.f32 v39, v33  }
0x2ed: {  	v45 =	vor.u32 s0, v0;
	v10 =	vor.u32 v5, v56;
	v59 =	vor.u32 s25, v15;
	v15 =	vld [tilespmem:$0x1FF20]  }
0x2ee: {  	v36 =	vor.u32 v20, v11;
	v46 =	vshll.u32 v42, $0x7;
	v47 =	vshll.u32 v45, $0x7;
	[tilespmem:v28+s20+$0x0] =	vst.idx.msk $0xffff, v33;
	v33 =	vld [tilespmem:$0x1FF10]  }
0x2ef: {  	v52 =	vor.u32 v19, v11;
	v27 =	vor.u32 v5, v46;
	v13 =	vor.u32 v5, v47;
	v54 =	vld.idx.msk [tilespmem:v32+s12+$0x0], $0xffff  }
0x2f0: {  	v39 =	vor.u32 v17, v11;
	v14 =	vor.u32 s25, v14;
	v1 =	vadd.f32 v3, v1;
	v7 =	vld.idx.msk [tilespmem:v7+s12+$0x0], $0xffff  }
0x2f1: {  	v5 =	vshll.u32 v5, $0x7;
	v38 =	vor.u32 v16, v14;
	v3 =	vor.u32 v14, v22;
	v8 =	vld.idx.msk [tilespmem:v8+s15+$0x0], $0xffff  }
0x2f2: {  	v4 =	vadd.f32 v62, v6;
	[tilespmem:v34+s20+$0x0] =	vst.idx.msk $0xffff, v1;
	v1 =	vor.u32 v18, v11;
	v63 =	vld.idx.msk [tilespmem:v10+s15+$0x0], $0xffff  }
0x2f3: {  	v2 =	vld.idx.msk [tilespmem:v2+s15+$0x0], $0xffff;
	v9 =	vadd.f32 v12, v9;
	v12 =	vor.u32 v55, v5;
	v11 =	vor.u32 s30, v33  }
0x2f4: {  	v34 =	vor.u32 v44, v5;
	v10 =	vld.idx.msk [tilespmem:v13+s15+$0x0], $0xffff;
	v28 =	vor.u32 v16, v11  }
0x2f5: {  	v51 =	vor.u32 v14, v21;
	[tilespmem:v36+s20+$0x0] =	vst.idx.msk $0xffff, v4;
	v27 =	vld.idx.msk [tilespmem:v27+s15+$0x0], $0xffff;
	v37 =	vor.u32 v11, v35  }
0x2f6: {  	v4 =	vor.u32 v42, v5;
	v5 =	vor.u32 v45, v5;
	v13 =	vld.idx.msk [tilespmem:v38+s12+$0x0], $0xffff;
	v8 =	vadd.f32 v8, v7  }
0x2f7: {  	v48 =	vshll.u32 v14, $0x7;
	v50 =	vor.u32 v14, v23;
	v3 =	vld.idx.msk [tilespmem:v3+s15+$0x0], $0xffff;
	v6 =	vadd.f32 v63, v7  }
0x2f8: {  	v60 =	vor.u32 v20, v48;
	v58 =	vld.idx.msk [tilespmem:v32+s12+$0x0], $0xffff;
	v36 =	vor.u32 v11, v56;
	[tilespmem:v12+s20+$0x0] =	vst.idx.msk $0xffff, v8  }
0x2f9: {  	v40 =	vor.u32 v11, v47;
	v10 =	vadd.f32 v10, v7;
	[tilespmem:v34+s20+$0x0] =	vst.idx.msk $0xffff, v6;
	v6 =	vld.idx.msk [tilespmem:v28+s12+$0x0], $0xffff  }
0x2fa: {  	v41 =	vor.u32 v14, v24;
	v33 =	vor.u32 v16, v59;
	v43 =	vor.u32 v11, v46;
	v62 =	vld.idx.msk [tilespmem:v37+s15+$0x0], $0xffff  }
0x2fb: {  	v7 =	vadd.f32 v27, v7;
	v34 =	vor.u32 v59, v22;
	[tilespmem:v5+s20+$0x0] =	vst.idx.msk $0xffff, v10;
	v10 =	vld.idx.msk [tilespmem:v28+s12+$0x0], $0xffff  }
0x2fc: {  	v63 =	vshll.u32 v11, $0x7;
	v3 =	vadd.f32 v3, v13;
	[tilespmem:v39+s20+$0x0] =	vst.idx.msk $0xffff, v9;
	v32 =	vld.idx.msk [tilespmem:v28+s12+$0x0], $0xffff  }
0x2fd: {  	v2 =	vadd.f32 v2, v54;
	v14 =	vor.u32 v44, v63;
	[tilespmem:v4+s20+$0x0] =	vst.idx.msk $0xffff, v7;
	v11 =	vld.idx.msk [tilespmem:v36+s15+$0x0], $0xffff  }
0x2fe: {  	v4 =	vor.u32 v55, v63;
	[tilespmem:v60+s20+$0x0] =	vst.idx.msk $0xffff, v3;
	v3 =	vor.u32 s30, v61;
	v36 =	vld.idx.msk [tilespmem:v40+s15+$0x0], $0xffff  }
0x2ff: {  	v12 =	vor.u32 v42, v63;
	v9 =	vor.u32 v45, v63;
	v60 =	vld.idx.msk [tilespmem:v28+s12+$0x0], $0xffff;
	v13 =	vor.u32 v16, v3  }
0x300: {  	[tilespmem:v1+s20+$0x0] =	vst.idx.msk $0xffff, v2;
	v27 =	vor.u32 v3, v56;
	v8 =	vld.idx.msk [tilespmem:v34+s15+$0x0], $0xffff;
	v34 =	vor.u32 v3, v35  }
0x301: {  	v7 =	vld.idx.msk [tilespmem:v33+s12+$0x0], $0xffff;
	v40 =	vor.u32 v3, v47;
	v5 =	vadd.f32 v62, v6;
	v6 =	vshll.u32 v59, $0x7  }
0x302: {  	v61 =	vor.u32 v3, v46;
	v62 =	vor.u32 s25, v15;
	v15 =	vld.idx.msk [tilespmem:v43+s15+$0x0], $0xffff;
	v63 =	vor.u32 v20, v6  }
0x303: {  	v1 =	vshll.u32 v3, $0x7;
	v10 =	vadd.f32 v11, v10;
	v3 =	vadd.f32 v36, v32;
	v36 =	vld [tilespmem:$0x1FFD0];
	[tilespmem:v4+s20+$0x0] =	vst.idx.msk $0xffff, v5  }
0x304: {  	v28 =	vor.u32 v16, v62;
	v4 =	vld.idx.msk [tilespmem:v13+s12+$0x0], $0xffff  }
0x305: {  	v57 =	vor.u32 v17, v48;
	v5 =	vor.u32 v62, v22;
	[tilespmem:v14+s20+$0x0] =	vst.idx.msk $0xffff, v10;
	v10 =	vld.idx.msk [tilespmem:v34+s15+$0x0], $0xffff  }
0x306: {  	v54 =	vor.u32 v18, v48;
	v37 =	vor.u32 v19, v48;
	v7 =	vadd.f32 v8, v7;
	v8 =	vld.idx.msk [tilespmem:v13+s12+$0x0], $0xffff  }
0x307: {  	v39 =	vor.u32 v59, v23;
	v48 =	vor.u32 v55, v1;
	s25 =	smov.u32 s30;
	[tilespmem:v9+s20+$0x0] =	vst.idx.msk $0xffff, v3;
	v2 =	vld.idx.msk [tilespmem:v27+s15+$0x0], $0xffff  }
0x308: {  	v43 =	vor.u32 v59, v21;
	v22 =	vmov v35;
	v9 =	vld.idx.msk [tilespmem:v13+s12+$0x0], $0xffff;
	[tilespmem:v63+s20+$0x0] =	vst.idx.msk $0xffff, v7;
	v11 =	vor.u32 s25, v36  }
0x309: {  	v34 =	vor.u32 v59, v24;
	v15 =	vadd.f32 v15, v60;
	v27 =	vld.idx.msk [tilespmem:v28+s12+$0x0], $0xffff;
	v59 =	vor.u32 v16, v11  }
0x30a: {  	v3 =	vld.idx.msk [tilespmem:v5+s15+$0x0], $0xffff;
	v5 =	vor.u32 v44, v1;
	v32 =	vor.u32 v11, v22  }
0x30b: {  	[tilespmem:v12+s20+$0x0] =	vst.idx.msk $0xffff, v15;
	v12 =	vld.idx.msk [tilespmem:v40+s15+$0x0], $0xffff;
	v4 =	vadd.f32 v10, v4  }
0x30c: {  	v13 =	vld.idx.msk [tilespmem:v13+s12+$0x0], $0xffff  }
0x30d: {  	v15 =	vor.u32 v11, v56;
	v61 =	vld.idx.msk [tilespmem:v61+s15+$0x0], $0xffff;
	v2 =	vadd.f32 v2, v8;
	[tilespmem:v48+s20+$0x0] =	vst.idx.msk $0xffff, v4  }
0x30e: {  	v35 =	vor.u32 v62, v21;
	v7 =	vor.u32 v42, v1;
	v4 =	vld.idx.msk [tilespmem:v59+s12+$0x0], $0xffff  }
0x30f: {  	v1 =	vor.u32 v45, v1;
	v10 =	vshll.u32 v62, $0x7;
	[tilespmem:v5+s20+$0x0] =	vst.idx.msk $0xffff, v2;
	v2 =	vld.idx.msk [tilespmem:v32+s15+$0x0], $0xffff  }
0x310: {  	v3 =	vadd.f32 v3, v27;
	v27 =	vor.u32 v62, v24;
	v32 =	vor.u32 v62, v23;
	v62 =	vld [tilespmem:$0x1FF40]  }
0x311: {  	v20 =	vor.u32 v20, v10;
	v5 =	vld.idx.msk [tilespmem:v59+s12+$0x0], $0xffff  }
0x312: {  	v60 =	vor.u32 v11, v47;
	v63 =	vor.u32 v11, v46;
	v8 =	vshll.u32 v11, $0x7;
	v11 =	vld.idx.msk [tilespmem:v15+s15+$0x0], $0xffff  }
0x313: {  	v9 =	vadd.f32 v12, v9;
	v15 =	vld.idx.msk [tilespmem:v49+s15+$0x0], $0xffff  }
0x314: {  	v13 =	vadd.f32 v61, v13;
	v61 =	vld [tilespmem:$0x1FF30]  }
0x315: {  	v36 =	vor.u32 v19, v6;
	v40 =	vor.u32 v18, v6;
	[tilespmem:v1+s20+$0x0] =	vst.idx.msk $0xffff, v9;
	v1 =	vld.idx.msk [tilespmem:v38+s12+$0x0], $0xffff  }
0x316: {  	v48 =	vor.u32 v17, v6;
	v6 =	vadd.f32 v31, v30;
	[tilespmem:v20+s20+$0x0] =	vst.idx.msk $0xffff, v3;
	v31 =	vld.idx.msk [tilespmem:v59+s12+$0x0], $0xffff  }
0x317: {  	v9 =	vor.u32 v44, v8;
	v20 =	vmov v55;
	[tilespmem:v7+s20+$0x0] =	vst.idx.msk $0xffff, v13;
	v13 =	vld.idx.msk [tilespmem:v60+s15+$0x0], $0xffff  }
0x318: {  	v60 =	vld [tilespmem:$0x1FF70];
	v14 =	vor.u32 v20, v8  }
0x319: {  	v21 =	vmov v56;
	v56 =	vld.idx.msk [tilespmem:v63+s15+$0x0], $0xffff  }
0x31a: {  	v63 =	vld [tilespmem:$0x1FF80];
	v12 =	vor.u32 s25, v62;
	v5 =	vadd.f32 v11, v5  }
0x31b: {  	v2 =	vadd.f32 v2, v4;
	v4 =	vld.idx.msk [tilespmem:v59+s12+$0x0], $0xffff;
	v30 =	vor.u32 v16, v12  }
0x31c: {  	v3 =	vor.u32 v42, v8;
	v59 =	vld [tilespmem:$0x1FF60];
	v23 =	vor.u32 v12, v22;
	[tilespmem:v9+s20+$0x0] =	vst.idx.msk $0xffff, v5  }
0x31d: {  	v8 =	vor.u32 v45, v8;
	[tilespmem:v14+s20+$0x0] =	vst.idx.msk $0xffff, v2;
	v14 =	vadd.f32 v15, v58;
	v58 =	vld [tilespmem:$0x1FF50]  }
0x31e: {  	v15 =	vld.idx.msk [tilespmem:v51+s15+$0x0], $0xffff  }
0x31f: {  	v55 =	vor.u32 v12, v47;
	v51 =	vld [tilespmem:$0x1FFB0]  }
0x320: {  	v7 =	vor.u32 v12, v21;
	v13 =	vadd.f32 v13, v31;
	v11 =	vld.idx.msk [tilespmem:v30+s12+$0x0], $0xffff  }
0x321: {  	[tilespmem:v25+s20+$0x0] =	vst.idx.msk $0xffff, v6;
	v5 =	vld.idx.msk [tilespmem:v23+s15+$0x0], $0xffff  }
0x322: {  	v53 =	vadd.f32 v53, v29;
	v29 =	vor.u32 v17, v10;
	[tilespmem:v8+s20+$0x0] =	vst.idx.msk $0xffff, v13;
	v9 =	vld.idx.msk [tilespmem:v30+s12+$0x0], $0xffff  }
0x323: {  	v17 =	vmovc v44;
	v49 =	vor.u32 v12, v46;
	v2 =	vor.u32 v19, v10;
	v19 =	vmov v42;
	v42 =	vld.idx.msk [tilespmem:v30+s12+$0x0], $0xffff  }
0x324: {  	v12 =	vshll.u32 v12, $0x7;
	v10 =	vor.u32 v18, v10;
	v18 =	vmovc v45;
	v4 =	vadd.f32 v56, v4;
	v56 =	vld.idx.msk [tilespmem:v55+s15+$0x0], $0xffff  }
0x325: {  	v6 =	vor.u32 v19, v12;
	[tilespmem:v52+s20+$0x0] =	vst.idx.msk $0xffff, v14;
	v7 =	vld.idx.msk [tilespmem:v7+s15+$0x0], $0xffff;
	v14 =	vor.u32 v20, v12  }
0x326: {  	v25 =	vmovc v10;
	v13 =	vor.u32 v17, v12;
	v8 =	vld.idx.msk [tilespmem:v38+s12+$0x0], $0xffff;
	v12 =	vor.u32 v18, v12;
	v10 =	vor.u32 s25, v58  }
0x327: {  	v23 =	vmov v47;
	v47 =	vld [tilespmem:$0x1FFA0];
	[tilespmem:v3+s20+$0x0] =	vst.idx.msk $0xffff, v4;
	v31 =	vor.u32 v16, v10  }
0x328: {  	v52 =	vor.u32 v10, v22;
	v5 =	vadd.f32 v5, v11;
	v11 =	vld.idx.msk [tilespmem:v30+s12+$0x0], $0xffff  }
0x329: {  	[tilespmem:v26+s20+$0x0] =	vst.idx.msk $0xffff, v53;
	v4 =	vadd.f32 v56, v42;
	v53 =	vld.idx.msk [tilespmem:v50+s15+$0x0], $0xffff  }
0x32a: {  	v49 =	vld.idx.msk [tilespmem:v49+s15+$0x0], $0xffff;
	[tilespmem:v14+s20+$0x0] =	vst.idx.msk $0xffff, v5  }
0x32b: {  	v3 =	vor.u32 v10, v21;
	v7 =	vadd.f32 v7, v9;
	[tilespmem:v12+s20+$0x0] =	vst.idx.msk $0xffff, v4;
	v4 =	vld.idx.msk [tilespmem:v38+s12+$0x0], $0xffff  }
0x32c: {  	v26 =	vmov v2;
	v2 =	vld.idx.msk [tilespmem:v31+s12+$0x0], $0xffff  }
0x32d: {  	v1 =	vadd.f32 v15, v1;
	v45 =	vor.u32 v10, v23;
	[tilespmem:v13+s20+$0x0] =	vst.idx.msk $0xffff, v7;
	v5 =	vld.idx.msk [tilespmem:v52+s15+$0x0], $0xffff  }
0x32e: {  	v24 =	vmov v46;
	v7 =	vld.idx.msk [tilespmem:v31+s12+$0x0], $0xffff  }
0x32f: {  	v30 =	vor.u32 v10, v24;
	[tilespmem:v57+s20+$0x0] =	vst.idx.msk $0xffff, v1;
	v52 =	vld [tilespmem:$0x1FFC0];
	v1 =	vshll.u32 v10, $0x7  }
0x330: {  	v10 =	vor.u32 s25, v60;
	v3 =	vld.idx.msk [tilespmem:v3+s15+$0x0], $0xffff;
	v56 =	vor.u32 v20, v1;
	v11 =	vadd.f32 v49, v11  }
0x331: {  	v38 =	vld.idx.msk [tilespmem:v31+s12+$0x0], $0xffff;
	v15 =	vor.u32 v16, v10  }
0x332: {  	v55 =	vor.u32 v17, v1;
	v57 =	vor.u32 v10, v22;
	v49 =	vld.idx.msk [tilespmem:v45+s15+$0x0], $0xffff;
	[tilespmem:v6+s20+$0x0] =	vst.idx.msk $0xffff, v11  }
0x333: {  	v2 =	vadd.f32 v5, v2;
	v50 =	vld.idx.msk [tilespmem:v31+s12+$0x0], $0xffff  }
0x334: {  	v30 =	vld.idx.msk [tilespmem:v30+s15+$0x0], $0xffff  }
0x335: {  	v6 =	vor.u32 v10, v21;
	v46 =	vld.idx.msk [tilespmem:v41+s15+$0x0], $0xffff;
	v3 =	vadd.f32 v3, v7;
	[tilespmem:v56+s20+$0x0] =	vst.idx.msk $0xffff, v2  }
0x336: {  	v9 =	vor.u32 v19, v1;
	v1 =	vor.u32 v18, v1;
	v2 =	vld.idx.msk [tilespmem:v15+s12+$0x0], $0xffff  }
0x337: {  	v56 =	vadd.f32 v53, v8;
	[tilespmem:v55+s20+$0x0] =	vst.idx.msk $0xffff, v3;
	v3 =	vld.idx.msk [tilespmem:v57+s15+$0x0], $0xffff  }
0x338: {  	v44 =	vor.u32 v10, v23;
	v8 =	vld.idx.msk [tilespmem:v15+s12+$0x0], $0xffff  }
0x339: {  	v42 =	vadd.f32 v49, v38;
	v57 =	vshll.u32 v10, $0x7;
	[tilespmem:v54+s20+$0x0] =	vst.idx.msk $0xffff, v56;
	v54 =	vld [tilespmem:$0x1FF90]  }
0x33a: {  	v12 =	vor.u32 s25, v63;
	v31 =	vor.u32 v10, v24;
	v6 =	vld.idx.msk [tilespmem:v6+s15+$0x0], $0xffff;
	v45 =	vor.u32 v20, v57  }
0x33b: {  	v5 =	vadd.f32 v30, v50;
	v30 =	vor.u32 v16, v12;
	[tilespmem:v1+s20+$0x0] =	vst.idx.msk $0xffff, v42;
	v1 =	vld.idx.msk [tilespmem:v33+s12+$0x0], $0xffff  }
0x33c: {  	v53 =	vor.u32 v12, v22;
	v49 =	vor.u32 v17, v57;
	v50 =	vld.idx.msk [tilespmem:v15+s12+$0x0], $0xffff  }
0x33d: {  	v56 =	vld.idx.msk [tilespmem:v44+s15+$0x0], $0xffff;
	[tilespmem:v9+s20+$0x0] =	vst.idx.msk $0xffff, v5;
	v2 =	vadd.f32 v3, v2  }
0x33e: {  	v55 =	vor.u32 v12, v21;
	v3 =	vld.idx.msk [tilespmem:v15+s12+$0x0], $0xffff  }
0x33f: {  	v7 =	vor.u32 v18, v57;
	v31 =	vld.idx.msk [tilespmem:v31+s15+$0x0], $0xffff;
	v6 =	vadd.f32 v6, v8;
	[tilespmem:v45+s20+$0x0] =	vst.idx.msk $0xffff, v2  }
0x340: {  	v2 =	vld.idx.msk [tilespmem:v30+s12+$0x0], $0xffff  }
0x341: {  	[tilespmem:v49+s20+$0x0] =	vst.idx.msk $0xffff, v6;
	v41 =	vld.idx.msk [tilespmem:v53+s15+$0x0], $0xffff  }
0x342: {  	v11 =	vor.u32 v19, v57;
	v57 =	vor.u32 v12, v23;
	v9 =	vadd.f32 v56, v50;
	v44 =	vld.idx.msk [tilespmem:v30+s12+$0x0], $0xffff  }
0x343: {  	v4 =	vadd.f32 v46, v4;
	v15 =	vor.u32 v12, v24;
	v45 =	vshll.u32 v12, $0x7;
	v5 =	vld.idx.msk [tilespmem:v55+s15+$0x0], $0xffff  }
0x344: {  	v12 =	vor.u32 s25, v59;
	v46 =	vor.u32 v20, v45;
	v49 =	vld.idx.msk [tilespmem:v43+s15+$0x0], $0xffff;
	[tilespmem:v7+s20+$0x0] =	vst.idx.msk $0xffff, v9  }
0x345: {  	v3 =	vadd.f32 v31, v3;
	v31 =	vor.u32 v16, v12;
	v7 =	vld.idx.msk [tilespmem:v33+s12+$0x0], $0xffff  }
0x346: {  	[tilespmem:v37+s20+$0x0] =	vst.idx.msk $0xffff, v4;
	v55 =	vor.u32 v12, v22;
	v53 =	vld.idx.msk [tilespmem:v30+s12+$0x0], $0xffff  }
0x347: {  	v50 =	vor.u32 v17, v45;
	v56 =	vld.idx.msk [tilespmem:v57+s15+$0x0], $0xffff;
	[tilespmem:v11+s20+$0x0] =	vst.idx.msk $0xffff, v3;
	v2 =	vadd.f32 v41, v2  }
0x348: {  	v57 =	vld.idx.msk [tilespmem:v30+s12+$0x0], $0xffff  }
0x349: {  	v3 =	vor.u32 v12, v21;
	v15 =	vld.idx.msk [tilespmem:v15+s15+$0x0], $0xffff;
	[tilespmem:v46+s20+$0x0] =	vst.idx.msk $0xffff, v2  }
0x34a: {  	v4 =	vor.u32 v18, v45;
	v5 =	vadd.f32 v5, v44;
	v2 =	vld.idx.msk [tilespmem:v31+s12+$0x0], $0xffff  }
0x34b: {  	v1 =	vadd.f32 v49, v1;
	v44 =	vld.idx.msk [tilespmem:v55+s15+$0x0], $0xffff  }
0x34c: {  	v10 =	vor.u32 v19, v45;
	v41 =	vor.u32 v12, v23;
	[tilespmem:v50+s20+$0x0] =	vst.idx.msk $0xffff, v5;
	v50 =	vld.idx.msk [tilespmem:v39+s15+$0x0], $0xffff  }
0x34d: {  	v46 =	vadd.f32 v56, v53;
	v45 =	vld.idx.msk [tilespmem:v31+s12+$0x0], $0xffff;
	[tilespmem:v48+s20+$0x0] =	vst.idx.msk $0xffff, v1;
	v1 =	vshll.u32 v12, $0x7  }
0x34e: {  	v30 =	vor.u32 v12, v24;
	v48 =	vor.u32 s25, v54;
	v3 =	vld.idx.msk [tilespmem:v3+s15+$0x0], $0xffff;
	v49 =	vor.u32 v20, v1  }
0x34f: {  	v6 =	vadd.f32 v15, v57;
	v15 =	vor.u32 v16, v48;
	[tilespmem:v4+s20+$0x0] =	vst.idx.msk $0xffff, v46;
	v4 =	vld.idx.msk [tilespmem:v33+s12+$0x0], $0xffff  }
0x350: {  	v53 =	vor.u32 v17, v1;
	v56 =	vor.u32 v48, v22;
	v55 =	vld.idx.msk [tilespmem:v31+s12+$0x0], $0xffff  }
0x351: {  	v42 =	vld.idx.msk [tilespmem:v41+s15+$0x0], $0xffff;
	[tilespmem:v10+s20+$0x0] =	vst.idx.msk $0xffff, v6;
	v2 =	vadd.f32 v44, v2  }
0x352: {  	v43 =	vld.idx.msk [tilespmem:v31+s12+$0x0], $0xffff  }
0x353: {  	v57 =	vor.u32 v48, v21;
	v30 =	vld.idx.msk [tilespmem:v30+s15+$0x0], $0xffff;
	v3 =	vadd.f32 v3, v45;
	[tilespmem:v49+s20+$0x0] =	vst.idx.msk $0xffff, v2  }
0x354: {  	v11 =	vor.u32 v19, v1;
	v1 =	vor.u32 v18, v1;
	v2 =	vld.idx.msk [tilespmem:v15+s12+$0x0], $0xffff  }
0x355: {  	[tilespmem:v53+s20+$0x0] =	vst.idx.msk $0xffff, v3;
	v3 =	vld.idx.msk [tilespmem:v56+s15+$0x0], $0xffff  }
0x356: {  	v44 =	vor.u32 v48, v23;
	v7 =	vadd.f32 v50, v7;
	v53 =	vld.idx.msk [tilespmem:v34+s15+$0x0], $0xffff  }
0x357: {  	v46 =	vshll.u32 v48, $0x7;
	v31 =	vor.u32 v48, v24;
	v48 =	vadd.f32 v42, v55;
	v45 =	vld.idx.msk [tilespmem:v15+s12+$0x0], $0xffff  }
0x358: {  	v50 =	vor.u32 v20, v46;
	[tilespmem:v40+s20+$0x0] =	vst.idx.msk $0xffff, v7;
	v49 =	vor.u32 s25, v47;
	v6 =	vld.idx.msk [tilespmem:v57+s15+$0x0], $0xffff  }
0x359: {  	v33 =	vor.u32 v16, v49;
	v5 =	vadd.f32 v30, v43;
	[tilespmem:v1+s20+$0x0] =	vst.idx.msk $0xffff, v48;
	v1 =	vld.idx.msk [tilespmem:v28+s12+$0x0], $0xffff  }
0x35a: {  	v55 =	vor.u32 v17, v46;
	v56 =	vor.u32 v49, v22;
	v30 =	vld.idx.msk [tilespmem:v15+s12+$0x0], $0xffff  }
0x35b: {  	v40 =	vld.idx.msk [tilespmem:v44+s15+$0x0], $0xffff;
	[tilespmem:v11+s20+$0x0] =	vst.idx.msk $0xffff, v5;
	v2 =	vadd.f32 v3, v2  }
0x35c: {  	v57 =	vor.u32 v49, v21;
	v31 =	vld.idx.msk [tilespmem:v31+s15+$0x0], $0xffff  }
0x35d: {  	v7 =	vor.u32 v18, v46;
	v3 =	vld.idx.msk [tilespmem:v15+s12+$0x0], $0xffff;
	v6 =	vadd.f32 v6, v45;
	[tilespmem:v50+s20+$0x0] =	vst.idx.msk $0xffff, v2  }
0x35e: {  	v2 =	vld.idx.msk [tilespmem:v33+s12+$0x0], $0xffff  }
0x35f: {  	v10 =	vor.u32 v19, v46;
	[tilespmem:v55+s20+$0x0] =	vst.idx.msk $0xffff, v6;
	v42 =	vld.idx.msk [tilespmem:v56+s15+$0x0], $0xffff  }
0x360: {  	v41 =	vor.u32 v49, v23;
	v44 =	vshll.u32 v49, $0x7;
	v45 =	vadd.f32 v40, v30;
	v43 =	vld.idx.msk [tilespmem:v33+s12+$0x0], $0xffff  }
0x361: {  	v46 =	vor.u32 s25, v51;
	v48 =	vor.u32 v20, v44;
	v5 =	vld.idx.msk [tilespmem:v57+s15+$0x0], $0xffff  }
0x362: {  	v15 =	vor.u32 v49, v24;
	v4 =	vadd.f32 v53, v4;
	v49 =	vld.idx.msk [tilespmem:v35+s15+$0x0], $0xffff;
	[tilespmem:v7+s20+$0x0] =	vst.idx.msk $0xffff, v45  }
0x363: {  	v35 =	vor.u32 v16, v46;
	v3 =	vadd.f32 v31, v3;
	v30 =	vld.idx.msk [tilespmem:v28+s12+$0x0], $0xffff  }
0x364: {  	[tilespmem:v36+s20+$0x0] =	vst.idx.msk $0xffff, v4;
	v50 =	vor.u32 v17, v44;
	v9 =	vld.idx.msk [tilespmem:v33+s12+$0x0], $0xffff;
	v31 =	vor.u32 v46, v22  }
0x365: {  	v53 =	vld.idx.msk [tilespmem:v41+s15+$0x0], $0xffff;
	[tilespmem:v10+s20+$0x0] =	vst.idx.msk $0xffff, v3;
	v2 =	vadd.f32 v42, v2  }
0x366: {  	v3 =	vor.u32 v46, v21;
	v55 =	vld.idx.msk [tilespmem:v33+s12+$0x0], $0xffff  }
0x367: {  	v15 =	vld.idx.msk [tilespmem:v15+s15+$0x0], $0xffff;
	v5 =	vadd.f32 v5, v43;
	[tilespmem:v48+s20+$0x0] =	vst.idx.msk $0xffff, v2  }
0x368: {  	v4 =	vor.u32 v18, v44;
	v1 =	vadd.f32 v49, v1;
	v2 =	vld.idx.msk [tilespmem:v35+s12+$0x0], $0xffff  }
0x369: {  	s28 =	sadd.s32 $0x4, s28;
	[tilespmem:v50+s20+$0x0] =	vst.idx.msk $0xffff, v5;
	v57 =	vld.idx.msk [tilespmem:v31+s15+$0x0], $0xffff  }
0x36a: {  	p0 =	slt.u32 s28, $0x1C;
	v11 =	vor.u32 v19, v44;
	v56 =	vor.u32 v46, v23;
	v38 =	vld.idx.msk [tilespmem:v35+s12+$0x0], $0xffff;
	[tilespmem:v29+s20+$0x0] =	vst.idx.msk $0xffff, v1  }
.Ltmp4:
0x36b: {  	v37 =	vor.u32 v46, v24;
	v36 =	vor.u32 s25, v52;
	v40 =	vld.idx.msk [tilespmem:v3+s15+$0x0], $0xffff;
	v3 =	vadd.f32 v53, v9;
	(pc) =	sbr.rel @p0 .LBB2_9-.Ltmp4, $4  }
0x36c: {  	v41 =	vor.u32 v36, v21;
	v31 =	vld.idx.msk [tilespmem:v32+s15+$0x0], $0xffff;
	v32 =	vor.u32 v16, v36;
	v1 =	vshll.u32 v46, $0x7  }
0x36d: {  	v29 =	vld.idx.msk [tilespmem:v28+s12+$0x0], $0xffff;
	v46 =	vor.u32 v36, v22;
	v6 =	vadd.f32 v15, v55;
	[tilespmem:v4+s20+$0x0] =	vst.idx.msk $0xffff, v3  }
0x36e: {  	v34 =	vor.u32 v19, v1;
	v44 =	vor.u32 v20, v1;
	v43 =	vor.u32 v17, v1;
	v33 =	vld.idx.msk [tilespmem:v35+s12+$0x0], $0xffff  }
0x36f: {  	s29 =	sadd.s32 $0x40, s29;
	v28 =	vor.u32 v18, v1;
	[tilespmem:v11+s20+$0x0] =	vst.idx.msk $0xffff, v6;
	v39 =	vld.idx.msk [tilespmem:v56+s15+$0x0], $0xffff;
	v45 =	vadd.f32 v57, v2  }
0x370: {  	_ =	sdelay $0x3  }
0x371: {  	v1 =	vld.idx.msk [tilespmem:v35+s12+$0x0], $0xffff  }
0x372: {  	v2 =	vld.idx.msk [tilespmem:v37+s15+$0x0], $0xffff;
	v3 =	vadd.f32 v40, v38;
	[tilespmem:v44+s20+$0x0] =	vst.idx.msk $0xffff, v45  }
0x373: {  	v4 =	vld.idx.msk [tilespmem:v32+s12+$0x0], $0xffff  }
0x374: {  	[tilespmem:v43+s20+$0x0] =	vst.idx.msk $0xffff, v3;
	v3 =	vld.idx.msk [tilespmem:v46+s15+$0x0], $0xffff  }
0x375: {  	v7 =	vadd.f32 v39, v33;
	v33 =	vld [tilespmem:$0x1FFE0]  }
0x376: {  	v6 =	vld.idx.msk [tilespmem:v32+s12+$0x0], $0xffff  }
0x377: {  	v5 =	vor.u32 v36, v23;
	v9 =	vshll.u32 v36, $0x7;
	v10 =	vld.idx.msk [tilespmem:v41+s15+$0x0], $0xffff  }
0x378: {  	v12 =	vor.u32 v20, v9  }
0x379: {  	v8 =	vor.u32 v36, v24;
	v14 =	vor.u32 v17, v9  }
0x37a: {  	v1 =	vadd.f32 v2, v1;
	[tilespmem:v28+s20+$0x0] =	vst.idx.msk $0xffff, v7;
	v11 =	vor.u32 s25, v33  }
0x37b: {  	v7 =	vld.idx.msk [tilespmem:v32+s12+$0x0], $0xffff;
	v3 =	vadd.f32 v3, v4;
	v2 =	vor.u32 v16, v11  }
0x37c: {  	[tilespmem:v34+s20+$0x0] =	vst.idx.msk $0xffff, v1;
	v1 =	vld.idx.msk [tilespmem:v5+s15+$0x0], $0xffff;
	v6 =	vadd.f32 v10, v6;
	v13 =	vor.u32 v11, v22  }
0x37d: {  	v46 =	vld.idx.msk [tilespmem:v32+s12+$0x0], $0xffff;
	[tilespmem:v12+s20+$0x0] =	vst.idx.msk $0xffff, v3  }
0x37e: {  	v8 =	vld.idx.msk [tilespmem:v8+s15+$0x0], $0xffff;
	v48 =	vor.u32 v11, v21;
	[tilespmem:v14+s20+$0x0] =	vst.idx.msk $0xffff, v6  }
0x37f: {  	v15 =	vor.u32 v18, v9;
	v32 =	vld [tilespmem:$0x1FFF0]  }
0x380: {  	v3 =	vor.u32 v19, v9;
	v9 =	vld.idx.msk [tilespmem:v2+s12+$0x0], $0xffff  }
0x381: {  	v12 =	vld.idx.msk [tilespmem:v13+s15+$0x0], $0xffff  }
0x382: {  	v49 =	vshll.u32 v11, $0x7;
	v1 =	vadd.f32 v1, v7;
	v53 =	vld.idx.msk [tilespmem:v2+s12+$0x0], $0xffff  }
0x383: {  	v10 =	vor.u32 v11, v23;
	v55 =	vor.u32 v20, v49;
	v56 =	vld.idx.msk [tilespmem:v48+s15+$0x0], $0xffff  }
0x384: {  	[tilespmem:v15+s20+$0x0] =	vst.idx.msk $0xffff, v1;
	v1 =	vadd.f32 v8, v46  }
0x385: {  	v11 =	vor.u32 v11, v24;
	v35 =	vor.u32 v17, v49  }
0x386: {  	[tilespmem:v3+s20+$0x0] =	vst.idx.msk $0xffff, v1;
	v3 =	vadd.f32 v12, v9  }
0x387: {  	v8 =	vld.idx.msk [tilespmem:v2+s12+$0x0], $0xffff;
	v50 =	vor.u32 s25, v32  }
0x388: {  	v1 =	vld.idx.msk [tilespmem:v10+s15+$0x0], $0xffff;
	v57 =	vor.u32 v16, v50;
	[tilespmem:v55+s20+$0x0] =	vst.idx.msk $0xffff, v3;
	v3 =	vadd.f32 v56, v53  }
0x389: {  	v34 =	vor.u32 v50, v22;
	v2 =	vld.idx.msk [tilespmem:v2+s12+$0x0], $0xffff  }
0x38a: {  	v11 =	vld.idx.msk [tilespmem:v11+s15+$0x0], $0xffff;
	[tilespmem:v35+s20+$0x0] =	vst.idx.msk $0xffff, v3  }
0x38b: {  	v10 =	vor.u32 v50, v21;
	v9 =	vor.u32 v18, v49;
	v0 =	vld [tilespmem:$0x1FF20];
	_ =	sdelay $0x1  }
0x38c: {  	v36 =	vor.u32 v19, v49;
	v38 =	vor.u32 v50, v23;
	v37 =	vld.idx.msk [tilespmem:v57+s12+$0x0], $0xffff  }
0x38d: {  	v1 =	vadd.f32 v1, v8;
	v39 =	vld.idx.msk [tilespmem:v34+s15+$0x0], $0xffff;
	v3 =	vshll.u32 v50, $0x7  }
0x38e: {  	v7 =	vor.u32 v50, v24;
	v40 =	vld.idx.msk [tilespmem:v57+s12+$0x0], $0xffff;
	v41 =	vor.u32 v20, v3  }
0x38f: {  	[tilespmem:v9+s20+$0x0] =	vst.idx.msk $0xffff, v1;
	v1 =	vadd.f32 v11, v2;
	v2 =	vld.idx.msk [tilespmem:v10+s15+$0x0], $0xffff;
	v8 =	vor.u32 s25, v0  }
0x390: {  	v10 =	vld.idx.msk [tilespmem:v57+s12+$0x0], $0xffff;
	v9 =	vor.u32 v16, v8  }
0x391: {  	v42 =	vor.u32 v17, v3;
	[tilespmem:v36+s20+$0x0] =	vst.idx.msk $0xffff, v1;
	v1 =	vld.idx.msk [tilespmem:v38+s15+$0x0], $0xffff;
	v11 =	vor.u32 v8, v22  }
0x392: {  	v43 =	vadd.f32 v39, v37;
	v5 =	vld.idx.msk [tilespmem:v57+s12+$0x0], $0xffff  }
0x393: {  	v44 =	vor.u32 v18, v3;
	v7 =	vld.idx.msk [tilespmem:v7+s15+$0x0], $0xffff;
	v45 =	vor.u32 v8, v21  }
0x394: {  	v46 =	vld.idx.msk [tilespmem:v27+s15+$0x0], $0xffff;
	[tilespmem:v41+s20+$0x0] =	vst.idx.msk $0xffff, v43;
	v2 =	vadd.f32 v2, v40  }
0x395: {  	v3 =	vor.u32 v19, v3;
	v48 =	vor.u32 v8, v23;
	v4 =	vld.idx.msk [tilespmem:v9+s12+$0x0], $0xffff  }
0x396: {  	[tilespmem:v42+s20+$0x0] =	vst.idx.msk $0xffff, v2;
	v1 =	vadd.f32 v1, v10;
	v11 =	vld.idx.msk [tilespmem:v11+s15+$0x0], $0xffff  }
0x397: {  	v2 =	vor.u32 v8, v24;
	v10 =	vld.idx.msk [tilespmem:v9+s12+$0x0], $0xffff  }
0x398: {  	[tilespmem:v44+s20+$0x0] =	vst.idx.msk $0xffff, v1;
	v1 =	vadd.f32 v7, v5;
	v49 =	vld.idx.msk [tilespmem:v45+s15+$0x0], $0xffff  }
0x399: {  	v8 =	vshll.u32 v8, $0x7;
	v53 =	vld.idx.msk [tilespmem:v9+s12+$0x0], $0xffff  }
0x39a: {  	v50 =	vor.u32 v20, v8;
	[tilespmem:v3+s20+$0x0] =	vst.idx.msk $0xffff, v1;
	v1 =	vld.idx.msk [tilespmem:v48+s15+$0x0], $0xffff  }
0x39b: {  	v3 =	vld.idx.msk [tilespmem:v9+s12+$0x0], $0xffff  }
0x39c: {  	v56 =	vadd.f32 v46, v29;
	v9 =	vor.u32 v17, v8;
	v2 =	vld.idx.msk [tilespmem:v2+s15+$0x0], $0xffff  }
0x39d: {  	v55 =	vor.u32 v18, v8;
	v4 =	vadd.f32 v11, v4  }
0x39e: {  	s23 =	sadd.s32 $0x1, s23;
	[tilespmem:v26+s20+$0x0] =	vst.idx.msk $0xffff, v56;
	v57 =	vor.u32 v19, v8;
	v11 =	vadd.f32 v31, v30  }
0x39f: {  	p0 =	sne.s32 s23, $0x64;
	v5 =	vadd.f32 v49, v10;
	[tilespmem:v50+s20+$0x0] =	vst.idx.msk $0xffff, v4  }
.Ltmp5:
0x3a0: {  	s0 =	sshll.u32 s24, $0x12;
	v1 =	vadd.f32 v1, v53;
	[tilespmem:v25+s20+$0x0] =	vst.idx.msk $0xffff, v11;
	(pc) =	sbr.rel @p0 .LBB2_2-.Ltmp5, $4  }
0x3a1: {  	s0 =	sor.u32 s5, s0;
	v2 =	vadd.f32 v2, v3;
	[tilespmem:v9+s20+$0x0] =	vst.idx.msk $0xffff, v5  }
0x3a2: {  	s0 =	sshrl.u32 s0, $0x3;
	[tilespmem:v55+s20+$0x0] =	vst.idx.msk $0xffff, v1  }
0x3a3: {  	s0 =	sadd.s32 s2, s0;
	[tilespmem:v57+s20+$0x0] =	vst.idx.msk $0xffff, v2  }
0x3a4: {  	v0 =	vmov v32;
	[hbm4b:s0+s9] =	stream.strided.scatter [tilespmem:s20], [sflag:$0x4], $0x2000, s10, s9, $0x38;
	v1 =	vld [tilespmem:$0x1FFD0];
	v11 =	vmov v33  }
0x3a5: {  	s22 =	sadd.s32 $0x1, s22  }
0x3a6: {  	_ =	swait.ge [sflag:s21], $0x2000;
	p0 =	sne.s32 s22, s8  }
.Ltmp6:
0x3a7: {  	[sflag:s21] =	ssyncset.done $0x0;
	(pc) =	sbr.rel @p0 .LBB2_1-.Ltmp6, $4  }
0x3a8: {  	[sflag:s21] =	ssyncadd.s32 $0xFFFFE000  }
0x3a9: {  	_ =	swait.ge [sflag:s19], $0x2000  }
0x3aa: {  	[sflag:s19] =	ssyncset.done $0x0  }
0x3ab: {  	[sflag:s19] =	ssyncadd.s32 $0xFFFFE000  }
0x3ac: {  	_ =	sfence.sel $0x180000  }
0x3ad: {  	[bflag:$0x0] =	sbarrier.arrive $0xFFFF  }
0x3ae: {  	_ =	strace $0x90000047  }
0x3af: {  	s0 =	stileid.u32;
	[bflag:$0x2] =	sbarrier.arrive $0xFFFF  }
0x3b0: {  	p0 =	sne.s32 s0, $0x0;
	s0 =	rddreg [dreg:$0x3]  }
0x3b1: {  	s0 =	sadd.s32 @!p0 $0x100000, s0  }
0x3b2: {  	[sflag:s0] =	ssyncadd.tile.s32 @!p0 $0x1;
	_ =	shalt  }
.Lfunc_end2:
_tile_overlayer_lowered:
.L_overlay_start_2:
0x3b3: {  	(tag) =	ssettag $0x2  }
0x3b4: {  	s0 =	rddreg [dreg:$0x0];
	s2 =	stileid.u32  }
0x3b5: {  	s1 =	rddreg [dreg:$0x1];
	p0 =	sne.s32 s2, $0x0  }
0x3b6: {  	s3 =	rddreg [dreg:$0x2];
	[bflag:$0x3] =	sbarrier.arrive $0xFFFF;
	s2 =	simm.s32 @!p0 $0x1C05  }
0x3b7: {  	[timem:s3], [sflag:s2] =	dma.local @!p0 [hbm:s0], s1  }
0x3b8: {  	s0 =	simm.s32 @!p0 $0x5  }
0x3b9: {  	_ =	swait.ge @!p0 [sflag:s0], s1  }
0x3ba: {  	s1 =	ssub.s32 @!p0 $0x0, s1;
	[sflag:s0] =	ssyncset.done @!p0 $0x0  }
0x3bb: {  	[sflag:s0] =	ssyncadd.s32 @!p0 s1  }
0x3bc: {  	[bflag:$0x3] =	sbarrier.arrive $0xFFFF  }
0x3bd: {  	_ =	shalt  }

</sc_bundles>
